<compile_context>
chip_gen: v7x
topology: tpu7x:2x2x1
jax: 0.10.2.dev20260603
libtpu: 0.0.44.dev20260713+nightly
codegen_flags: <defaults>
</compile_context>

<pallas_src>
import functools

import jax
import jax.numpy as jnp
from jax import lax
from jax.experimental import pallas as pl
from jax.experimental.pallas import tpu as pltpu
from jax.experimental.pallas import tpu_sc as plsc


_ROWS = 256


def _loss_body(logits_ref, targets_ref, loss_ref):
    t = targets_ref[0]
    x0 = logits_ref[0, 0]
    nclass = logits_ref.shape[1]
    m = x0
    for ci in range(1, nclass):
        m = jnp.maximum(m, logits_ref[0, ci])
    s = jnp.zeros_like(m)
    xt = jnp.zeros_like(m)
    for ci in range(nclass):
        xc = logits_ref[0, ci]
        s = s + jnp.exp(xc - m)
        xt = xt + jnp.where(t == ci, xc, 0.0)
    loss_ref[0] = (m - xt) + jnp.log(s)


def _compute_loss(logits, targets):
    n, c, h, w = logits.shape
    grid = (n, h // _ROWS)
    return pl.pallas_call(
        _loss_body,
        grid=grid,
        in_specs=[
            pl.BlockSpec((1, c, _ROWS, w), lambda b, r: (b, 0, r, 0)),
            pl.BlockSpec((1, _ROWS, w), lambda b, r: (b, r, 0)),
        ],
        out_specs=pl.BlockSpec((1, _ROWS, w), lambda b, r: (b, r, 0)),
        out_shape=jax.ShapeDtypeStruct((n, h, w), jnp.float32),
    )(logits, targets)



_N = 4 * 512 * 512
_NT = 16
_CH = _N // _NT
_NV = _CH // 16
_L1 = 2048
_L2 = 1024
_MIN_KEPT = 100000
_UNR = 8
_PLW = ((16 * (_L1 + 1) + 127) // 128) * 128
_PL2W = ((16 * (_L2 + 1) + 127) // 128) * 128


def _zero_fill(ref, nwords, dtype=jnp.int32):
    zv = jnp.zeros((16,), dtype)

    def body(i, carry):
        for u in range(_UNR):
            ref[pl.ds((i * _UNR + u) * 16, 16)] = zv
        return carry

    lax.fori_loop(0, nwords // (16 * _UNR), body, 0)


def _iota_fill(ref, nwords):
    base = lax.iota(jnp.int32, 16)

    def body(i, carry):
        for u in range(_UNR):
            ref[pl.ds((i * _UNR + u) * 16, 16)] = base + (i * _UNR + u) * 16
        return carry

    lax.fori_loop(0, nwords // (16 * _UNR), body, 0)


def _plane_reduce_merge(planes_v, lhist_v, iota_ref, hist_s, nbins):

    def body(j, carry):
        acc = planes_v[pl.ds(j * 16, 16)]
        for p in range(1, 16):
            acc = acc + planes_v[pl.ds(p * (nbins + 1) + j * 16, 16)]
        lhist_v[pl.ds(j * 16, 16)] = acc
        return carry

    lax.fori_loop(0, nbins // 16, body, 0)
    pltpu.sync_copy(lhist_v.at[pl.ds(0, nbins)], hist_s.at[iota_ref], add=True)


def _scan_desc(hist_v, nbins, k_rem, val_base=None):
    lane = lax.iota(jnp.int32, 16)

    def body(jj, carry):
        acc, facc, bfound, kfound, cfound, ffound = carry
        j = nbins // 16 - 1 - jj
        v = hist_v[pl.ds(j * 16, 16)]
        rv = lax.rev(v, (0,))
        cs = plsc.cumsum(rv)
        suf = acc + cs
        m = suf >= k_rem
        istar = plsc.all_reduce_ffs(m)
        istar_s = jnp.max(istar)
        hit = jnp.logical_and(istar_s < 16, bfound < 0)
        bchunk = j * 16 + 15 - istar_s
        ii = jnp.minimum(istar, 15)
        isel = lane == ii
        d = cs - rv
        d_s = jnp.sum(jnp.where(isel, d, 0))
        c_s = jnp.sum(jnp.where(isel, cs, 0))
        if val_base is None:
            f_s = jnp.float32(0.0)
            ftot = facc
        else:
            bins_rev = (val_base + j * 16 + 15) - lane
            vals = lax.bitcast_convert_type(bins_rev, jnp.float32)
            cf = plsc.cumsum(vals * rv.astype(jnp.float32))
            f_s = jnp.sum(jnp.where(isel, cf, 0.0))
            ftot = facc + jnp.max(cf)
        bfound = jnp.where(hit, bchunk, bfound)
        kfound = jnp.where(hit, k_rem - (acc + d_s), kfound)
        cfound = jnp.where(hit, acc + c_s, cfound)
        ffound = jnp.where(hit, facc + f_s, ffound)
        total = acc + jnp.max(cs)
        return total, ftot, bfound, kfound, cfound, ffound

    _, _, b, k_next, cnt_ge, fsum_ge = lax.fori_loop(
        0, nbins // 16, body,
        (jnp.int32(0), jnp.float32(0.0), jnp.int32(-1), jnp.int32(0),
         jnp.int32(0), jnp.float32(0.0)))
    return b, k_next, cnt_ge, fsum_ge


def _sc_body(loss_hbm, out_hbm, data_v, planes_v, lhist_v,
             iota2k_v, iota1k_v, bc_v, rowf_v, rowi_v, out_v, bcf_v, acc_v,
             hist1_s, hist23_s, zc_s, bc_s, pa_s, pb_s, pc_s):
    wid = lax.axis_index("s")
    lane = lax.iota(jnp.int32, 16)
    ones_i = jnp.ones((16,), jnp.int32)
    zf = jnp.zeros((16,), jnp.float32)

    pltpu.sync_copy(
        loss_hbm.at[lax.shift_right_logical(wid, 2),
                    pl.ds((wid & 3) * (_CH // 512), _CH // 512)], data_v)
    _iota_fill(iota2k_v, _L1)
    _iota_fill(iota1k_v, _L2)
    _zero_fill(lhist_v, _L1)

    @pl.when(wid == 0)
    def _():
        pltpu.sync_copy(lhist_v, hist1_s)
        pltpu.sync_copy(lhist_v.at[pl.ds(0, _L2)], hist23_s)

    _zero_fill(planes_v, _PLW)
    plsc.subcore_barrier()
    laneoff1 = lane * (_L1 + 1)

    def l1_body(i, carry):
        zc, ts = carry
        x = data_v[lax.shift_right_logical(i, 5), pl.ds((i & 31) * 16, 16)]
        bits = lax.bitcast_convert_type(x, jnp.int32)
        bkt = lax.shift_right_logical(bits, 20)
        plsc.addupdate_scatter(planes_v, [laneoff1 + bkt], ones_i)
        return zc + jnp.where(bits == 0, 1, 0), ts + x

    zc, ts = plsc.parallel_loop(
        0, _NV, unroll=_UNR,
        carry=(jnp.zeros((16,), jnp.int32), zf))(l1_body)
    acc_v[pl.ds(0, 16)] = ts
    _plane_reduce_merge(planes_v, lhist_v, iota2k_v, hist1_s, _L1)
    bc_v[pl.ds(0, 16)] = jnp.broadcast_to(jnp.sum(zc), (16,))
    pltpu.sync_copy(bc_v.at[pl.ds(0, 16)], zc_s.at[pl.ds(wid * 16, 16)])
    _zero_fill(planes_v, _PL2W)
    plsc.subcore_barrier()
    @pl.when(wid == 0)
    def _():
        pltpu.sync_copy(zc_s, rowi_v)
        tot = rowi_v[pl.ds(0, 16)]
        for r in range(1, 16):
            tot = tot + rowi_v[pl.ds(r * 16, 16)]
        cnt = _N - jnp.max(tot)
        k = jnp.minimum(jnp.maximum(_MIN_KEPT, (cnt * 7) // 10), cnt)
        pltpu.sync_copy(hist1_s, lhist_v)
        b1, k1, _, _ = _scan_desc(lhist_v, _L1, k)
        bc_v[pl.ds(0, 16)] = jnp.broadcast_to(b1, (16,))
        bc_v[pl.ds(16, 16)] = jnp.broadcast_to(k1, (16,))
        bc_v[pl.ds(32, 16)] = jnp.broadcast_to(cnt, (16,))
        pltpu.sync_copy(bc_v, bc_s)

    plsc.subcore_barrier()
    pltpu.sync_copy(bc_s, bc_v)
    b1v = bc_v[pl.ds(0, 16)]
    laneoff2 = lane * (_L2 + 1)

    def l2_body(i, carry):
        sa, ca = carry
        x = data_v[lax.shift_right_logical(i, 5), pl.ds((i & 31) * 16, 16)]
        bits = lax.bitcast_convert_type(x, jnp.int32)
        hi = lax.shift_right_logical(bits, 20)
        bkt = lax.shift_right_logical(bits, 10) & (_L2 - 1)
        plsc.addupdate_scatter(planes_v, [laneoff2 + bkt], ones_i,
                               mask=hi == b1v)
        above = hi > b1v
        return (sa + jnp.where(above, x, 0.0),
                ca + jnp.where(above, 1.0, 0.0))

    sa, ca = plsc.parallel_loop(0, _NV, unroll=_UNR, carry=(zf, zf))(l2_body)
    _plane_reduce_merge(planes_v, lhist_v, iota1k_v, hist23_s, _L2)
    _zero_fill(planes_v, _PL2W)
    plsc.subcore_barrier()
    @pl.when(wid == 0)
    def _():
        pltpu.sync_copy(hist23_s, lhist_v.at[pl.ds(0, _L2)])
        k1 = jnp.max(bc_v[pl.ds(16, 16)])
        b1 = jnp.max(bc_v[pl.ds(0, 16)])
        cntv = bc_v[pl.ds(32, 16)]
        b2, k2, _, _ = _scan_desc(lhist_v, _L2, k1)
        bc_v[pl.ds(0, 16)] = jnp.broadcast_to(b1 * _L2 + b2, (16,))
        bc_v[pl.ds(16, 16)] = jnp.broadcast_to(k2, (16,))
        bc_v[pl.ds(32, 16)] = cntv
        pltpu.sync_copy(bc_v, bc_s)
        _zero_fill(lhist_v, _L2)
        pltpu.sync_copy(lhist_v.at[pl.ds(0, _L2)], hist23_s)

    plsc.subcore_barrier()
    pltpu.sync_copy(bc_s, bc_v)
    p2v = bc_v[pl.ds(0, 16)]
    b1v3 = lax.shift_right_logical(p2v, 10)

    def l3_body(i, carry):
        s2, c2 = carry
        x = data_v[lax.shift_right_logical(i, 5), pl.ds((i & 31) * 16, 16)]
        bits = lax.bitcast_convert_type(x, jnp.int32)
        mid = lax.shift_right_logical(bits, 10)
        bkt = bits & (_L2 - 1)
        plsc.addupdate_scatter(planes_v, [laneoff2 + bkt], ones_i,
                               mask=mid == p2v)
        above = jnp.logical_and(mid > p2v,
                                lax.shift_right_logical(bits, 20) == b1v3)
        return (s2 + jnp.where(above, x, 0.0),
                c2 + jnp.where(above, 1.0, 0.0))

    s2, c2 = plsc.parallel_loop(0, _NV, unroll=_UNR, carry=(zf, zf))(l3_body)
    _plane_reduce_merge(planes_v, lhist_v, iota1k_v, hist23_s, _L2)

    ts = acc_v[pl.ds(0, 16)]
    bcf_v[pl.ds(0, 16)] = jnp.broadcast_to(jnp.sum(sa + s2), (16,))
    pltpu.sync_copy(bcf_v, pa_s.at[pl.ds(wid * 16, 16)])
    bcf_v[pl.ds(0, 16)] = jnp.broadcast_to(jnp.sum(ca + c2), (16,))
    pltpu.sync_copy(bcf_v, pb_s.at[pl.ds(wid * 16, 16)])
    bcf_v[pl.ds(0, 16)] = jnp.broadcast_to(jnp.sum(ts), (16,))
    pltpu.sync_copy(bcf_v, pc_s.at[pl.ds(wid * 16, 16)])
    plsc.subcore_barrier()
    @pl.when(wid == 0)
    def _():
        pltpu.sync_copy(hist23_s, lhist_v.at[pl.ds(0, _L2)])
        k2 = jnp.max(bc_v[pl.ds(16, 16)])
        p2 = jnp.max(bc_v[pl.ds(0, 16)])
        _, _, cnt_ge, fsum_ge = _scan_desc(lhist_v, _L2, k2,
                                           val_base=p2 * _L2)

        def row_total(src_s):
            pltpu.sync_copy(src_s, rowf_v)
            tot = rowf_v[pl.ds(0, 16)]
            for r in range(1, 16):
                tot = tot + rowf_v[pl.ds(r * 16, 16)]
            return tot

        out_v[pl.ds(0, 16)] = row_total(pa_s) + fsum_ge
        out_v[pl.ds(16, 16)] = row_total(pb_s) + cnt_ge.astype(jnp.float32)
        out_v[pl.ds(32, 16)] = bc_v[pl.ds(32, 16)].astype(jnp.float32)
        out_v[pl.ds(48, 16)] = row_total(pc_s)
        pltpu.sync_copy(out_v, out_hbm)



@jax.jit
def _ohem_select(loss_flat):
    mesh = plsc.VectorSubcoreMesh(
        core_axis_name="c", subcore_axis_name="s", num_cores=1)
    f = pl.kernel(
        _sc_body,
        out_type=jax.ShapeDtypeStruct((64,), jnp.float32),
        mesh=mesh,
        compiler_params=pltpu.CompilerParams(needs_layout_passes=False),
        scratch_types=[
            pltpu.VMEM((_CH // 512, 512), jnp.float32),
            pltpu.VMEM((_PLW,), jnp.int32),
            pltpu.VMEM((_L1,), jnp.int32),
            pltpu.VMEM((_L1,), jnp.int32),
            pltpu.VMEM((_L2,), jnp.int32),
            pltpu.VMEM((48,), jnp.int32),
            pltpu.VMEM((256,), jnp.float32),
            pltpu.VMEM((256,), jnp.int32),
            pltpu.VMEM((64,), jnp.float32),
            pltpu.VMEM((16,), jnp.float32),
            pltpu.VMEM((16,), jnp.float32),
            pltpu.VMEM_SHARED((_L1,), jnp.int32),
            pltpu.VMEM_SHARED((_L2,), jnp.int32),
            pltpu.VMEM_SHARED((256,), jnp.int32),
            pltpu.VMEM_SHARED((48,), jnp.int32),
            pltpu.VMEM_SHARED((256,), jnp.float32),
            pltpu.VMEM_SHARED((256,), jnp.float32),
            pltpu.VMEM_SHARED((256,), jnp.float32),
        ],
    )
    return f(loss_flat)


def kernel(logits, targets):
    loss = _compute_loss(logits, targets)
    o = _ohem_select(loss)
    ks, kc, cntf, ts = o[0], o[16], o[32], o[48]
    total = jnp.float32(loss.size)
    return jnp.where(cntf == 0.0, ts / total, ks / kc)

# --- scband reference (transcript-rebuilt; emitter-appended) ---
"""Pipeline reference for scband-ohemloss-42142219108551 (READ-ONLY COPY).

The authoritative reference and input builder live on the scoring server;
editing this copy changes nothing except your own understanding.
"""

import jax, jax.numpy as jnp
import numpy as np

THRESH = 0.7
MIN_KEPT = 100000

def setup_inputs(seed: int = 0) -> dict:
    key = jax.random.key(seed)
    k1, k2 = jax.random.split(key)
    logits = jax.random.normal(k1, (4, 19, 512, 512), dtype=jnp.float32)
    targets = jax.random.randint(k2, (4, 512, 512), 0, 19, dtype=jnp.int32)
    return {"logits": logits, "targets": targets}

def reference(logits, targets):
    n, c, h, w = logits.shape
    log_p = jax.nn.log_softmax(logits, axis=1)
    # nll_loss with ignore_index=-100, reduction='none'
    tgt_safe = jnp.clip(targets, 0, c - 1)
    gathered = jnp.take_along_axis(log_p, tgt_safe[:, None, :, :], axis=1)[:, 0]
    loss_all = -gathered
    loss_all = jnp.where(targets == -100, 0.0, loss_all)
    loss_flat = loss_all.reshape(-1)
    valid = loss_flat > 0
    cnt = jnp.sum(valid).astype(jnp.int32)
    sorted_loss = jnp.sort(jnp.where(valid, loss_flat, -jnp.inf))[::-1]
    n_keep = jnp.maximum(jnp.int32(MIN_KEPT), (cnt * int(round(THRESH * 10))) // 10)
    n_keep = jnp.minimum(n_keep, cnt)
    idx = jnp.clip(n_keep - 1, 0, loss_flat.size - 1)
    thresh_val = sorted_loss[idx]
    mask = loss_flat >= thresh_val
    kept_sum = jnp.sum(jnp.where(mask, loss_flat, 0.0))
    kept_cnt = jnp.sum(mask).astype(loss_flat.dtype)
    return jnp.where(cnt == 0, loss_flat.mean(), kept_sum / kept_cnt)

if __name__ == "__main__":
    import jax
    _d = setup_inputs()
    print(jax.jit(kernel)(*tuple(_d.values())))

</pallas_src>

<mosaic_0001>
#map = affine_map<(d0, d1) -> (0, 0, 0)>
#map1 = affine_map<(d0, d1) -> (0)>
module attributes {stable_mosaic.version = 14 : i64} {
  func.func @_sc_body(%arg0: i32, %arg1: i32, %arg2: memref<4x512x512xf32, #tpu.memory_space<hbm>>, %arg3: memref<64xf32, #tpu.memory_space<hbm>>, %arg4: memref<128x512xf32, #tpu.memory_space<vmem>>, %arg5: memref<32896xi32, #tpu.memory_space<vmem>>, %arg6: memref<2048xi32, #tpu.memory_space<vmem>>, %arg7: memref<2048xi32, #tpu.memory_space<vmem>>, %arg8: memref<1024xi32, #tpu.memory_space<vmem>>, %arg9: memref<48xi32, #tpu.memory_space<vmem>>, %arg10: memref<256xf32, #tpu.memory_space<vmem>>, %arg11: memref<256xi32, #tpu.memory_space<vmem>>, %arg12: memref<64xf32, #tpu.memory_space<vmem>>, %arg13: memref<16xf32, #tpu.memory_space<vmem>>, %arg14: memref<16xf32, #tpu.memory_space<vmem>>, %arg15: memref<2048xi32, #tpu.memory_space<vmem_shared>>, %arg16: memref<1024xi32, #tpu.memory_space<vmem_shared>>, %arg17: memref<256xi32, #tpu.memory_space<vmem_shared>>, %arg18: memref<48xi32, #tpu.memory_space<vmem_shared>>, %arg19: memref<256xf32, #tpu.memory_space<vmem_shared>>, %arg20: memref<256xf32, #tpu.memory_space<vmem_shared>>, %arg21: memref<256xf32, #tpu.memory_space<vmem_shared>>) attributes {dimension_semantics = [#tpu.dimension_semantics<core_parallel>, #tpu.dimension_semantics<subcore_parallel>], iteration_bounds = array<i64: 1, 16>, scalar_prefetch = 0 : i64, scratch_operands = 18 : i64, tpu.core_type = #tpu.core_type<sc_vector_subcore>, window_params = [{transform_indices = #map}, {transform_indices = #map1}]} {
    %iota3A = tpu.iota {dimensions = array<i32: 0>} : vector<16xi32>
    %broadcast_in_dim3A = arith.constant 1 : i32
    %broadcast_in_dim3A_0 = vector.broadcast %broadcast_in_dim3A : i32 to vector<16xi32>
    %broadcast_in_dim3A_1 = arith.constant 0.000000e+00 : f32
    %broadcast_in_dim3A_2 = vector.broadcast %broadcast_in_dim3A_1 : f32 to vector<16xf32>
    %shift_right_logical3A = arith.constant 2 : i32
    %shift_right_logical3A_3 = arith.shrui %arg1, %shift_right_logical3A : i32
    %and3A = arith.constant 3 : i32
    %and3A_4 = arith.andi %arg1, %and3A : i32
    %mul3A = arith.constant 128 : i32
    %mul3A_5 = arith.muli %and3A_4, %mul3A : i32
    "tpu.region"() ({
      %run_scoped3A = tpu.sem_alloc : memref<!tpu.dma_semaphore, #tpu.memory_space<semaphore_mem>>
      %dma_start3A = arith.constant 0 : i32
      %dma_start3A_155 = tpu.memref_slice %arg2[%shift_right_logical3A_3, %mul3A_5, %dma_start3A] : memref<4x512x512xf32, #tpu.memory_space<hbm>> -> memref<1x128x512xf32, #tpu.memory_space<hbm>>
      %dma_start3A_156 = tpu.memref_squeeze %dma_start3A_155 : memref<1x128x512xf32, #tpu.memory_space<hbm>> -> memref<128x512xf32, #tpu.memory_space<hbm>>
      %dma_start3A_157 = arith.constant 0 : i32
      %dma_start3A_158 = tpu.memref_slice %arg2[%shift_right_logical3A_3, %mul3A_5, %dma_start3A_157] : memref<4x512x512xf32, #tpu.memory_space<hbm>> -> memref<1x128x512xf32, #tpu.memory_space<hbm>>
      %dma_start3A_159 = tpu.memref_squeeze %dma_start3A_158 : memref<1x128x512xf32, #tpu.memory_space<hbm>> -> memref<128x512xf32, #tpu.memory_space<hbm>>
      tpu.enqueue_dma source(%dma_start3A_159 : memref<128x512xf32, #tpu.memory_space<hbm>>) target(%arg4 : memref<128x512xf32, #tpu.memory_space<vmem>>) target_semaphore(%run_scoped3A : memref<!tpu.dma_semaphore, #tpu.memory_space<semaphore_mem>>)
      %dma_wait3A = arith.constant 0 : i32
      %dma_wait3A_160 = tpu.memref_slice %arg2[%shift_right_logical3A_3, %mul3A_5, %dma_wait3A] : memref<4x512x512xf32, #tpu.memory_space<hbm>> -> memref<1x128x512xf32, #tpu.memory_space<hbm>>
      %dma_wait3A_161 = tpu.memref_squeeze %dma_wait3A_160 : memref<1x128x512xf32, #tpu.memory_space<hbm>> -> memref<128x512xf32, #tpu.memory_space<hbm>>
      %dma_wait3A_162 = arith.constant 0 : i32
      %dma_wait3A_163 = tpu.memref_slice %arg2[%shift_right_logical3A_3, %mul3A_5, %dma_wait3A_162] : memref<4x512x512xf32, #tpu.memory_space<hbm>> -> memref<1x128x512xf32, #tpu.memory_space<hbm>>
      %dma_wait3A_164 = tpu.memref_squeeze %dma_wait3A_163 : memref<1x128x512xf32, #tpu.memory_space<hbm>> -> memref<128x512xf32, #tpu.memory_space<hbm>>
      tpu.wait_dma2 semaphore(%run_scoped3A : memref<!tpu.dma_semaphore, #tpu.memory_space<semaphore_mem>>) src(%dma_wait3A_164 : memref<128x512xf32, #tpu.memory_space<hbm>>) dst(%arg4 : memref<128x512xf32, #tpu.memory_space<vmem>>)
      tpu.yield
    }) : () -> ()
    %iota3A_6 = tpu.iota {dimensions = array<i32: 0>} : vector<16xi32>
    %scan3A = arith.constant 0 : i32
    %scan3A_7 = arith.constant 0 : i32
    %scan3A_8 = arith.constant 16 : i32
    %scan3A_9 = arith.addi %scan3A_7, %scan3A_8 : i32
    %scan3A_10 = arith.constant 1 : i32
    scf.for %scan3A_155 = %scan3A_7 to %scan3A_9 step %scan3A_10  : i32 {
      %mul3A_156 = arith.constant 8 : i32
      %mul3A_157 = arith.muli %scan3A_155, %mul3A_156 : i32
      %add3A_158 = arith.constant 0 : i32
      %add3A_159 = arith.addi %mul3A_157, %add3A_158 : i32
      %mul3A_160 = arith.constant 16 : i32
      %mul3A_161 = arith.muli %add3A_159, %mul3A_160 : i32
      %add3A_162 = vector.broadcast %mul3A_161 : i32 to vector<16xi32>
      %add3A_163 = arith.addi %iota3A_6, %add3A_162 : vector<16xi32>
      %mul3A_164 = arith.constant 8 : i32
      %mul3A_165 = arith.muli %scan3A_155, %mul3A_164 : i32
      %add3A_166 = arith.constant 0 : i32
      %add3A_167 = arith.addi %mul3A_165, %add3A_166 : i32
      %mul3A_168 = arith.constant 16 : i32
      %mul3A_169 = arith.muli %add3A_167, %mul3A_168 : i32
      %swap3A_170 = arith.index_cast %mul3A_169 : i32 to index
      %swap3A_171 = tpu.vector_load %arg7[%swap3A_170] {strides = array<i32>} : memref<2048xi32, #tpu.memory_space<vmem>>, vector<16xi32>,
      tpu.vector_store %arg7[%swap3A_170], %add3A_163 {strides = array<i32>} : memref<2048xi32, #tpu.memory_space<vmem>>, vector<16xi32>,
      %mul3A_172 = arith.constant 8 : i32
      %mul3A_173 = arith.muli %scan3A_155, %mul3A_172 : i32
      %add3A_174 = arith.constant 1 : i32
      %add3A_175 = arith.addi %mul3A_173, %add3A_174 : i32
      %mul3A_176 = arith.constant 16 : i32
      %mul3A_177 = arith.muli %add3A_175, %mul3A_176 : i32
      %add3A_178 = vector.broadcast %mul3A_177 : i32 to vector<16xi32>
      %add3A_179 = arith.addi %iota3A_6, %add3A_178 : vector<16xi32>
      %mul3A_180 = arith.constant 8 : i32
      %mul3A_181 = arith.muli %scan3A_155, %mul3A_180 : i32
      %add3A_182 = arith.constant 1 : i32
      %add3A_183 = arith.addi %mul3A_181, %add3A_182 : i32
      %mul3A_184 = arith.constant 16 : i32
      %mul3A_185 = arith.muli %add3A_183, %mul3A_184 : i32
      %swap3A_186 = arith.index_cast %mul3A_185 : i32 to index
      %swap3A_187 = tpu.vector_load %arg7[%swap3A_186] {strides = array<i32>} : memref<2048xi32, #tpu.memory_space<vmem>>, vector<16xi32>,
      tpu.vector_store %arg7[%swap3A_186], %add3A_179 {strides = array<i32>} : memref<2048xi32, #tpu.memory_space<vmem>>, vector<16xi32>,
      %mul3A_188 = arith.constant 8 : i32
      %mul3A_189 = arith.muli %scan3A_155, %mul3A_188 : i32
      %add3A_190 = arith.constant 2 : i32
      %add3A_191 = arith.addi %mul3A_189, %add3A_190 : i32
      %mul3A_192 = arith.constant 16 : i32
      %mul3A_193 = arith.muli %add3A_191, %mul3A_192 : i32
      %add3A_194 = vector.broadcast %mul3A_193 : i32 to vector<16xi32>
      %add3A_195 = arith.addi %iota3A_6, %add3A_194 : vector<16xi32>
      %mul3A_196 = arith.constant 8 : i32
      %mul3A_197 = arith.muli %scan3A_155, %mul3A_196 : i32
      %add3A_198 = arith.constant 2 : i32
      %add3A_199 = arith.addi %mul3A_197, %add3A_198 : i32
      %mul3A_200 = arith.constant 16 : i32
      %mul3A_201 = arith.muli %add3A_199, %mul3A_200 : i32
      %swap3A_202 = arith.index_cast %mul3A_201 : i32 to index
      %swap3A_203 = tpu.vector_load %arg7[%swap3A_202] {strides = array<i32>} : memref<2048xi32, #tpu.memory_space<vmem>>, vector<16xi32>,
      tpu.vector_store %arg7[%swap3A_202], %add3A_195 {strides = array<i32>} : memref<2048xi32, #tpu.memory_space<vmem>>, vector<16xi32>,
      %mul3A_204 = arith.constant 8 : i32
      %mul3A_205 = arith.muli %scan3A_155, %mul3A_204 : i32
      %add3A_206 = arith.constant 3 : i32
      %add3A_207 = arith.addi %mul3A_205, %add3A_206 : i32
      %mul3A_208 = arith.constant 16 : i32
      %mul3A_209 = arith.muli %add3A_207, %mul3A_208 : i32
      %add3A_210 = vector.broadcast %mul3A_209 : i32 to vector<16xi32>
      %add3A_211 = arith.addi %iota3A_6, %add3A_210 : vector<16xi32>
      %mul3A_212 = arith.constant 8 : i32
      %mul3A_213 = arith.muli %scan3A_155, %mul3A_212 : i32
      %add3A_214 = arith.constant 3 : i32
      %add3A_215 = arith.addi %mul3A_213, %add3A_214 : i32
      %mul3A_216 = arith.constant 16 : i32
      %mul3A_217 = arith.muli %add3A_215, %mul3A_216 : i32
      %swap3A_218 = arith.index_cast %mul3A_217 : i32 to index
      %swap3A_219 = tpu.vector_load %arg7[%swap3A_218] {strides = array<i32>} : memref<2048xi32, #tpu.memory_space<vmem>>, vector<16xi32>,
      tpu.vector_store %arg7[%swap3A_218], %add3A_211 {strides = array<i32>} : memref<2048xi32, #tpu.memory_space<vmem>>, vector<16xi32>,
      %mul3A_220 = arith.constant 8 : i32
      %mul3A_221 = arith.muli %scan3A_155, %mul3A_220 : i32
      %add3A_222 = arith.constant 4 : i32
      %add3A_223 = arith.addi %mul3A_221, %add3A_222 : i32
      %mul3A_224 = arith.constant 16 : i32
      %mul3A_225 = arith.muli %add3A_223, %mul3A_224 : i32
      %add3A_226 = vector.broadcast %mul3A_225 : i32 to vector<16xi32>
      %add3A_227 = arith.addi %iota3A_6, %add3A_226 : vector<16xi32>
      %mul3A_228 = arith.constant 8 : i32
      %mul3A_229 = arith.muli %scan3A_155, %mul3A_228 : i32
      %add3A_230 = arith.constant 4 : i32
      %add3A_231 = arith.addi %mul3A_229, %add3A_230 : i32
      %mul3A_232 = arith.constant 16 : i32
      %mul3A_233 = arith.muli %add3A_231, %mul3A_232 : i32
      %swap3A_234 = arith.index_cast %mul3A_233 : i32 to index
      %swap3A_235 = tpu.vector_load %arg7[%swap3A_234] {strides = array<i32>} : memref<2048xi32, #tpu.memory_space<vmem>>, vector<16xi32>,
      tpu.vector_store %arg7[%swap3A_234], %add3A_227 {strides = array<i32>} : memref<2048xi32, #tpu.memory_space<vmem>>, vector<16xi32>,
      %mul3A_236 = arith.constant 8 : i32
      %mul3A_237 = arith.muli %scan3A_155, %mul3A_236 : i32
      %add3A_238 = arith.constant 5 : i32
      %add3A_239 = arith.addi %mul3A_237, %add3A_238 : i32
      %mul3A_240 = arith.constant 16 : i32
      %mul3A_241 = arith.muli %add3A_239, %mul3A_240 : i32
      %add3A_242 = vector.broadcast %mul3A_241 : i32 to vector<16xi32>
      %add3A_243 = arith.addi %iota3A_6, %add3A_242 : vector<16xi32>
      %mul3A_244 = arith.constant 8 : i32
      %mul3A_245 = arith.muli %scan3A_155, %mul3A_244 : i32
      %add3A_246 = arith.constant 5 : i32
      %add3A_247 = arith.addi %mul3A_245, %add3A_246 : i32
      %mul3A_248 = arith.constant 16 : i32
      %mul3A_249 = arith.muli %add3A_247, %mul3A_248 : i32
      %swap3A_250 = arith.index_cast %mul3A_249 : i32 to index
      %swap3A_251 = tpu.vector_load %arg7[%swap3A_250] {strides = array<i32>} : memref<2048xi32, #tpu.memory_space<vmem>>, vector<16xi32>,
      tpu.vector_store %arg7[%swap3A_250], %add3A_243 {strides = array<i32>} : memref<2048xi32, #tpu.memory_space<vmem>>, vector<16xi32>,
      %mul3A_252 = arith.constant 8 : i32
      %mul3A_253 = arith.muli %scan3A_155, %mul3A_252 : i32
      %add3A_254 = arith.constant 6 : i32
      %add3A_255 = arith.addi %mul3A_253, %add3A_254 : i32
      %mul3A_256 = arith.constant 16 : i32
      %mul3A_257 = arith.muli %add3A_255, %mul3A_256 : i32
      %add3A_258 = vector.broadcast %mul3A_257 : i32 to vector<16xi32>
      %add3A_259 = arith.addi %iota3A_6, %add3A_258 : vector<16xi32>
      %mul3A_260 = arith.constant 8 : i32
      %mul3A_261 = arith.muli %scan3A_155, %mul3A_260 : i32
      %add3A_262 = arith.constant 6 : i32
      %add3A_263 = arith.addi %mul3A_261, %add3A_262 : i32
      %mul3A_264 = arith.constant 16 : i32
      %mul3A_265 = arith.muli %add3A_263, %mul3A_264 : i32
      %swap3A_266 = arith.index_cast %mul3A_265 : i32 to index
      %swap3A_267 = tpu.vector_load %arg7[%swap3A_266] {strides = array<i32>} : memref<2048xi32, #tpu.memory_space<vmem>>, vector<16xi32>,
      tpu.vector_store %arg7[%swap3A_266], %add3A_259 {strides = array<i32>} : memref<2048xi32, #tpu.memory_space<vmem>>, vector<16xi32>,
      %mul3A_268 = arith.constant 8 : i32
      %mul3A_269 = arith.muli %scan3A_155, %mul3A_268 : i32
      %add3A_270 = arith.constant 7 : i32
      %add3A_271 = arith.addi %mul3A_269, %add3A_270 : i32
      %mul3A_272 = arith.constant 16 : i32
      %mul3A_273 = arith.muli %add3A_271, %mul3A_272 : i32
      %add3A_274 = vector.broadcast %mul3A_273 : i32 to vector<16xi32>
      %add3A_275 = arith.addi %iota3A_6, %add3A_274 : vector<16xi32>
      %mul3A_276 = arith.constant 8 : i32
      %mul3A_277 = arith.muli %scan3A_155, %mul3A_276 : i32
      %add3A_278 = arith.constant 7 : i32
      %add3A_279 = arith.addi %mul3A_277, %add3A_278 : i32
      %mul3A_280 = arith.constant 16 : i32
      %mul3A_281 = arith.muli %add3A_279, %mul3A_280 : i32
      %swap3A_282 = arith.index_cast %mul3A_281 : i32 to index
      %swap3A_283 = tpu.vector_load %arg7[%swap3A_282] {strides = array<i32>} : memref<2048xi32, #tpu.memory_space<vmem>>, vector<16xi32>,
      tpu.vector_store %arg7[%swap3A_282], %add3A_275 {strides = array<i32>} : memref<2048xi32, #tpu.memory_space<vmem>>, vector<16xi32>,
    }
    %scan3A_11 = arith.constant 16 : i32
    %iota3A_12 = tpu.iota {dimensions = array<i32: 0>} : vector<16xi32>
    %scan3A_13 = arith.constant 0 : i32
    %scan3A_14 = arith.constant 0 : i32
    %scan3A_15 = arith.constant 8 : i32
    %scan3A_16 = arith.addi %scan3A_14, %scan3A_15 : i32
    %scan3A_17 = arith.constant 1 : i32
    scf.for %scan3A_155 = %scan3A_14 to %scan3A_16 step %scan3A_17  : i32 {
      %mul3A_156 = arith.constant 8 : i32
      %mul3A_157 = arith.muli %scan3A_155, %mul3A_156 : i32
      %add3A_158 = arith.constant 0 : i32
      %add3A_159 = arith.addi %mul3A_157, %add3A_158 : i32
      %mul3A_160 = arith.constant 16 : i32
      %mul3A_161 = arith.muli %add3A_159, %mul3A_160 : i32
      %add3A_162 = vector.broadcast %mul3A_161 : i32 to vector<16xi32>
      %add3A_163 = arith.addi %iota3A_12, %add3A_162 : vector<16xi32>
      %mul3A_164 = arith.constant 8 : i32
      %mul3A_165 = arith.muli %scan3A_155, %mul3A_164 : i32
      %add3A_166 = arith.constant 0 : i32
      %add3A_167 = arith.addi %mul3A_165, %add3A_166 : i32
      %mul3A_168 = arith.constant 16 : i32
      %mul3A_169 = arith.muli %add3A_167, %mul3A_168 : i32
      %swap3A_170 = arith.index_cast %mul3A_169 : i32 to index
      %swap3A_171 = tpu.vector_load %arg8[%swap3A_170] {strides = array<i32>} : memref<1024xi32, #tpu.memory_space<vmem>>, vector<16xi32>,
      tpu.vector_store %arg8[%swap3A_170], %add3A_163 {strides = array<i32>} : memref<1024xi32, #tpu.memory_space<vmem>>, vector<16xi32>,
      %mul3A_172 = arith.constant 8 : i32
      %mul3A_173 = arith.muli %scan3A_155, %mul3A_172 : i32
      %add3A_174 = arith.constant 1 : i32
      %add3A_175 = arith.addi %mul3A_173, %add3A_174 : i32
      %mul3A_176 = arith.constant 16 : i32
      %mul3A_177 = arith.muli %add3A_175, %mul3A_176 : i32
      %add3A_178 = vector.broadcast %mul3A_177 : i32 to vector<16xi32>
      %add3A_179 = arith.addi %iota3A_12, %add3A_178 : vector<16xi32>
      %mul3A_180 = arith.constant 8 : i32
      %mul3A_181 = arith.muli %scan3A_155, %mul3A_180 : i32
      %add3A_182 = arith.constant 1 : i32
      %add3A_183 = arith.addi %mul3A_181, %add3A_182 : i32
      %mul3A_184 = arith.constant 16 : i32
      %mul3A_185 = arith.muli %add3A_183, %mul3A_184 : i32
      %swap3A_186 = arith.index_cast %mul3A_185 : i32 to index
      %swap3A_187 = tpu.vector_load %arg8[%swap3A_186] {strides = array<i32>} : memref<1024xi32, #tpu.memory_space<vmem>>, vector<16xi32>,
      tpu.vector_store %arg8[%swap3A_186], %add3A_179 {strides = array<i32>} : memref<1024xi32, #tpu.memory_space<vmem>>, vector<16xi32>,
      %mul3A_188 = arith.constant 8 : i32
      %mul3A_189 = arith.muli %scan3A_155, %mul3A_188 : i32
      %add3A_190 = arith.constant 2 : i32
      %add3A_191 = arith.addi %mul3A_189, %add3A_190 : i32
      %mul3A_192 = arith.constant 16 : i32
      %mul3A_193 = arith.muli %add3A_191, %mul3A_192 : i32
      %add3A_194 = vector.broadcast %mul3A_193 : i32 to vector<16xi32>
      %add3A_195 = arith.addi %iota3A_12, %add3A_194 : vector<16xi32>
      %mul3A_196 = arith.constant 8 : i32
      %mul3A_197 = arith.muli %scan3A_155, %mul3A_196 : i32
      %add3A_198 = arith.constant 2 : i32
      %add3A_199 = arith.addi %mul3A_197, %add3A_198 : i32
      %mul3A_200 = arith.constant 16 : i32
      %mul3A_201 = arith.muli %add3A_199, %mul3A_200 : i32
      %swap3A_202 = arith.index_cast %mul3A_201 : i32 to index
      %swap3A_203 = tpu.vector_load %arg8[%swap3A_202] {strides = array<i32>} : memref<1024xi32, #tpu.memory_space<vmem>>, vector<16xi32>,
      tpu.vector_store %arg8[%swap3A_202], %add3A_195 {strides = array<i32>} : memref<1024xi32, #tpu.memory_space<vmem>>, vector<16xi32>,
      %mul3A_204 = arith.constant 8 : i32
      %mul3A_205 = arith.muli %scan3A_155, %mul3A_204 : i32
      %add3A_206 = arith.constant 3 : i32
      %add3A_207 = arith.addi %mul3A_205, %add3A_206 : i32
      %mul3A_208 = arith.constant 16 : i32
      %mul3A_209 = arith.muli %add3A_207, %mul3A_208 : i32
      %add3A_210 = vector.broadcast %mul3A_209 : i32 to vector<16xi32>
      %add3A_211 = arith.addi %iota3A_12, %add3A_210 : vector<16xi32>
      %mul3A_212 = arith.constant 8 : i32
      %mul3A_213 = arith.muli %scan3A_155, %mul3A_212 : i32
      %add3A_214 = arith.constant 3 : i32
      %add3A_215 = arith.addi %mul3A_213, %add3A_214 : i32
      %mul3A_216 = arith.constant 16 : i32
      %mul3A_217 = arith.muli %add3A_215, %mul3A_216 : i32
      %swap3A_218 = arith.index_cast %mul3A_217 : i32 to index
      %swap3A_219 = tpu.vector_load %arg8[%swap3A_218] {strides = array<i32>} : memref<1024xi32, #tpu.memory_space<vmem>>, vector<16xi32>,
      tpu.vector_store %arg8[%swap3A_218], %add3A_211 {strides = array<i32>} : memref<1024xi32, #tpu.memory_space<vmem>>, vector<16xi32>,
      %mul3A_220 = arith.constant 8 : i32
      %mul3A_221 = arith.muli %scan3A_155, %mul3A_220 : i32
      %add3A_222 = arith.constant 4 : i32
      %add3A_223 = arith.addi %mul3A_221, %add3A_222 : i32
      %mul3A_224 = arith.constant 16 : i32
      %mul3A_225 = arith.muli %add3A_223, %mul3A_224 : i32
      %add3A_226 = vector.broadcast %mul3A_225 : i32 to vector<16xi32>
      %add3A_227 = arith.addi %iota3A_12, %add3A_226 : vector<16xi32>
      %mul3A_228 = arith.constant 8 : i32
      %mul3A_229 = arith.muli %scan3A_155, %mul3A_228 : i32
      %add3A_230 = arith.constant 4 : i32
      %add3A_231 = arith.addi %mul3A_229, %add3A_230 : i32
      %mul3A_232 = arith.constant 16 : i32
      %mul3A_233 = arith.muli %add3A_231, %mul3A_232 : i32
      %swap3A_234 = arith.index_cast %mul3A_233 : i32 to index
      %swap3A_235 = tpu.vector_load %arg8[%swap3A_234] {strides = array<i32>} : memref<1024xi32, #tpu.memory_space<vmem>>, vector<16xi32>,
      tpu.vector_store %arg8[%swap3A_234], %add3A_227 {strides = array<i32>} : memref<1024xi32, #tpu.memory_space<vmem>>, vector<16xi32>,
      %mul3A_236 = arith.constant 8 : i32
      %mul3A_237 = arith.muli %scan3A_155, %mul3A_236 : i32
      %add3A_238 = arith.constant 5 : i32
      %add3A_239 = arith.addi %mul3A_237, %add3A_238 : i32
      %mul3A_240 = arith.constant 16 : i32
      %mul3A_241 = arith.muli %add3A_239, %mul3A_240 : i32
      %add3A_242 = vector.broadcast %mul3A_241 : i32 to vector<16xi32>
      %add3A_243 = arith.addi %iota3A_12, %add3A_242 : vector<16xi32>
      %mul3A_244 = arith.constant 8 : i32
      %mul3A_245 = arith.muli %scan3A_155, %mul3A_244 : i32
      %add3A_246 = arith.constant 5 : i32
      %add3A_247 = arith.addi %mul3A_245, %add3A_246 : i32
      %mul3A_248 = arith.constant 16 : i32
      %mul3A_249 = arith.muli %add3A_247, %mul3A_248 : i32
      %swap3A_250 = arith.index_cast %mul3A_249 : i32 to index
      %swap3A_251 = tpu.vector_load %arg8[%swap3A_250] {strides = array<i32>} : memref<1024xi32, #tpu.memory_space<vmem>>, vector<16xi32>,
      tpu.vector_store %arg8[%swap3A_250], %add3A_243 {strides = array<i32>} : memref<1024xi32, #tpu.memory_space<vmem>>, vector<16xi32>,
      %mul3A_252 = arith.constant 8 : i32
      %mul3A_253 = arith.muli %scan3A_155, %mul3A_252 : i32
      %add3A_254 = arith.constant 6 : i32
      %add3A_255 = arith.addi %mul3A_253, %add3A_254 : i32
      %mul3A_256 = arith.constant 16 : i32
      %mul3A_257 = arith.muli %add3A_255, %mul3A_256 : i32
      %add3A_258 = vector.broadcast %mul3A_257 : i32 to vector<16xi32>
      %add3A_259 = arith.addi %iota3A_12, %add3A_258 : vector<16xi32>
      %mul3A_260 = arith.constant 8 : i32
      %mul3A_261 = arith.muli %scan3A_155, %mul3A_260 : i32
      %add3A_262 = arith.constant 6 : i32
      %add3A_263 = arith.addi %mul3A_261, %add3A_262 : i32
      %mul3A_264 = arith.constant 16 : i32
      %mul3A_265 = arith.muli %add3A_263, %mul3A_264 : i32
      %swap3A_266 = arith.index_cast %mul3A_265 : i32 to index
      %swap3A_267 = tpu.vector_load %arg8[%swap3A_266] {strides = array<i32>} : memref<1024xi32, #tpu.memory_space<vmem>>, vector<16xi32>,
      tpu.vector_store %arg8[%swap3A_266], %add3A_259 {strides = array<i32>} : memref<1024xi32, #tpu.memory_space<vmem>>, vector<16xi32>,
      %mul3A_268 = arith.constant 8 : i32
      %mul3A_269 = arith.muli %scan3A_155, %mul3A_268 : i32
      %add3A_270 = arith.constant 7 : i32
      %add3A_271 = arith.addi %mul3A_269, %add3A_270 : i32
      %mul3A_272 = arith.constant 16 : i32
      %mul3A_273 = arith.muli %add3A_271, %mul3A_272 : i32
      %add3A_274 = vector.broadcast %mul3A_273 : i32 to vector<16xi32>
      %add3A_275 = arith.addi %iota3A_12, %add3A_274 : vector<16xi32>
      %mul3A_276 = arith.constant 8 : i32
      %mul3A_277 = arith.muli %scan3A_155, %mul3A_276 : i32
      %add3A_278 = arith.constant 7 : i32
      %add3A_279 = arith.addi %mul3A_277, %add3A_278 : i32
      %mul3A_280 = arith.constant 16 : i32
      %mul3A_281 = arith.muli %add3A_279, %mul3A_280 : i32
      %swap3A_282 = arith.index_cast %mul3A_281 : i32 to index
      %swap3A_283 = tpu.vector_load %arg8[%swap3A_282] {strides = array<i32>} : memref<1024xi32, #tpu.memory_space<vmem>>, vector<16xi32>,
      tpu.vector_store %arg8[%swap3A_282], %add3A_275 {strides = array<i32>} : memref<1024xi32, #tpu.memory_space<vmem>>, vector<16xi32>,
    }
    %scan3A_18 = arith.constant 8 : i32
    %broadcast_in_dim3A_19 = arith.constant 0 : i32
    %broadcast_in_dim3A_20 = vector.broadcast %broadcast_in_dim3A_19 : i32 to vector<16xi32>
    %scan3A_21 = arith.constant 0 : i32
    %scan3A_22 = arith.constant 0 : i32
    %scan3A_23 = arith.constant 16 : i32
    %scan3A_24 = arith.addi %scan3A_22, %scan3A_23 : i32
    %scan3A_25 = arith.constant 1 : i32
    scf.for %scan3A_155 = %scan3A_22 to %scan3A_24 step %scan3A_25  : i32 {
      %mul3A_156 = arith.constant 8 : i32
      %mul3A_157 = arith.muli %scan3A_155, %mul3A_156 : i32
      %add3A_158 = arith.constant 0 : i32
      %add3A_159 = arith.addi %mul3A_157, %add3A_158 : i32
      %mul3A_160 = arith.constant 16 : i32
      %mul3A_161 = arith.muli %add3A_159, %mul3A_160 : i32
      %swap3A_162 = arith.index_cast %mul3A_161 : i32 to index
      %swap3A_163 = tpu.vector_load %arg6[%swap3A_162] {strides = array<i32>} : memref<2048xi32, #tpu.memory_space<vmem>>, vector<16xi32>,
      tpu.vector_store %arg6[%swap3A_162], %broadcast_in_dim3A_20 {strides = array<i32>} : memref<2048xi32, #tpu.memory_space<vmem>>, vector<16xi32>,
      %mul3A_164 = arith.constant 8 : i32
      %mul3A_165 = arith.muli %scan3A_155, %mul3A_164 : i32
      %add3A_166 = arith.constant 1 : i32
      %add3A_167 = arith.addi %mul3A_165, %add3A_166 : i32
      %mul3A_168 = arith.constant 16 : i32
      %mul3A_169 = arith.muli %add3A_167, %mul3A_168 : i32
      %swap3A_170 = arith.index_cast %mul3A_169 : i32 to index
      %swap3A_171 = tpu.vector_load %arg6[%swap3A_170] {strides = array<i32>} : memref<2048xi32, #tpu.memory_space<vmem>>, vector<16xi32>,
      tpu.vector_store %arg6[%swap3A_170], %broadcast_in_dim3A_20 {strides = array<i32>} : memref<2048xi32, #tpu.memory_space<vmem>>, vector<16xi32>,
      %mul3A_172 = arith.constant 8 : i32
      %mul3A_173 = arith.muli %scan3A_155, %mul3A_172 : i32
      %add3A_174 = arith.constant 2 : i32
      %add3A_175 = arith.addi %mul3A_173, %add3A_174 : i32
      %mul3A_176 = arith.constant 16 : i32
      %mul3A_177 = arith.muli %add3A_175, %mul3A_176 : i32
      %swap3A_178 = arith.index_cast %mul3A_177 : i32 to index
      %swap3A_179 = tpu.vector_load %arg6[%swap3A_178] {strides = array<i32>} : memref<2048xi32, #tpu.memory_space<vmem>>, vector<16xi32>,
      tpu.vector_store %arg6[%swap3A_178], %broadcast_in_dim3A_20 {strides = array<i32>} : memref<2048xi32, #tpu.memory_space<vmem>>, vector<16xi32>,
      %mul3A_180 = arith.constant 8 : i32
      %mul3A_181 = arith.muli %scan3A_155, %mul3A_180 : i32
      %add3A_182 = arith.constant 3 : i32
      %add3A_183 = arith.addi %mul3A_181, %add3A_182 : i32
      %mul3A_184 = arith.constant 16 : i32
      %mul3A_185 = arith.muli %add3A_183, %mul3A_184 : i32
      %swap3A_186 = arith.index_cast %mul3A_185 : i32 to index
      %swap3A_187 = tpu.vector_load %arg6[%swap3A_186] {strides = array<i32>} : memref<2048xi32, #tpu.memory_space<vmem>>, vector<16xi32>,
      tpu.vector_store %arg6[%swap3A_186], %broadcast_in_dim3A_20 {strides = array<i32>} : memref<2048xi32, #tpu.memory_space<vmem>>, vector<16xi32>,
      %mul3A_188 = arith.constant 8 : i32
      %mul3A_189 = arith.muli %scan3A_155, %mul3A_188 : i32
      %add3A_190 = arith.constant 4 : i32
      %add3A_191 = arith.addi %mul3A_189, %add3A_190 : i32
      %mul3A_192 = arith.constant 16 : i32
      %mul3A_193 = arith.muli %add3A_191, %mul3A_192 : i32
      %swap3A_194 = arith.index_cast %mul3A_193 : i32 to index
      %swap3A_195 = tpu.vector_load %arg6[%swap3A_194] {strides = array<i32>} : memref<2048xi32, #tpu.memory_space<vmem>>, vector<16xi32>,
      tpu.vector_store %arg6[%swap3A_194], %broadcast_in_dim3A_20 {strides = array<i32>} : memref<2048xi32, #tpu.memory_space<vmem>>, vector<16xi32>,
      %mul3A_196 = arith.constant 8 : i32
      %mul3A_197 = arith.muli %scan3A_155, %mul3A_196 : i32
      %add3A_198 = arith.constant 5 : i32
      %add3A_199 = arith.addi %mul3A_197, %add3A_198 : i32
      %mul3A_200 = arith.constant 16 : i32
      %mul3A_201 = arith.muli %add3A_199, %mul3A_200 : i32
      %swap3A_202 = arith.index_cast %mul3A_201 : i32 to index
      %swap3A_203 = tpu.vector_load %arg6[%swap3A_202] {strides = array<i32>} : memref<2048xi32, #tpu.memory_space<vmem>>, vector<16xi32>,
      tpu.vector_store %arg6[%swap3A_202], %broadcast_in_dim3A_20 {strides = array<i32>} : memref<2048xi32, #tpu.memory_space<vmem>>, vector<16xi32>,
      %mul3A_204 = arith.constant 8 : i32
      %mul3A_205 = arith.muli %scan3A_155, %mul3A_204 : i32
      %add3A_206 = arith.constant 6 : i32
      %add3A_207 = arith.addi %mul3A_205, %add3A_206 : i32
      %mul3A_208 = arith.constant 16 : i32
      %mul3A_209 = arith.muli %add3A_207, %mul3A_208 : i32
      %swap3A_210 = arith.index_cast %mul3A_209 : i32 to index
      %swap3A_211 = tpu.vector_load %arg6[%swap3A_210] {strides = array<i32>} : memref<2048xi32, #tpu.memory_space<vmem>>, vector<16xi32>,
      tpu.vector_store %arg6[%swap3A_210], %broadcast_in_dim3A_20 {strides = array<i32>} : memref<2048xi32, #tpu.memory_space<vmem>>, vector<16xi32>,
      %mul3A_212 = arith.constant 8 : i32
      %mul3A_213 = arith.muli %scan3A_155, %mul3A_212 : i32
      %add3A_214 = arith.constant 7 : i32
      %add3A_215 = arith.addi %mul3A_213, %add3A_214 : i32
      %mul3A_216 = arith.constant 16 : i32
      %mul3A_217 = arith.muli %add3A_215, %mul3A_216 : i32
      %swap3A_218 = arith.index_cast %mul3A_217 : i32 to index
      %swap3A_219 = tpu.vector_load %arg6[%swap3A_218] {strides = array<i32>} : memref<2048xi32, #tpu.memory_space<vmem>>, vector<16xi32>,
      tpu.vector_store %arg6[%swap3A_218], %broadcast_in_dim3A_20 {strides = array<i32>} : memref<2048xi32, #tpu.memory_space<vmem>>, vector<16xi32>,
    }
    %scan3A_26 = arith.constant 16 : i32
    %eq3A = arith.constant 0 : i32
    %eq3A_27 = arith.cmpi eq, %arg1, %eq3A : i32
    %convert_element_type3A = arith.extui %eq3A_27 : i1 to i32
    %cond3A = arith.constant 0 : i32
    %cond3A_28 = arith.cmpi ne, %convert_element_type3A, %cond3A : i32
    scf.if %cond3A_28 {
      "tpu.region"() ({
        %run_scoped3A = tpu.sem_alloc : memref<!tpu.dma_semaphore, #tpu.memory_space<semaphore_mem>>
        tpu.enqueue_dma source(%arg6 : memref<2048xi32, #tpu.memory_space<vmem>>) target(%arg15 : memref<2048xi32, #tpu.memory_space<vmem_shared>>) target_semaphore(%run_scoped3A : memref<!tpu.dma_semaphore, #tpu.memory_space<semaphore_mem>>)
        tpu.wait_dma2 semaphore(%run_scoped3A : memref<!tpu.dma_semaphore, #tpu.memory_space<semaphore_mem>>) src(%arg6 : memref<2048xi32, #tpu.memory_space<vmem>>) dst(%arg15 : memref<2048xi32, #tpu.memory_space<vmem_shared>>)
        tpu.yield
      }) : () -> ()
      "tpu.region"() ({
        %run_scoped3A = tpu.sem_alloc : memref<!tpu.dma_semaphore, #tpu.memory_space<semaphore_mem>>
        %dma_start3A = arith.constant 0 : i32
        %dma_start3A_155 = tpu.memref_slice %arg6[%dma_start3A] : memref<2048xi32, #tpu.memory_space<vmem>> -> memref<1024xi32, #tpu.memory_space<vmem>>
        %dma_start3A_156 = arith.constant 0 : i32
        %dma_start3A_157 = tpu.memref_slice %arg6[%dma_start3A_156] : memref<2048xi32, #tpu.memory_space<vmem>> -> memref<1024xi32, #tpu.memory_space<vmem>>
        tpu.enqueue_dma source(%dma_start3A_157 : memref<1024xi32, #tpu.memory_space<vmem>>) target(%arg16 : memref<1024xi32, #tpu.memory_space<vmem_shared>>) target_semaphore(%run_scoped3A : memref<!tpu.dma_semaphore, #tpu.memory_space<semaphore_mem>>)
        %dma_wait3A = arith.constant 0 : i32
        %dma_wait3A_158 = tpu.memref_slice %arg6[%dma_wait3A] : memref<2048xi32, #tpu.memory_space<vmem>> -> memref<1024xi32, #tpu.memory_space<vmem>>
        %dma_wait3A_159 = arith.constant 0 : i32
        %dma_wait3A_160 = tpu.memref_slice %arg6[%dma_wait3A_159] : memref<2048xi32, #tpu.memory_space<vmem>> -> memref<1024xi32, #tpu.memory_space<vmem>>
        tpu.wait_dma2 semaphore(%run_scoped3A : memref<!tpu.dma_semaphore, #tpu.memory_space<semaphore_mem>>) src(%dma_wait3A_160 : memref<1024xi32, #tpu.memory_space<vmem>>) dst(%arg16 : memref<1024xi32, #tpu.memory_space<vmem_shared>>)
        tpu.yield
      }) : () -> ()
    } else {
    }
    %broadcast_in_dim3A_29 = arith.constant 0 : i32
    %broadcast_in_dim3A_30 = vector.broadcast %broadcast_in_dim3A_29 : i32 to vector<16xi32>
    %scan3A_31 = arith.constant 0 : i32
    %scan3A_32 = arith.constant 0 : i32
    %scan3A_33 = arith.constant 257 : i32
    %scan3A_34 = arith.addi %scan3A_32, %scan3A_33 : i32
    %scan3A_35 = arith.constant 1 : i32
    scf.for %scan3A_155 = %scan3A_32 to %scan3A_34 step %scan3A_35  : i32 {
      %mul3A_156 = arith.constant 8 : i32
      %mul3A_157 = arith.muli %scan3A_155, %mul3A_156 : i32
      %add3A_158 = arith.constant 0 : i32
      %add3A_159 = arith.addi %mul3A_157, %add3A_158 : i32
      %mul3A_160 = arith.constant 16 : i32
      %mul3A_161 = arith.muli %add3A_159, %mul3A_160 : i32
      %swap3A_162 = arith.index_cast %mul3A_161 : i32 to index
      %swap3A_163 = tpu.vector_load %arg5[%swap3A_162] {strides = array<i32>} : memref<32896xi32, #tpu.memory_space<vmem>>, vector<16xi32>,
      tpu.vector_store %arg5[%swap3A_162], %broadcast_in_dim3A_30 {strides = array<i32>} : memref<32896xi32, #tpu.memory_space<vmem>>, vector<16xi32>,
      %mul3A_164 = arith.constant 8 : i32
      %mul3A_165 = arith.muli %scan3A_155, %mul3A_164 : i32
      %add3A_166 = arith.constant 1 : i32
      %add3A_167 = arith.addi %mul3A_165, %add3A_166 : i32
      %mul3A_168 = arith.constant 16 : i32
      %mul3A_169 = arith.muli %add3A_167, %mul3A_168 : i32
      %swap3A_170 = arith.index_cast %mul3A_169 : i32 to index
      %swap3A_171 = tpu.vector_load %arg5[%swap3A_170] {strides = array<i32>} : memref<32896xi32, #tpu.memory_space<vmem>>, vector<16xi32>,
      tpu.vector_store %arg5[%swap3A_170], %broadcast_in_dim3A_30 {strides = array<i32>} : memref<32896xi32, #tpu.memory_space<vmem>>, vector<16xi32>,
      %mul3A_172 = arith.constant 8 : i32
      %mul3A_173 = arith.muli %scan3A_155, %mul3A_172 : i32
      %add3A_174 = arith.constant 2 : i32
      %add3A_175 = arith.addi %mul3A_173, %add3A_174 : i32
      %mul3A_176 = arith.constant 16 : i32
      %mul3A_177 = arith.muli %add3A_175, %mul3A_176 : i32
      %swap3A_178 = arith.index_cast %mul3A_177 : i32 to index
      %swap3A_179 = tpu.vector_load %arg5[%swap3A_178] {strides = array<i32>} : memref<32896xi32, #tpu.memory_space<vmem>>, vector<16xi32>,
      tpu.vector_store %arg5[%swap3A_178], %broadcast_in_dim3A_30 {strides = array<i32>} : memref<32896xi32, #tpu.memory_space<vmem>>, vector<16xi32>,
      %mul3A_180 = arith.constant 8 : i32
      %mul3A_181 = arith.muli %scan3A_155, %mul3A_180 : i32
      %add3A_182 = arith.constant 3 : i32
      %add3A_183 = arith.addi %mul3A_181, %add3A_182 : i32
      %mul3A_184 = arith.constant 16 : i32
      %mul3A_185 = arith.muli %add3A_183, %mul3A_184 : i32
      %swap3A_186 = arith.index_cast %mul3A_185 : i32 to index
      %swap3A_187 = tpu.vector_load %arg5[%swap3A_186] {strides = array<i32>} : memref<32896xi32, #tpu.memory_space<vmem>>, vector<16xi32>,
      tpu.vector_store %arg5[%swap3A_186], %broadcast_in_dim3A_30 {strides = array<i32>} : memref<32896xi32, #tpu.memory_space<vmem>>, vector<16xi32>,
      %mul3A_188 = arith.constant 8 : i32
      %mul3A_189 = arith.muli %scan3A_155, %mul3A_188 : i32
      %add3A_190 = arith.constant 4 : i32
      %add3A_191 = arith.addi %mul3A_189, %add3A_190 : i32
      %mul3A_192 = arith.constant 16 : i32
      %mul3A_193 = arith.muli %add3A_191, %mul3A_192 : i32
      %swap3A_194 = arith.index_cast %mul3A_193 : i32 to index
      %swap3A_195 = tpu.vector_load %arg5[%swap3A_194] {strides = array<i32>} : memref<32896xi32, #tpu.memory_space<vmem>>, vector<16xi32>,
      tpu.vector_store %arg5[%swap3A_194], %broadcast_in_dim3A_30 {strides = array<i32>} : memref<32896xi32, #tpu.memory_space<vmem>>, vector<16xi32>,
      %mul3A_196 = arith.constant 8 : i32
      %mul3A_197 = arith.muli %scan3A_155, %mul3A_196 : i32
      %add3A_198 = arith.constant 5 : i32
      %add3A_199 = arith.addi %mul3A_197, %add3A_198 : i32
      %mul3A_200 = arith.constant 16 : i32
      %mul3A_201 = arith.muli %add3A_199, %mul3A_200 : i32
      %swap3A_202 = arith.index_cast %mul3A_201 : i32 to index
      %swap3A_203 = tpu.vector_load %arg5[%swap3A_202] {strides = array<i32>} : memref<32896xi32, #tpu.memory_space<vmem>>, vector<16xi32>,
      tpu.vector_store %arg5[%swap3A_202], %broadcast_in_dim3A_30 {strides = array<i32>} : memref<32896xi32, #tpu.memory_space<vmem>>, vector<16xi32>,
      %mul3A_204 = arith.constant 8 : i32
      %mul3A_205 = arith.muli %scan3A_155, %mul3A_204 : i32
      %add3A_206 = arith.constant 6 : i32
      %add3A_207 = arith.addi %mul3A_205, %add3A_206 : i32
      %mul3A_208 = arith.constant 16 : i32
      %mul3A_209 = arith.muli %add3A_207, %mul3A_208 : i32
      %swap3A_210 = arith.index_cast %mul3A_209 : i32 to index
      %swap3A_211 = tpu.vector_load %arg5[%swap3A_210] {strides = array<i32>} : memref<32896xi32, #tpu.memory_space<vmem>>, vector<16xi32>,
      tpu.vector_store %arg5[%swap3A_210], %broadcast_in_dim3A_30 {strides = array<i32>} : memref<32896xi32, #tpu.memory_space<vmem>>, vector<16xi32>,
      %mul3A_212 = arith.constant 8 : i32
      %mul3A_213 = arith.muli %scan3A_155, %mul3A_212 : i32
      %add3A_214 = arith.constant 7 : i32
      %add3A_215 = arith.addi %mul3A_213, %add3A_214 : i32
      %mul3A_216 = arith.constant 16 : i32
      %mul3A_217 = arith.muli %add3A_215, %mul3A_216 : i32
      %swap3A_218 = arith.index_cast %mul3A_217 : i32 to index
      %swap3A_219 = tpu.vector_load %arg5[%swap3A_218] {strides = array<i32>} : memref<32896xi32, #tpu.memory_space<vmem>>, vector<16xi32>,
      tpu.vector_store %arg5[%swap3A_218], %broadcast_in_dim3A_30 {strides = array<i32>} : memref<32896xi32, #tpu.memory_space<vmem>>, vector<16xi32>,
    }
    %scan3A_36 = arith.constant 257 : i32
    %barrier3A = arith.constant 0 : index
    tpu.barrier barrier_id(%barrier3A)
    %mul3A_37 = arith.constant 2049 : i32
    %mul3A_38 = vector.broadcast %mul3A_37 : i32 to vector<16xi32>
    %mul3A_39 = arith.muli %iota3A, %mul3A_38 : vector<16xi32>
    %broadcast_in_dim3A_40 = arith.constant 0 : i32
    %broadcast_in_dim3A_41 = vector.broadcast %broadcast_in_dim3A_40 : i32 to vector<16xi32>
    %parallel_loop3A = arith.constant 0 : i32
    %parallel_loop3A_42 = arith.constant 4096 : i32
    %parallel_loop3A_43 = arith.constant 1 : i32
    %parallel_loop3A_44:2 = scf.for %parallel_loop3A_155 = %parallel_loop3A to %parallel_loop3A_42 step %parallel_loop3A_43 iter_args(%parallel_loop3A_156 = %broadcast_in_dim3A_41, %parallel_loop3A_157 = %broadcast_in_dim3A_2) -> (vector<16xi32>, vector<16xf32>)  : i32 {
      %parallel_loop3A_158 = arith.constant 5 : i32
      %parallel_loop3A_159 = arith.shrui %parallel_loop3A_155, %parallel_loop3A_158 : i32
      %parallel_loop3A_160 = arith.constant 31 : i32
      %parallel_loop3A_161 = arith.andi %parallel_loop3A_155, %parallel_loop3A_160 : i32
      %parallel_loop3A_162 = arith.constant 16 : i32
      %parallel_loop3A_163 = arith.muli %parallel_loop3A_161, %parallel_loop3A_162 : i32
      %parallel_loop3A_164 = arith.index_cast %parallel_loop3A_159 : i32 to index
      %parallel_loop3A_165 = arith.index_cast %parallel_loop3A_163 : i32 to index
      %parallel_loop3A_166 = tpu.vector_load %arg4[%parallel_loop3A_164, %parallel_loop3A_165] {strides = array<i32>} : memref<128x512xf32, #tpu.memory_space<vmem>>, vector<16xf32>,
      %parallel_loop3A_167 = tpu.bitcast %parallel_loop3A_166 : vector<16xf32> -> vector<16xi32>
      %parallel_loop3A_168 = arith.constant 20 : i32
      %parallel_loop3A_169 = vector.broadcast %parallel_loop3A_168 : i32 to vector<16xi32>
      %parallel_loop3A_170 = arith.shrui %parallel_loop3A_167, %parallel_loop3A_169 : vector<16xi32>
      %parallel_loop3A_171 = arith.addi %mul3A_39, %parallel_loop3A_170 : vector<16xi32>
      tpu.vector_store_idx %arg5[%parallel_loop3A_171], %broadcast_in_dim3A_0 {add = true} : memref<32896xi32, #tpu.memory_space<vmem>>[vector<16xi32>], vector<16xi32>,
      %parallel_loop3A_172 = arith.constant 0 : i32
      %parallel_loop3A_173 = vector.broadcast %parallel_loop3A_172 : i32 to vector<16xi32>
      %parallel_loop3A_174 = arith.cmpi eq, %parallel_loop3A_167, %parallel_loop3A_173 : vector<16xi32>
      %parallel_loop3A_175 = arith.constant 1 : i32
      %parallel_loop3A_176 = arith.constant 0 : i32
      %parallel_loop3A_177 = vector.broadcast %parallel_loop3A_175 : i32 to vector<16xi32>
      %parallel_loop3A_178 = vector.broadcast %parallel_loop3A_176 : i32 to vector<16xi32>
      %parallel_loop3A_179 = arith.select %parallel_loop3A_174, %parallel_loop3A_177, %parallel_loop3A_178 : vector<16xi1>, vector<16xi32>
      %parallel_loop3A_180 = arith.addi %parallel_loop3A_156, %parallel_loop3A_179 : vector<16xi32>
      %parallel_loop3A_181 = arith.addf %parallel_loop3A_157, %parallel_loop3A_166 : vector<16xf32>
      scf.yield %parallel_loop3A_180, %parallel_loop3A_181 : vector<16xi32>, vector<16xf32>
    } {sc.loop_unroll_factor = 8 : i64, sc.parallel_access}
    %swap3A = arith.constant 0 : index
    %swap3A_45 = tpu.vector_load %arg14[%swap3A] {strides = array<i32>} : memref<16xf32, #tpu.memory_space<vmem>>, vector<16xf32>,
    tpu.vector_store %arg14[%swap3A], %parallel_loop3A_44#1 {strides = array<i32>} : memref<16xf32, #tpu.memory_space<vmem>>, vector<16xf32>,
    %scan3A_46 = arith.constant 0 : i32
    %scan3A_47 = arith.constant 0 : i32
    %scan3A_48 = arith.constant 128 : i32
    %scan3A_49 = arith.addi %scan3A_47, %scan3A_48 : i32
    %scan3A_50 = arith.constant 1 : i32
    scf.for %scan3A_155 = %scan3A_47 to %scan3A_49 step %scan3A_50  : i32 {
      %mul3A_156 = arith.constant 16 : i32
      %mul3A_157 = arith.muli %scan3A_155, %mul3A_156 : i32
      %get3A_158 = arith.index_cast %mul3A_157 : i32 to index
      %get3A_159 = tpu.vector_load %arg5[%get3A_158] {strides = array<i32>} : memref<32896xi32, #tpu.memory_space<vmem>>, vector<16xi32>,
      %mul3A_160 = arith.constant 16 : i32
      %mul3A_161 = arith.muli %scan3A_155, %mul3A_160 : i32
      %add3A_162 = arith.constant 2049 : i32
      %add3A_163 = arith.addi %add3A_162, %mul3A_161 : i32
      %get3A_164 = arith.index_cast %add3A_163 : i32 to index
      %get3A_165 = tpu.vector_load %arg5[%get3A_164] {strides = array<i32>} : memref<32896xi32, #tpu.memory_space<vmem>>, vector<16xi32>,
      %add3A_166 = arith.addi %get3A_159, %get3A_165 : vector<16xi32>
      %mul3A_167 = arith.constant 16 : i32
      %mul3A_168 = arith.muli %scan3A_155, %mul3A_167 : i32
      %add3A_169 = arith.constant 4098 : i32
      %add3A_170 = arith.addi %add3A_169, %mul3A_168 : i32
      %get3A_171 = arith.index_cast %add3A_170 : i32 to index
      %get3A_172 = tpu.vector_load %arg5[%get3A_171] {strides = array<i32>} : memref<32896xi32, #tpu.memory_space<vmem>>, vector<16xi32>,
      %add3A_173 = arith.addi %add3A_166, %get3A_172 : vector<16xi32>
      %mul3A_174 = arith.constant 16 : i32
      %mul3A_175 = arith.muli %scan3A_155, %mul3A_174 : i32
      %add3A_176 = arith.constant 6147 : i32
      %add3A_177 = arith.addi %add3A_176, %mul3A_175 : i32
      %get3A_178 = arith.index_cast %add3A_177 : i32 to index
      %get3A_179 = tpu.vector_load %arg5[%get3A_178] {strides = array<i32>} : memref<32896xi32, #tpu.memory_space<vmem>>, vector<16xi32>,
      %add3A_180 = arith.addi %add3A_173, %get3A_179 : vector<16xi32>
      %mul3A_181 = arith.constant 16 : i32
      %mul3A_182 = arith.muli %scan3A_155, %mul3A_181 : i32
      %add3A_183 = arith.constant 8196 : i32
      %add3A_184 = arith.addi %add3A_183, %mul3A_182 : i32
      %get3A_185 = arith.index_cast %add3A_184 : i32 to index
      %get3A_186 = tpu.vector_load %arg5[%get3A_185] {strides = array<i32>} : memref<32896xi32, #tpu.memory_space<vmem>>, vector<16xi32>,
      %add3A_187 = arith.addi %add3A_180, %get3A_186 : vector<16xi32>
      %mul3A_188 = arith.constant 16 : i32
      %mul3A_189 = arith.muli %scan3A_155, %mul3A_188 : i32
      %add3A_190 = arith.constant 10245 : i32
      %add3A_191 = arith.addi %add3A_190, %mul3A_189 : i32
      %get3A_192 = arith.index_cast %add3A_191 : i32 to index
      %get3A_193 = tpu.vector_load %arg5[%get3A_192] {strides = array<i32>} : memref<32896xi32, #tpu.memory_space<vmem>>, vector<16xi32>,
      %add3A_194 = arith.addi %add3A_187, %get3A_193 : vector<16xi32>
      %mul3A_195 = arith.constant 16 : i32
      %mul3A_196 = arith.muli %scan3A_155, %mul3A_195 : i32
      %add3A_197 = arith.constant 12294 : i32
      %add3A_198 = arith.addi %add3A_197, %mul3A_196 : i32
      %get3A_199 = arith.index_cast %add3A_198 : i32 to index
      %get3A_200 = tpu.vector_load %arg5[%get3A_199] {strides = array<i32>} : memref<32896xi32, #tpu.memory_space<vmem>>, vector<16xi32>,
      %add3A_201 = arith.addi %add3A_194, %get3A_200 : vector<16xi32>
      %mul3A_202 = arith.constant 16 : i32
      %mul3A_203 = arith.muli %scan3A_155, %mul3A_202 : i32
      %add3A_204 = arith.constant 14343 : i32
      %add3A_205 = arith.addi %add3A_204, %mul3A_203 : i32
      %get3A_206 = arith.index_cast %add3A_205 : i32 to index
      %get3A_207 = tpu.vector_load %arg5[%get3A_206] {strides = array<i32>} : memref<32896xi32, #tpu.memory_space<vmem>>, vector<16xi32>,
      %add3A_208 = arith.addi %add3A_201, %get3A_207 : vector<16xi32>
      %mul3A_209 = arith.constant 16 : i32
      %mul3A_210 = arith.muli %scan3A_155, %mul3A_209 : i32
      %add3A_211 = arith.constant 16392 : i32
      %add3A_212 = arith.addi %add3A_211, %mul3A_210 : i32
      %get3A_213 = arith.index_cast %add3A_212 : i32 to index
      %get3A_214 = tpu.vector_load %arg5[%get3A_213] {strides = array<i32>} : memref<32896xi32, #tpu.memory_space<vmem>>, vector<16xi32>,
      %add3A_215 = arith.addi %add3A_208, %get3A_214 : vector<16xi32>
      %mul3A_216 = arith.constant 16 : i32
      %mul3A_217 = arith.muli %scan3A_155, %mul3A_216 : i32
      %add3A_218 = arith.constant 18441 : i32
      %add3A_219 = arith.addi %add3A_218, %mul3A_217 : i32
      %get3A_220 = arith.index_cast %add3A_219 : i32 to index
      %get3A_221 = tpu.vector_load %arg5[%get3A_220] {strides = array<i32>} : memref<32896xi32, #tpu.memory_space<vmem>>, vector<16xi32>,
      %add3A_222 = arith.addi %add3A_215, %get3A_221 : vector<16xi32>
      %mul3A_223 = arith.constant 16 : i32
      %mul3A_224 = arith.muli %scan3A_155, %mul3A_223 : i32
      %add3A_225 = arith.constant 20490 : i32
      %add3A_226 = arith.addi %add3A_225, %mul3A_224 : i32
      %get3A_227 = arith.index_cast %add3A_226 : i32 to index
      %get3A_228 = tpu.vector_load %arg5[%get3A_227] {strides = array<i32>} : memref<32896xi32, #tpu.memory_space<vmem>>, vector<16xi32>,
      %add3A_229 = arith.addi %add3A_222, %get3A_228 : vector<16xi32>
      %mul3A_230 = arith.constant 16 : i32
      %mul3A_231 = arith.muli %scan3A_155, %mul3A_230 : i32
      %add3A_232 = arith.constant 22539 : i32
      %add3A_233 = arith.addi %add3A_232, %mul3A_231 : i32
      %get3A_234 = arith.index_cast %add3A_233 : i32 to index
      %get3A_235 = tpu.vector_load %arg5[%get3A_234] {strides = array<i32>} : memref<32896xi32, #tpu.memory_space<vmem>>, vector<16xi32>,
      %add3A_236 = arith.addi %add3A_229, %get3A_235 : vector<16xi32>
      %mul3A_237 = arith.constant 16 : i32
      %mul3A_238 = arith.muli %scan3A_155, %mul3A_237 : i32
      %add3A_239 = arith.constant 24588 : i32
      %add3A_240 = arith.addi %add3A_239, %mul3A_238 : i32
      %get3A_241 = arith.index_cast %add3A_240 : i32 to index
      %get3A_242 = tpu.vector_load %arg5[%get3A_241] {strides = array<i32>} : memref<32896xi32, #tpu.memory_space<vmem>>, vector<16xi32>,
      %add3A_243 = arith.addi %add3A_236, %get3A_242 : vector<16xi32>
      %mul3A_244 = arith.constant 16 : i32
      %mul3A_245 = arith.muli %scan3A_155, %mul3A_244 : i32
      %add3A_246 = arith.constant 26637 : i32
      %add3A_247 = arith.addi %add3A_246, %mul3A_245 : i32
      %get3A_248 = arith.index_cast %add3A_247 : i32 to index
      %get3A_249 = tpu.vector_load %arg5[%get3A_248] {strides = array<i32>} : memref<32896xi32, #tpu.memory_space<vmem>>, vector<16xi32>,
      %add3A_250 = arith.addi %add3A_243, %get3A_249 : vector<16xi32>
      %mul3A_251 = arith.constant 16 : i32
      %mul3A_252 = arith.muli %scan3A_155, %mul3A_251 : i32
      %add3A_253 = arith.constant 28686 : i32
      %add3A_254 = arith.addi %add3A_253, %mul3A_252 : i32
      %get3A_255 = arith.index_cast %add3A_254 : i32 to index
      %get3A_256 = tpu.vector_load %arg5[%get3A_255] {strides = array<i32>} : memref<32896xi32, #tpu.memory_space<vmem>>, vector<16xi32>,
      %add3A_257 = arith.addi %add3A_250, %get3A_256 : vector<16xi32>
      %mul3A_258 = arith.constant 16 : i32
      %mul3A_259 = arith.muli %scan3A_155, %mul3A_258 : i32
      %add3A_260 = arith.constant 30735 : i32
      %add3A_261 = arith.addi %add3A_260, %mul3A_259 : i32
      %get3A_262 = arith.index_cast %add3A_261 : i32 to index
      %get3A_263 = tpu.vector_load %arg5[%get3A_262] {strides = array<i32>} : memref<32896xi32, #tpu.memory_space<vmem>>, vector<16xi32>,
      %add3A_264 = arith.addi %add3A_257, %get3A_263 : vector<16xi32>
      %mul3A_265 = arith.constant 16 : i32
      %mul3A_266 = arith.muli %scan3A_155, %mul3A_265 : i32
      %swap3A_267 = arith.index_cast %mul3A_266 : i32 to index
      %swap3A_268 = tpu.vector_load %arg6[%swap3A_267] {strides = array<i32>} : memref<2048xi32, #tpu.memory_space<vmem>>, vector<16xi32>,
      tpu.vector_store %arg6[%swap3A_267], %add3A_264 {strides = array<i32>} : memref<2048xi32, #tpu.memory_space<vmem>>, vector<16xi32>,
    }
    %scan3A_51 = arith.constant 128 : i32
    "tpu.region"() ({
      %run_scoped3A = tpu.sem_alloc : memref<!tpu.dma_semaphore, #tpu.memory_space<semaphore_mem>>
      %dma_start3A = arith.constant 0 : i32
      %dma_start3A_155 = tpu.memref_slice %arg6[%dma_start3A] : memref<2048xi32, #tpu.memory_space<vmem>> -> memref<2048xi32, #tpu.memory_space<vmem>>
      %dma_start3A_156 = arith.constant 0 : i32
      %dma_start3A_157 = tpu.memref_slice %arg15[%dma_start3A_156] : memref<2048xi32, #tpu.memory_space<vmem_shared>> -> memref<2048xi32, #tpu.memory_space<vmem_shared>>
      tpu.enqueue_indirect_dma source(%dma_start3A_155 : memref<2048xi32, #tpu.memory_space<vmem>>) target(%dma_start3A_157 : memref<2048xi32, #tpu.memory_space<vmem_shared>>) offsets(%arg7 : memref<2048xi32, #tpu.memory_space<vmem>>) semaphore(%run_scoped3A : memref<!tpu.dma_semaphore, #tpu.memory_space<semaphore_mem>>) {add = true}
      %dma_wait3A = arith.constant 0 : i32
      %dma_wait3A_158 = tpu.memref_slice %arg6[%dma_wait3A] : memref<2048xi32, #tpu.memory_space<vmem>> -> memref<2048xi32, #tpu.memory_space<vmem>>
      %dma_wait3A_159 = arith.constant 0 : i32
      %dma_wait3A_160 = tpu.memref_slice %arg15[%dma_wait3A_159] : memref<2048xi32, #tpu.memory_space<vmem_shared>> -> memref<2048xi32, #tpu.memory_space<vmem_shared>>
      tpu.wait_indirect_dma semaphore(%run_scoped3A : memref<!tpu.dma_semaphore, #tpu.memory_space<semaphore_mem>>) src(%dma_wait3A_158 : memref<2048xi32, #tpu.memory_space<vmem>>) dst(%dma_wait3A_160 : memref<2048xi32, #tpu.memory_space<vmem_shared>>)
      tpu.yield
    }) : () -> ()
    %reduce_sum3A = arith.constant true
    %reduce_sum3A_52 = vector.broadcast %reduce_sum3A : i1 to vector<16xi1>
    %reduce_sum3A_53 = tpu.scan <sum>, %parallel_loop3A_44#0 masked %reduce_sum3A_52 : vector<16xi32>, vector<16xi1> -> vector<16xi32>
    %reduce_sum3A_54 = vector.extract %reduce_sum3A_53[15] : i32 from vector<16xi32>
    %broadcast_in_dim3A_55 = vector.broadcast %reduce_sum3A_54 : i32 to vector<16xi32>
    %swap3A_56 = arith.constant 0 : index
    %swap3A_57 = tpu.vector_load %arg9[%swap3A_56] {strides = array<i32>} : memref<48xi32, #tpu.memory_space<vmem>>, vector<16xi32>,
    tpu.vector_store %arg9[%swap3A_56], %broadcast_in_dim3A_55 {strides = array<i32>} : memref<48xi32, #tpu.memory_space<vmem>>, vector<16xi32>,
    %mul3A_58 = arith.constant 16 : i32
    %mul3A_59 = arith.muli %arg1, %mul3A_58 : i32
    "tpu.region"() ({
      %run_scoped3A = tpu.sem_alloc : memref<!tpu.dma_semaphore, #tpu.memory_space<semaphore_mem>>
      %dma_start3A = arith.constant 0 : i32
      %dma_start3A_155 = tpu.memref_slice %arg9[%dma_start3A] : memref<48xi32, #tpu.memory_space<vmem>> -> memref<16xi32, #tpu.memory_space<vmem>>
      %dma_start3A_156 = tpu.memref_slice %arg17[%mul3A_59] : memref<256xi32, #tpu.memory_space<vmem_shared>> -> memref<16xi32, #tpu.memory_space<vmem_shared>>
      %dma_start3A_157 = tpu.memref_slice %arg17[%mul3A_59] : memref<256xi32, #tpu.memory_space<vmem_shared>> -> memref<16xi32, #tpu.memory_space<vmem_shared>>
      %dma_start3A_158 = arith.constant 0 : i32
      %dma_start3A_159 = tpu.memref_slice %arg9[%dma_start3A_158] : memref<48xi32, #tpu.memory_space<vmem>> -> memref<16xi32, #tpu.memory_space<vmem>>
      tpu.enqueue_dma source(%dma_start3A_159 : memref<16xi32, #tpu.memory_space<vmem>>) target(%dma_start3A_157 : memref<16xi32, #tpu.memory_space<vmem_shared>>) target_semaphore(%run_scoped3A : memref<!tpu.dma_semaphore, #tpu.memory_space<semaphore_mem>>)
      %dma_wait3A = arith.constant 0 : i32
      %dma_wait3A_160 = tpu.memref_slice %arg9[%dma_wait3A] : memref<48xi32, #tpu.memory_space<vmem>> -> memref<16xi32, #tpu.memory_space<vmem>>
      %dma_wait3A_161 = tpu.memref_slice %arg17[%mul3A_59] : memref<256xi32, #tpu.memory_space<vmem_shared>> -> memref<16xi32, #tpu.memory_space<vmem_shared>>
      %dma_wait3A_162 = tpu.memref_slice %arg17[%mul3A_59] : memref<256xi32, #tpu.memory_space<vmem_shared>> -> memref<16xi32, #tpu.memory_space<vmem_shared>>
      %dma_wait3A_163 = arith.constant 0 : i32
      %dma_wait3A_164 = tpu.memref_slice %arg9[%dma_wait3A_163] : memref<48xi32, #tpu.memory_space<vmem>> -> memref<16xi32, #tpu.memory_space<vmem>>
      tpu.wait_dma2 semaphore(%run_scoped3A : memref<!tpu.dma_semaphore, #tpu.memory_space<semaphore_mem>>) src(%dma_wait3A_164 : memref<16xi32, #tpu.memory_space<vmem>>) dst(%dma_wait3A_162 : memref<16xi32, #tpu.memory_space<vmem_shared>>)
      tpu.yield
    }) : () -> ()
    %broadcast_in_dim3A_60 = arith.constant 0 : i32
    %broadcast_in_dim3A_61 = vector.broadcast %broadcast_in_dim3A_60 : i32 to vector<16xi32>
    %scan3A_62 = arith.constant 0 : i32
    %scan3A_63 = arith.constant 0 : i32
    %scan3A_64 = arith.constant 129 : i32
    %scan3A_65 = arith.addi %scan3A_63, %scan3A_64 : i32
    %scan3A_66 = arith.constant 1 : i32
    scf.for %scan3A_155 = %scan3A_63 to %scan3A_65 step %scan3A_66  : i32 {
      %mul3A_156 = arith.constant 8 : i32
      %mul3A_157 = arith.muli %scan3A_155, %mul3A_156 : i32
      %add3A_158 = arith.constant 0 : i32
      %add3A_159 = arith.addi %mul3A_157, %add3A_158 : i32
      %mul3A_160 = arith.constant 16 : i32
      %mul3A_161 = arith.muli %add3A_159, %mul3A_160 : i32
      %swap3A_162 = arith.index_cast %mul3A_161 : i32 to index
      %swap3A_163 = tpu.vector_load %arg5[%swap3A_162] {strides = array<i32>} : memref<32896xi32, #tpu.memory_space<vmem>>, vector<16xi32>,
      tpu.vector_store %arg5[%swap3A_162], %broadcast_in_dim3A_61 {strides = array<i32>} : memref<32896xi32, #tpu.memory_space<vmem>>, vector<16xi32>,
      %mul3A_164 = arith.constant 8 : i32
      %mul3A_165 = arith.muli %scan3A_155, %mul3A_164 : i32
      %add3A_166 = arith.constant 1 : i32
      %add3A_167 = arith.addi %mul3A_165, %add3A_166 : i32
      %mul3A_168 = arith.constant 16 : i32
      %mul3A_169 = arith.muli %add3A_167, %mul3A_168 : i32
      %swap3A_170 = arith.index_cast %mul3A_169 : i32 to index
      %swap3A_171 = tpu.vector_load %arg5[%swap3A_170] {strides = array<i32>} : memref<32896xi32, #tpu.memory_space<vmem>>, vector<16xi32>,
      tpu.vector_store %arg5[%swap3A_170], %broadcast_in_dim3A_61 {strides = array<i32>} : memref<32896xi32, #tpu.memory_space<vmem>>, vector<16xi32>,
      %mul3A_172 = arith.constant 8 : i32
      %mul3A_173 = arith.muli %scan3A_155, %mul3A_172 : i32
      %add3A_174 = arith.constant 2 : i32
      %add3A_175 = arith.addi %mul3A_173, %add3A_174 : i32
      %mul3A_176 = arith.constant 16 : i32
      %mul3A_177 = arith.muli %add3A_175, %mul3A_176 : i32
      %swap3A_178 = arith.index_cast %mul3A_177 : i32 to index
      %swap3A_179 = tpu.vector_load %arg5[%swap3A_178] {strides = array<i32>} : memref<32896xi32, #tpu.memory_space<vmem>>, vector<16xi32>,
      tpu.vector_store %arg5[%swap3A_178], %broadcast_in_dim3A_61 {strides = array<i32>} : memref<32896xi32, #tpu.memory_space<vmem>>, vector<16xi32>,
      %mul3A_180 = arith.constant 8 : i32
      %mul3A_181 = arith.muli %scan3A_155, %mul3A_180 : i32
      %add3A_182 = arith.constant 3 : i32
      %add3A_183 = arith.addi %mul3A_181, %add3A_182 : i32
      %mul3A_184 = arith.constant 16 : i32
      %mul3A_185 = arith.muli %add3A_183, %mul3A_184 : i32
      %swap3A_186 = arith.index_cast %mul3A_185 : i32 to index
      %swap3A_187 = tpu.vector_load %arg5[%swap3A_186] {strides = array<i32>} : memref<32896xi32, #tpu.memory_space<vmem>>, vector<16xi32>,
      tpu.vector_store %arg5[%swap3A_186], %broadcast_in_dim3A_61 {strides = array<i32>} : memref<32896xi32, #tpu.memory_space<vmem>>, vector<16xi32>,
      %mul3A_188 = arith.constant 8 : i32
      %mul3A_189 = arith.muli %scan3A_155, %mul3A_188 : i32
      %add3A_190 = arith.constant 4 : i32
      %add3A_191 = arith.addi %mul3A_189, %add3A_190 : i32
      %mul3A_192 = arith.constant 16 : i32
      %mul3A_193 = arith.muli %add3A_191, %mul3A_192 : i32
      %swap3A_194 = arith.index_cast %mul3A_193 : i32 to index
      %swap3A_195 = tpu.vector_load %arg5[%swap3A_194] {strides = array<i32>} : memref<32896xi32, #tpu.memory_space<vmem>>, vector<16xi32>,
      tpu.vector_store %arg5[%swap3A_194], %broadcast_in_dim3A_61 {strides = array<i32>} : memref<32896xi32, #tpu.memory_space<vmem>>, vector<16xi32>,
      %mul3A_196 = arith.constant 8 : i32
      %mul3A_197 = arith.muli %scan3A_155, %mul3A_196 : i32
      %add3A_198 = arith.constant 5 : i32
      %add3A_199 = arith.addi %mul3A_197, %add3A_198 : i32
      %mul3A_200 = arith.constant 16 : i32
      %mul3A_201 = arith.muli %add3A_199, %mul3A_200 : i32
      %swap3A_202 = arith.index_cast %mul3A_201 : i32 to index
      %swap3A_203 = tpu.vector_load %arg5[%swap3A_202] {strides = array<i32>} : memref<32896xi32, #tpu.memory_space<vmem>>, vector<16xi32>,
      tpu.vector_store %arg5[%swap3A_202], %broadcast_in_dim3A_61 {strides = array<i32>} : memref<32896xi32, #tpu.memory_space<vmem>>, vector<16xi32>,
      %mul3A_204 = arith.constant 8 : i32
      %mul3A_205 = arith.muli %scan3A_155, %mul3A_204 : i32
      %add3A_206 = arith.constant 6 : i32
      %add3A_207 = arith.addi %mul3A_205, %add3A_206 : i32
      %mul3A_208 = arith.constant 16 : i32
      %mul3A_209 = arith.muli %add3A_207, %mul3A_208 : i32
      %swap3A_210 = arith.index_cast %mul3A_209 : i32 to index
      %swap3A_211 = tpu.vector_load %arg5[%swap3A_210] {strides = array<i32>} : memref<32896xi32, #tpu.memory_space<vmem>>, vector<16xi32>,
      tpu.vector_store %arg5[%swap3A_210], %broadcast_in_dim3A_61 {strides = array<i32>} : memref<32896xi32, #tpu.memory_space<vmem>>, vector<16xi32>,
      %mul3A_212 = arith.constant 8 : i32
      %mul3A_213 = arith.muli %scan3A_155, %mul3A_212 : i32
      %add3A_214 = arith.constant 7 : i32
      %add3A_215 = arith.addi %mul3A_213, %add3A_214 : i32
      %mul3A_216 = arith.constant 16 : i32
      %mul3A_217 = arith.muli %add3A_215, %mul3A_216 : i32
      %swap3A_218 = arith.index_cast %mul3A_217 : i32 to index
      %swap3A_219 = tpu.vector_load %arg5[%swap3A_218] {strides = array<i32>} : memref<32896xi32, #tpu.memory_space<vmem>>, vector<16xi32>,
      tpu.vector_store %arg5[%swap3A_218], %broadcast_in_dim3A_61 {strides = array<i32>} : memref<32896xi32, #tpu.memory_space<vmem>>, vector<16xi32>,
    }
    %scan3A_67 = arith.constant 129 : i32
    %barrier3A_68 = arith.constant 0 : index
    tpu.barrier barrier_id(%barrier3A_68)
    %eq3A_69 = arith.constant 0 : i32
    %eq3A_70 = arith.cmpi eq, %arg1, %eq3A_69 : i32
    %convert_element_type3A_71 = arith.extui %eq3A_70 : i1 to i32
    %cond3A_72 = arith.constant 0 : i32
    %cond3A_73 = arith.cmpi ne, %convert_element_type3A_71, %cond3A_72 : i32
    scf.if %cond3A_73 {
      "tpu.region"() ({
        %run_scoped3A = tpu.sem_alloc : memref<!tpu.dma_semaphore, #tpu.memory_space<semaphore_mem>>
        tpu.enqueue_dma source(%arg17 : memref<256xi32, #tpu.memory_space<vmem_shared>>) target(%arg11 : memref<256xi32, #tpu.memory_space<vmem>>) target_semaphore(%run_scoped3A : memref<!tpu.dma_semaphore, #tpu.memory_space<semaphore_mem>>)
        tpu.wait_dma2 semaphore(%run_scoped3A : memref<!tpu.dma_semaphore, #tpu.memory_space<semaphore_mem>>) src(%arg17 : memref<256xi32, #tpu.memory_space<vmem_shared>>) dst(%arg11 : memref<256xi32, #tpu.memory_space<vmem>>)
        tpu.yield
      }) : () -> ()
      %get3A_155 = arith.constant 0 : index
      %get3A_156 = tpu.vector_load %arg11[%get3A_155] {strides = array<i32>} : memref<256xi32, #tpu.memory_space<vmem>>, vector<16xi32>,
      %get3A_157 = arith.constant 16 : index
      %get3A_158 = tpu.vector_load %arg11[%get3A_157] {strides = array<i32>} : memref<256xi32, #tpu.memory_space<vmem>>, vector<16xi32>,
      %add3A_159 = arith.addi %get3A_156, %get3A_158 : vector<16xi32>
      %get3A_160 = arith.constant 32 : index
      %get3A_161 = tpu.vector_load %arg11[%get3A_160] {strides = array<i32>} : memref<256xi32, #tpu.memory_space<vmem>>, vector<16xi32>,
      %add3A_162 = arith.addi %add3A_159, %get3A_161 : vector<16xi32>
      %get3A_163 = arith.constant 48 : index
      %get3A_164 = tpu.vector_load %arg11[%get3A_163] {strides = array<i32>} : memref<256xi32, #tpu.memory_space<vmem>>, vector<16xi32>,
      %add3A_165 = arith.addi %add3A_162, %get3A_164 : vector<16xi32>
      %get3A_166 = arith.constant 64 : index
      %get3A_167 = tpu.vector_load %arg11[%get3A_166] {strides = array<i32>} : memref<256xi32, #tpu.memory_space<vmem>>, vector<16xi32>,
      %add3A_168 = arith.addi %add3A_165, %get3A_167 : vector<16xi32>
      %get3A_169 = arith.constant 80 : index
      %get3A_170 = tpu.vector_load %arg11[%get3A_169] {strides = array<i32>} : memref<256xi32, #tpu.memory_space<vmem>>, vector<16xi32>,
      %add3A_171 = arith.addi %add3A_168, %get3A_170 : vector<16xi32>
      %get3A_172 = arith.constant 96 : index
      %get3A_173 = tpu.vector_load %arg11[%get3A_172] {strides = array<i32>} : memref<256xi32, #tpu.memory_space<vmem>>, vector<16xi32>,
      %add3A_174 = arith.addi %add3A_171, %get3A_173 : vector<16xi32>
      %get3A_175 = arith.constant 112 : index
      %get3A_176 = tpu.vector_load %arg11[%get3A_175] {strides = array<i32>} : memref<256xi32, #tpu.memory_space<vmem>>, vector<16xi32>,
      %add3A_177 = arith.addi %add3A_174, %get3A_176 : vector<16xi32>
      %get3A_178 = arith.constant 128 : index
      %get3A_179 = tpu.vector_load %arg11[%get3A_178] {strides = array<i32>} : memref<256xi32, #tpu.memory_space<vmem>>, vector<16xi32>,
      %add3A_180 = arith.addi %add3A_177, %get3A_179 : vector<16xi32>
      %get3A_181 = arith.constant 144 : index
      %get3A_182 = tpu.vector_load %arg11[%get3A_181] {strides = array<i32>} : memref<256xi32, #tpu.memory_space<vmem>>, vector<16xi32>,
      %add3A_183 = arith.addi %add3A_180, %get3A_182 : vector<16xi32>
      %get3A_184 = arith.constant 160 : index
      %get3A_185 = tpu.vector_load %arg11[%get3A_184] {strides = array<i32>} : memref<256xi32, #tpu.memory_space<vmem>>, vector<16xi32>,
      %add3A_186 = arith.addi %add3A_183, %get3A_185 : vector<16xi32>
      %get3A_187 = arith.constant 176 : index
      %get3A_188 = tpu.vector_load %arg11[%get3A_187] {strides = array<i32>} : memref<256xi32, #tpu.memory_space<vmem>>, vector<16xi32>,
      %add3A_189 = arith.addi %add3A_186, %get3A_188 : vector<16xi32>
      %get3A_190 = arith.constant 192 : index
      %get3A_191 = tpu.vector_load %arg11[%get3A_190] {strides = array<i32>} : memref<256xi32, #tpu.memory_space<vmem>>, vector<16xi32>,
      %add3A_192 = arith.addi %add3A_189, %get3A_191 : vector<16xi32>
      %get3A_193 = arith.constant 208 : index
      %get3A_194 = tpu.vector_load %arg11[%get3A_193] {strides = array<i32>} : memref<256xi32, #tpu.memory_space<vmem>>, vector<16xi32>,
      %add3A_195 = arith.addi %add3A_192, %get3A_194 : vector<16xi32>
      %get3A_196 = arith.constant 224 : index
      %get3A_197 = tpu.vector_load %arg11[%get3A_196] {strides = array<i32>} : memref<256xi32, #tpu.memory_space<vmem>>, vector<16xi32>,
      %add3A_198 = arith.addi %add3A_195, %get3A_197 : vector<16xi32>
      %get3A_199 = arith.constant 240 : index
      %get3A_200 = tpu.vector_load %arg11[%get3A_199] {strides = array<i32>} : memref<256xi32, #tpu.memory_space<vmem>>, vector<16xi32>,
      %add3A_201 = arith.addi %add3A_198, %get3A_200 : vector<16xi32>
      %reduce_max3A = arith.constant true
      %reduce_max3A_202 = vector.broadcast %reduce_max3A : i1 to vector<16xi1>
      %reduce_max3A_203 = arith.constant -2147483648 : i32
      %reduce_max3A_204 = vector.broadcast %reduce_max3A_203 : i32 to vector<16xi32>
      %reduce_max3A_205 = arith.xori %add3A_201, %reduce_max3A_204 : vector<16xi32>
      %reduce_max3A_206 = tpu.scan <max>, %reduce_max3A_205 masked %reduce_max3A_202 : vector<16xi32>, vector<16xi1> -> vector<16xi32>
      %reduce_max3A_207 = arith.xori %reduce_max3A_206, %reduce_max3A_204 : vector<16xi32>
      %reduce_max3A_208 = vector.extract %reduce_max3A_207[15] : i32 from vector<16xi32>
      %sub3A = arith.constant 1048576 : i32
      %sub3A_209 = arith.subi %sub3A, %reduce_max3A_208 : i32
      %mul3A_210 = arith.constant 7 : i32
      %mul3A_211 = arith.muli %sub3A_209, %mul3A_210 : i32
      %jit3A = arith.constant 10 : i32
      %div3A = arith.divsi %mul3A_211, %jit3A : i32
      %sign3A = arith.constant 0 : i32
      %sign3A_212 = arith.cmpi sgt, %mul3A_211, %sign3A : i32
      %sign3A_213 = arith.extui %sign3A_212 : i1 to i32
      %sign3A_214 = arith.constant 0 : i32
      %sign3A_215 = arith.cmpi slt, %mul3A_211, %sign3A_214 : i32
      %sign3A_216 = arith.extui %sign3A_215 : i1 to i32
      %sign3A_217 = arith.subi %sign3A_213, %sign3A_216 : i32
      %sign3A_218 = arith.constant 0 : i32
      %sign3A_219 = arith.cmpi sgt, %jit3A, %sign3A_218 : i32
      %sign3A_220 = arith.extui %sign3A_219 : i1 to i32
      %sign3A_221 = arith.constant 0 : i32
      %sign3A_222 = arith.cmpi slt, %jit3A, %sign3A_221 : i32
      %sign3A_223 = arith.extui %sign3A_222 : i1 to i32
      %sign3A_224 = arith.subi %sign3A_220, %sign3A_223 : i32
      %ne3A = arith.cmpi ne, %sign3A_217, %sign3A_224 : i32
      %rem3A = arith.remsi %mul3A_211, %jit3A : i32
      %ne3A_225 = arith.constant 0 : i32
      %ne3A_226 = arith.cmpi ne, %rem3A, %ne3A_225 : i32
      %and3A_227 = arith.andi %ne3A, %ne3A_226 : i1
      %sub3A_228 = arith.constant 1 : i32
      %sub3A_229 = arith.subi %div3A, %sub3A_228 : i32
      %select_n3A = arith.select %and3A_227, %sub3A_229, %div3A : i32
      %max3A = arith.constant 100000 : i32
      %max3A_230 = arith.maxsi %max3A, %select_n3A : i32
      %min3A = arith.minsi %max3A_230, %sub3A_209 : i32
      "tpu.region"() ({
        %run_scoped3A = tpu.sem_alloc : memref<!tpu.dma_semaphore, #tpu.memory_space<semaphore_mem>>
        tpu.enqueue_dma source(%arg15 : memref<2048xi32, #tpu.memory_space<vmem_shared>>) target(%arg6 : memref<2048xi32, #tpu.memory_space<vmem>>) target_semaphore(%run_scoped3A : memref<!tpu.dma_semaphore, #tpu.memory_space<semaphore_mem>>)
        tpu.wait_dma2 semaphore(%run_scoped3A : memref<!tpu.dma_semaphore, #tpu.memory_space<semaphore_mem>>) src(%arg15 : memref<2048xi32, #tpu.memory_space<vmem_shared>>) dst(%arg6 : memref<2048xi32, #tpu.memory_space<vmem>>)
        tpu.yield
      }) : () -> ()
      %iota3A_231 = tpu.iota {dimensions = array<i32: 0>} : vector<16xi32>
      %scan3A_232 = arith.constant 0.000000e+00 : f32
      %scan3A_233 = arith.constant 0 : i32
      %scan3A_234 = arith.constant -1 : i32
      %scan3A_235 = arith.constant 0 : i32
      %scan3A_236 = arith.constant 0 : i32
      %scan3A_237 = arith.constant 0.000000e+00 : f32
      %scan3A_238 = arith.constant 0 : i32
      %scan3A_239 = arith.constant 128 : i32
      %scan3A_240 = arith.addi %scan3A_238, %scan3A_239 : i32
      %scan3A_241 = arith.constant 1 : i32
      %scan3A_242:5 = scf.for %scan3A_253 = %scan3A_238 to %scan3A_240 step %scan3A_241 iter_args(%scan3A_254 = %scan3A_233, %scan3A_255 = %scan3A_234, %scan3A_256 = %scan3A_235, %scan3A_257 = %scan3A_236, %scan3A_258 = %scan3A_237) -> (i32, i32, i32, i32, f32)  : i32 {
        %sub3A_259 = arith.constant 127 : i32
        %sub3A_260 = arith.subi %sub3A_259, %scan3A_253 : i32
        %mul3A_261 = arith.constant 16 : i32
        %mul3A_262 = arith.muli %sub3A_260, %mul3A_261 : i32
        %get3A_263 = arith.index_cast %mul3A_262 : i32 to index
        %get3A_264 = tpu.vector_load %arg6[%get3A_263] {strides = array<i32>} : memref<2048xi32, #tpu.memory_space<vmem>>, vector<16xi32>,
        %rev3A = arith.constant 15 : i32
        %rev3A_265 = vector.broadcast %rev3A : i32 to vector<16xi32>
        %rev3A_266 = tpu.iota {dimensions = array<i32: 0>} : vector<16xi32>
        %rev3A_267 = arith.subi %rev3A_265, %rev3A_266 : vector<16xi32>
        %rev3A_268 = tpu.dynamic_gather %get3A_264[%rev3A_267] in [0] : vector<16xi32>, vector<16xi32> -> vector<16xi32>
        %broadcast_in_dim3A_269 = arith.constant true
        %broadcast_in_dim3A_270 = vector.broadcast %broadcast_in_dim3A_269 : i1 to vector<16xi1>
        %masked_cumsum3A = tpu.scan <sum>, %rev3A_268 masked %broadcast_in_dim3A_270 : vector<16xi32>, vector<16xi1> -> vector<16xi32>
        %add3A_271 = vector.broadcast %scan3A_254 : i32 to vector<16xi32>
        %add3A_272 = arith.addi %add3A_271, %masked_cumsum3A : vector<16xi32>
        %ge3A = vector.broadcast %min3A : i32 to vector<16xi32>
        %ge3A_273 = arith.cmpi sge, %add3A_272, %ge3A : vector<16xi32>
        %all_reduce_ffs3A = tpu.all_reduce %ge3A_273 {dim = 0 : i64, kind = #tpu.reduction_kind<find_first_set>} : vector<16xi1> -> vector<16xi32>
        %reduce_max3A_274 = arith.constant true
        %reduce_max3A_275 = vector.broadcast %reduce_max3A_274 : i1 to vector<16xi1>
        %reduce_max3A_276 = arith.constant -2147483648 : i32
        %reduce_max3A_277 = vector.broadcast %reduce_max3A_276 : i32 to vector<16xi32>
        %reduce_max3A_278 = arith.xori %all_reduce_ffs3A, %reduce_max3A_277 : vector<16xi32>
        %reduce_max3A_279 = tpu.scan <max>, %reduce_max3A_278 masked %reduce_max3A_275 : vector<16xi32>, vector<16xi1> -> vector<16xi32>
        %reduce_max3A_280 = arith.xori %reduce_max3A_279, %reduce_max3A_277 : vector<16xi32>
        %reduce_max3A_281 = vector.extract %reduce_max3A_280[15] : i32 from vector<16xi32>
        %lt3A = arith.constant 16 : i32
        %lt3A_282 = arith.cmpi slt, %reduce_max3A_281, %lt3A : i32
        %lt3A_283 = arith.constant 0 : i32
        %lt3A_284 = arith.cmpi slt, %scan3A_255, %lt3A_283 : i32
        %and3A_285 = arith.andi %lt3A_282, %lt3A_284 : i1
        %mul3A_286 = arith.constant 16 : i32
        %mul3A_287 = arith.muli %sub3A_260, %mul3A_286 : i32
        %add3A_288 = arith.constant 15 : i32
        %add3A_289 = arith.addi %mul3A_287, %add3A_288 : i32
        %sub3A_290 = arith.subi %add3A_289, %reduce_max3A_281 : i32
        %min3A_291 = arith.constant 15 : i32
        %min3A_292 = vector.broadcast %min3A_291 : i32 to vector<16xi32>
        %min3A_293 = arith.minsi %all_reduce_ffs3A, %min3A_292 : vector<16xi32>
        %eq3A_294 = arith.cmpi eq, %iota3A_231, %min3A_293 : vector<16xi32>
        %sub3A_295 = arith.subi %masked_cumsum3A, %rev3A_268 : vector<16xi32>
        %jit3A_296 = arith.constant 0 : i32
        %broadcast_in_dim3A_297 = vector.broadcast %jit3A_296 : i32 to vector<16xi32>
        %select_n3A_298 = arith.select %eq3A_294, %sub3A_295, %broadcast_in_dim3A_297 : vector<16xi1>, vector<16xi32>
        %reduce_sum3A_299 = arith.constant true
        %reduce_sum3A_300 = vector.broadcast %reduce_sum3A_299 : i1 to vector<16xi1>
        %reduce_sum3A_301 = tpu.scan <sum>, %select_n3A_298 masked %reduce_sum3A_300 : vector<16xi32>, vector<16xi1> -> vector<16xi32>
        %reduce_sum3A_302 = vector.extract %reduce_sum3A_301[15] : i32 from vector<16xi32>
        %jit3A_303 = arith.constant 0 : i32
        %broadcast_in_dim3A_304 = vector.broadcast %jit3A_303 : i32 to vector<16xi32>
        %select_n3A_305 = arith.select %eq3A_294, %masked_cumsum3A, %broadcast_in_dim3A_304 : vector<16xi1>, vector<16xi32>
        %reduce_sum3A_306 = arith.constant true
        %reduce_sum3A_307 = vector.broadcast %reduce_sum3A_306 : i1 to vector<16xi1>
        %reduce_sum3A_308 = tpu.scan <sum>, %select_n3A_305 masked %reduce_sum3A_307 : vector<16xi32>, vector<16xi1> -> vector<16xi32>
        %reduce_sum3A_309 = vector.extract %reduce_sum3A_308[15] : i32 from vector<16xi32>
        %select_n3A_310 = arith.select %and3A_285, %sub3A_290, %scan3A_255 : i32
        %add3A_311 = arith.addi %scan3A_254, %reduce_sum3A_302 : i32
        %sub3A_312 = arith.subi %min3A, %add3A_311 : i32
        %select_n3A_313 = arith.select %and3A_285, %sub3A_312, %scan3A_256 : i32
        %add3A_314 = arith.addi %scan3A_254, %reduce_sum3A_309 : i32
        %select_n3A_315 = arith.select %and3A_285, %add3A_314, %scan3A_257 : i32
        %add3A_316 = arith.constant 0.000000e+00 : f32
        %add3A_317 = arith.addf %scan3A_232, %add3A_316 : f32
        %select_n3A_318 = arith.select %and3A_285, %add3A_317, %scan3A_258 : f32
        %reduce_max3A_319 = arith.constant true
        %reduce_max3A_320 = vector.broadcast %reduce_max3A_319 : i1 to vector<16xi1>
        %reduce_max3A_321 = arith.constant -2147483648 : i32
        %reduce_max3A_322 = vector.broadcast %reduce_max3A_321 : i32 to vector<16xi32>
        %reduce_max3A_323 = arith.xori %masked_cumsum3A, %reduce_max3A_322 : vector<16xi32>
        %reduce_max3A_324 = tpu.scan <max>, %reduce_max3A_323 masked %reduce_max3A_320 : vector<16xi32>, vector<16xi1> -> vector<16xi32>
        %reduce_max3A_325 = arith.xori %reduce_max3A_324, %reduce_max3A_322 : vector<16xi32>
        %reduce_max3A_326 = vector.extract %reduce_max3A_325[15] : i32 from vector<16xi32>
        %add3A_327 = arith.addi %scan3A_254, %reduce_max3A_326 : i32
        scf.yield %add3A_327, %select_n3A_310, %select_n3A_313, %select_n3A_315, %select_n3A_318 : i32, i32, i32, i32, f32
      }
      %scan3A_243 = arith.constant 128 : i32
      %broadcast_in_dim3A_244 = vector.broadcast %scan3A_242#1 : i32 to vector<16xi32>
      %swap3A_245 = arith.constant 0 : index
      %swap3A_246 = tpu.vector_load %arg9[%swap3A_245] {strides = array<i32>} : memref<48xi32, #tpu.memory_space<vmem>>, vector<16xi32>,
      tpu.vector_store %arg9[%swap3A_245], %broadcast_in_dim3A_244 {strides = array<i32>} : memref<48xi32, #tpu.memory_space<vmem>>, vector<16xi32>,
      %broadcast_in_dim3A_247 = vector.broadcast %scan3A_242#2 : i32 to vector<16xi32>
      %swap3A_248 = arith.constant 16 : index
      %swap3A_249 = tpu.vector_load %arg9[%swap3A_248] {strides = array<i32>} : memref<48xi32, #tpu.memory_space<vmem>>, vector<16xi32>,
      tpu.vector_store %arg9[%swap3A_248], %broadcast_in_dim3A_247 {strides = array<i32>} : memref<48xi32, #tpu.memory_space<vmem>>, vector<16xi32>,
      %broadcast_in_dim3A_250 = vector.broadcast %sub3A_209 : i32 to vector<16xi32>
      %swap3A_251 = arith.constant 32 : index
      %swap3A_252 = tpu.vector_load %arg9[%swap3A_251] {strides = array<i32>} : memref<48xi32, #tpu.memory_space<vmem>>, vector<16xi32>,
      tpu.vector_store %arg9[%swap3A_251], %broadcast_in_dim3A_250 {strides = array<i32>} : memref<48xi32, #tpu.memory_space<vmem>>, vector<16xi32>,
      "tpu.region"() ({
        %run_scoped3A = tpu.sem_alloc : memref<!tpu.dma_semaphore, #tpu.memory_space<semaphore_mem>>
        tpu.enqueue_dma source(%arg9 : memref<48xi32, #tpu.memory_space<vmem>>) target(%arg18 : memref<48xi32, #tpu.memory_space<vmem_shared>>) target_semaphore(%run_scoped3A : memref<!tpu.dma_semaphore, #tpu.memory_space<semaphore_mem>>)
        tpu.wait_dma2 semaphore(%run_scoped3A : memref<!tpu.dma_semaphore, #tpu.memory_space<semaphore_mem>>) src(%arg9 : memref<48xi32, #tpu.memory_space<vmem>>) dst(%arg18 : memref<48xi32, #tpu.memory_space<vmem_shared>>)
        tpu.yield
      }) : () -> ()
    } else {
    }
    %barrier3A_74 = arith.constant 0 : index
    tpu.barrier barrier_id(%barrier3A_74)
    "tpu.region"() ({
      %run_scoped3A = tpu.sem_alloc : memref<!tpu.dma_semaphore, #tpu.memory_space<semaphore_mem>>
      tpu.enqueue_dma source(%arg18 : memref<48xi32, #tpu.memory_space<vmem_shared>>) target(%arg9 : memref<48xi32, #tpu.memory_space<vmem>>) target_semaphore(%run_scoped3A : memref<!tpu.dma_semaphore, #tpu.memory_space<semaphore_mem>>)
      tpu.wait_dma2 semaphore(%run_scoped3A : memref<!tpu.dma_semaphore, #tpu.memory_space<semaphore_mem>>) src(%arg18 : memref<48xi32, #tpu.memory_space<vmem_shared>>) dst(%arg9 : memref<48xi32, #tpu.memory_space<vmem>>)
      tpu.yield
    }) : () -> ()
    %get3A = arith.constant 0 : index
    %get3A_75 = tpu.vector_load %arg9[%get3A] {strides = array<i32>} : memref<48xi32, #tpu.memory_space<vmem>>, vector<16xi32>,
    %mul3A_76 = arith.constant 1025 : i32
    %mul3A_77 = vector.broadcast %mul3A_76 : i32 to vector<16xi32>
    %mul3A_78 = arith.muli %iota3A, %mul3A_77 : vector<16xi32>
    %parallel_loop3A_79 = arith.constant 0 : i32
    %parallel_loop3A_80 = arith.constant 4096 : i32
    %parallel_loop3A_81 = arith.constant 1 : i32
    %parallel_loop3A_82:2 = scf.for %parallel_loop3A_155 = %parallel_loop3A_79 to %parallel_loop3A_80 step %parallel_loop3A_81 iter_args(%parallel_loop3A_156 = %broadcast_in_dim3A_2, %parallel_loop3A_157 = %broadcast_in_dim3A_2) -> (vector<16xf32>, vector<16xf32>)  : i32 {
      %parallel_loop3A_158 = arith.constant 5 : i32
      %parallel_loop3A_159 = arith.shrui %parallel_loop3A_155, %parallel_loop3A_158 : i32
      %parallel_loop3A_160 = arith.constant 31 : i32
      %parallel_loop3A_161 = arith.andi %parallel_loop3A_155, %parallel_loop3A_160 : i32
      %parallel_loop3A_162 = arith.constant 16 : i32
      %parallel_loop3A_163 = arith.muli %parallel_loop3A_161, %parallel_loop3A_162 : i32
      %parallel_loop3A_164 = arith.index_cast %parallel_loop3A_159 : i32 to index
      %parallel_loop3A_165 = arith.index_cast %parallel_loop3A_163 : i32 to index
      %parallel_loop3A_166 = tpu.vector_load %arg4[%parallel_loop3A_164, %parallel_loop3A_165] {strides = array<i32>} : memref<128x512xf32, #tpu.memory_space<vmem>>, vector<16xf32>,
      %parallel_loop3A_167 = tpu.bitcast %parallel_loop3A_166 : vector<16xf32> -> vector<16xi32>
      %parallel_loop3A_168 = arith.constant 20 : i32
      %parallel_loop3A_169 = vector.broadcast %parallel_loop3A_168 : i32 to vector<16xi32>
      %parallel_loop3A_170 = arith.shrui %parallel_loop3A_167, %parallel_loop3A_169 : vector<16xi32>
      %parallel_loop3A_171 = arith.constant 10 : i32
      %parallel_loop3A_172 = vector.broadcast %parallel_loop3A_171 : i32 to vector<16xi32>
      %parallel_loop3A_173 = arith.shrui %parallel_loop3A_167, %parallel_loop3A_172 : vector<16xi32>
      %parallel_loop3A_174 = arith.constant 1023 : i32
      %parallel_loop3A_175 = vector.broadcast %parallel_loop3A_174 : i32 to vector<16xi32>
      %parallel_loop3A_176 = arith.andi %parallel_loop3A_173, %parallel_loop3A_175 : vector<16xi32>
      %parallel_loop3A_177 = arith.addi %mul3A_78, %parallel_loop3A_176 : vector<16xi32>
      %parallel_loop3A_178 = arith.cmpi eq, %parallel_loop3A_170, %get3A_75 : vector<16xi32>
      tpu.vector_store_idx %arg5[%parallel_loop3A_177], %broadcast_in_dim3A_0 masked %parallel_loop3A_178 {add = true} : memref<32896xi32, #tpu.memory_space<vmem>>[vector<16xi32>], vector<16xi32>, vector<16xi1>
      %parallel_loop3A_179 = arith.cmpi sgt, %parallel_loop3A_170, %get3A_75 : vector<16xi32>
      %parallel_loop3A_180 = arith.constant 0.000000e+00 : f32
      %parallel_loop3A_181 = vector.broadcast %parallel_loop3A_180 : f32 to vector<16xf32>
      %parallel_loop3A_182 = arith.select %parallel_loop3A_179, %parallel_loop3A_166, %parallel_loop3A_181 : vector<16xi1>, vector<16xf32>
      %parallel_loop3A_183 = arith.addf %parallel_loop3A_156, %parallel_loop3A_182 : vector<16xf32>
      %parallel_loop3A_184 = arith.constant 1.000000e+00 : f32
      %parallel_loop3A_185 = arith.constant 0.000000e+00 : f32
      %parallel_loop3A_186 = vector.broadcast %parallel_loop3A_184 : f32 to vector<16xf32>
      %parallel_loop3A_187 = vector.broadcast %parallel_loop3A_185 : f32 to vector<16xf32>
      %parallel_loop3A_188 = arith.select %parallel_loop3A_179, %parallel_loop3A_186, %parallel_loop3A_187 : vector<16xi1>, vector<16xf32>
      %parallel_loop3A_189 = arith.addf %parallel_loop3A_157, %parallel_loop3A_188 : vector<16xf32>
      scf.yield %parallel_loop3A_183, %parallel_loop3A_189 : vector<16xf32>, vector<16xf32>
    } {sc.loop_unroll_factor = 8 : i64, sc.parallel_access}
    %scan3A_83 = arith.constant 0 : i32
    %scan3A_84 = arith.constant 0 : i32
    %scan3A_85 = arith.constant 64 : i32
    %scan3A_86 = arith.addi %scan3A_84, %scan3A_85 : i32
    %scan3A_87 = arith.constant 1 : i32
    scf.for %scan3A_155 = %scan3A_84 to %scan3A_86 step %scan3A_87  : i32 {
      %mul3A_156 = arith.constant 16 : i32
      %mul3A_157 = arith.muli %scan3A_155, %mul3A_156 : i32
      %get3A_158 = arith.index_cast %mul3A_157 : i32 to index
      %get3A_159 = tpu.vector_load %arg5[%get3A_158] {strides = array<i32>} : memref<32896xi32, #tpu.memory_space<vmem>>, vector<16xi32>,
      %mul3A_160 = arith.constant 16 : i32
      %mul3A_161 = arith.muli %scan3A_155, %mul3A_160 : i32
      %add3A_162 = arith.constant 1025 : i32
      %add3A_163 = arith.addi %add3A_162, %mul3A_161 : i32
      %get3A_164 = arith.index_cast %add3A_163 : i32 to index
      %get3A_165 = tpu.vector_load %arg5[%get3A_164] {strides = array<i32>} : memref<32896xi32, #tpu.memory_space<vmem>>, vector<16xi32>,
      %add3A_166 = arith.addi %get3A_159, %get3A_165 : vector<16xi32>
      %mul3A_167 = arith.constant 16 : i32
      %mul3A_168 = arith.muli %scan3A_155, %mul3A_167 : i32
      %add3A_169 = arith.constant 2050 : i32
      %add3A_170 = arith.addi %add3A_169, %mul3A_168 : i32
      %get3A_171 = arith.index_cast %add3A_170 : i32 to index
      %get3A_172 = tpu.vector_load %arg5[%get3A_171] {strides = array<i32>} : memref<32896xi32, #tpu.memory_space<vmem>>, vector<16xi32>,
      %add3A_173 = arith.addi %add3A_166, %get3A_172 : vector<16xi32>
      %mul3A_174 = arith.constant 16 : i32
      %mul3A_175 = arith.muli %scan3A_155, %mul3A_174 : i32
      %add3A_176 = arith.constant 3075 : i32
      %add3A_177 = arith.addi %add3A_176, %mul3A_175 : i32
      %get3A_178 = arith.index_cast %add3A_177 : i32 to index
      %get3A_179 = tpu.vector_load %arg5[%get3A_178] {strides = array<i32>} : memref<32896xi32, #tpu.memory_space<vmem>>, vector<16xi32>,
      %add3A_180 = arith.addi %add3A_173, %get3A_179 : vector<16xi32>
      %mul3A_181 = arith.constant 16 : i32
      %mul3A_182 = arith.muli %scan3A_155, %mul3A_181 : i32
      %add3A_183 = arith.constant 4100 : i32
      %add3A_184 = arith.addi %add3A_183, %mul3A_182 : i32
      %get3A_185 = arith.index_cast %add3A_184 : i32 to index
      %get3A_186 = tpu.vector_load %arg5[%get3A_185] {strides = array<i32>} : memref<32896xi32, #tpu.memory_space<vmem>>, vector<16xi32>,
      %add3A_187 = arith.addi %add3A_180, %get3A_186 : vector<16xi32>
      %mul3A_188 = arith.constant 16 : i32
      %mul3A_189 = arith.muli %scan3A_155, %mul3A_188 : i32
      %add3A_190 = arith.constant 5125 : i32
      %add3A_191 = arith.addi %add3A_190, %mul3A_189 : i32
      %get3A_192 = arith.index_cast %add3A_191 : i32 to index
      %get3A_193 = tpu.vector_load %arg5[%get3A_192] {strides = array<i32>} : memref<32896xi32, #tpu.memory_space<vmem>>, vector<16xi32>,
      %add3A_194 = arith.addi %add3A_187, %get3A_193 : vector<16xi32>
      %mul3A_195 = arith.constant 16 : i32
      %mul3A_196 = arith.muli %scan3A_155, %mul3A_195 : i32
      %add3A_197 = arith.constant 6150 : i32
      %add3A_198 = arith.addi %add3A_197, %mul3A_196 : i32
      %get3A_199 = arith.index_cast %add3A_198 : i32 to index
      %get3A_200 = tpu.vector_load %arg5[%get3A_199] {strides = array<i32>} : memref<32896xi32, #tpu.memory_space<vmem>>, vector<16xi32>,
      %add3A_201 = arith.addi %add3A_194, %get3A_200 : vector<16xi32>
      %mul3A_202 = arith.constant 16 : i32
      %mul3A_203 = arith.muli %scan3A_155, %mul3A_202 : i32
      %add3A_204 = arith.constant 7175 : i32
      %add3A_205 = arith.addi %add3A_204, %mul3A_203 : i32
      %get3A_206 = arith.index_cast %add3A_205 : i32 to index
      %get3A_207 = tpu.vector_load %arg5[%get3A_206] {strides = array<i32>} : memref<32896xi32, #tpu.memory_space<vmem>>, vector<16xi32>,
      %add3A_208 = arith.addi %add3A_201, %get3A_207 : vector<16xi32>
      %mul3A_209 = arith.constant 16 : i32
      %mul3A_210 = arith.muli %scan3A_155, %mul3A_209 : i32
      %add3A_211 = arith.constant 8200 : i32
      %add3A_212 = arith.addi %add3A_211, %mul3A_210 : i32
      %get3A_213 = arith.index_cast %add3A_212 : i32 to index
      %get3A_214 = tpu.vector_load %arg5[%get3A_213] {strides = array<i32>} : memref<32896xi32, #tpu.memory_space<vmem>>, vector<16xi32>,
      %add3A_215 = arith.addi %add3A_208, %get3A_214 : vector<16xi32>
      %mul3A_216 = arith.constant 16 : i32
      %mul3A_217 = arith.muli %scan3A_155, %mul3A_216 : i32
      %add3A_218 = arith.constant 9225 : i32
      %add3A_219 = arith.addi %add3A_218, %mul3A_217 : i32
      %get3A_220 = arith.index_cast %add3A_219 : i32 to index
      %get3A_221 = tpu.vector_load %arg5[%get3A_220] {strides = array<i32>} : memref<32896xi32, #tpu.memory_space<vmem>>, vector<16xi32>,
      %add3A_222 = arith.addi %add3A_215, %get3A_221 : vector<16xi32>
      %mul3A_223 = arith.constant 16 : i32
      %mul3A_224 = arith.muli %scan3A_155, %mul3A_223 : i32
      %add3A_225 = arith.constant 10250 : i32
      %add3A_226 = arith.addi %add3A_225, %mul3A_224 : i32
      %get3A_227 = arith.index_cast %add3A_226 : i32 to index
      %get3A_228 = tpu.vector_load %arg5[%get3A_227] {strides = array<i32>} : memref<32896xi32, #tpu.memory_space<vmem>>, vector<16xi32>,
      %add3A_229 = arith.addi %add3A_222, %get3A_228 : vector<16xi32>
      %mul3A_230 = arith.constant 16 : i32
      %mul3A_231 = arith.muli %scan3A_155, %mul3A_230 : i32
      %add3A_232 = arith.constant 11275 : i32
      %add3A_233 = arith.addi %add3A_232, %mul3A_231 : i32
      %get3A_234 = arith.index_cast %add3A_233 : i32 to index
      %get3A_235 = tpu.vector_load %arg5[%get3A_234] {strides = array<i32>} : memref<32896xi32, #tpu.memory_space<vmem>>, vector<16xi32>,
      %add3A_236 = arith.addi %add3A_229, %get3A_235 : vector<16xi32>
      %mul3A_237 = arith.constant 16 : i32
      %mul3A_238 = arith.muli %scan3A_155, %mul3A_237 : i32
      %add3A_239 = arith.constant 12300 : i32
      %add3A_240 = arith.addi %add3A_239, %mul3A_238 : i32
      %get3A_241 = arith.index_cast %add3A_240 : i32 to index
      %get3A_242 = tpu.vector_load %arg5[%get3A_241] {strides = array<i32>} : memref<32896xi32, #tpu.memory_space<vmem>>, vector<16xi32>,
      %add3A_243 = arith.addi %add3A_236, %get3A_242 : vector<16xi32>
      %mul3A_244 = arith.constant 16 : i32
      %mul3A_245 = arith.muli %scan3A_155, %mul3A_244 : i32
      %add3A_246 = arith.constant 13325 : i32
      %add3A_247 = arith.addi %add3A_246, %mul3A_245 : i32
      %get3A_248 = arith.index_cast %add3A_247 : i32 to index
      %get3A_249 = tpu.vector_load %arg5[%get3A_248] {strides = array<i32>} : memref<32896xi32, #tpu.memory_space<vmem>>, vector<16xi32>,
      %add3A_250 = arith.addi %add3A_243, %get3A_249 : vector<16xi32>
      %mul3A_251 = arith.constant 16 : i32
      %mul3A_252 = arith.muli %scan3A_155, %mul3A_251 : i32
      %add3A_253 = arith.constant 14350 : i32
      %add3A_254 = arith.addi %add3A_253, %mul3A_252 : i32
      %get3A_255 = arith.index_cast %add3A_254 : i32 to index
      %get3A_256 = tpu.vector_load %arg5[%get3A_255] {strides = array<i32>} : memref<32896xi32, #tpu.memory_space<vmem>>, vector<16xi32>,
      %add3A_257 = arith.addi %add3A_250, %get3A_256 : vector<16xi32>
      %mul3A_258 = arith.constant 16 : i32
      %mul3A_259 = arith.muli %scan3A_155, %mul3A_258 : i32
      %add3A_260 = arith.constant 15375 : i32
      %add3A_261 = arith.addi %add3A_260, %mul3A_259 : i32
      %get3A_262 = arith.index_cast %add3A_261 : i32 to index
      %get3A_263 = tpu.vector_load %arg5[%get3A_262] {strides = array<i32>} : memref<32896xi32, #tpu.memory_space<vmem>>, vector<16xi32>,
      %add3A_264 = arith.addi %add3A_257, %get3A_263 : vector<16xi32>
      %mul3A_265 = arith.constant 16 : i32
      %mul3A_266 = arith.muli %scan3A_155, %mul3A_265 : i32
      %swap3A_267 = arith.index_cast %mul3A_266 : i32 to index
      %swap3A_268 = tpu.vector_load %arg6[%swap3A_267] {strides = array<i32>} : memref<2048xi32, #tpu.memory_space<vmem>>, vector<16xi32>,
      tpu.vector_store %arg6[%swap3A_267], %add3A_264 {strides = array<i32>} : memref<2048xi32, #tpu.memory_space<vmem>>, vector<16xi32>,
    }
    %scan3A_88 = arith.constant 64 : i32
    "tpu.region"() ({
      %run_scoped3A = tpu.sem_alloc : memref<!tpu.dma_semaphore, #tpu.memory_space<semaphore_mem>>
      %dma_start3A = arith.constant 0 : i32
      %dma_start3A_155 = tpu.memref_slice %arg6[%dma_start3A] : memref<2048xi32, #tpu.memory_space<vmem>> -> memref<1024xi32, #tpu.memory_space<vmem>>
      %dma_start3A_156 = arith.constant 0 : i32
      %dma_start3A_157 = tpu.memref_slice %arg16[%dma_start3A_156] : memref<1024xi32, #tpu.memory_space<vmem_shared>> -> memref<1024xi32, #tpu.memory_space<vmem_shared>>
      tpu.enqueue_indirect_dma source(%dma_start3A_155 : memref<1024xi32, #tpu.memory_space<vmem>>) target(%dma_start3A_157 : memref<1024xi32, #tpu.memory_space<vmem_shared>>) offsets(%arg8 : memref<1024xi32, #tpu.memory_space<vmem>>) semaphore(%run_scoped3A : memref<!tpu.dma_semaphore, #tpu.memory_space<semaphore_mem>>) {add = true}
      %dma_wait3A = arith.constant 0 : i32
      %dma_wait3A_158 = tpu.memref_slice %arg6[%dma_wait3A] : memref<2048xi32, #tpu.memory_space<vmem>> -> memref<1024xi32, #tpu.memory_space<vmem>>
      %dma_wait3A_159 = arith.constant 0 : i32
      %dma_wait3A_160 = tpu.memref_slice %arg16[%dma_wait3A_159] : memref<1024xi32, #tpu.memory_space<vmem_shared>> -> memref<1024xi32, #tpu.memory_space<vmem_shared>>
      tpu.wait_indirect_dma semaphore(%run_scoped3A : memref<!tpu.dma_semaphore, #tpu.memory_space<semaphore_mem>>) src(%dma_wait3A_158 : memref<1024xi32, #tpu.memory_space<vmem>>) dst(%dma_wait3A_160 : memref<1024xi32, #tpu.memory_space<vmem_shared>>)
      tpu.yield
    }) : () -> ()
    %broadcast_in_dim3A_89 = arith.constant 0 : i32
    %broadcast_in_dim3A_90 = vector.broadcast %broadcast_in_dim3A_89 : i32 to vector<16xi32>
    %scan3A_91 = arith.constant 0 : i32
    %scan3A_92 = arith.constant 0 : i32
    %scan3A_93 = arith.constant 129 : i32
    %scan3A_94 = arith.addi %scan3A_92, %scan3A_93 : i32
    %scan3A_95 = arith.constant 1 : i32
    scf.for %scan3A_155 = %scan3A_92 to %scan3A_94 step %scan3A_95  : i32 {
      %mul3A_156 = arith.constant 8 : i32
      %mul3A_157 = arith.muli %scan3A_155, %mul3A_156 : i32
      %add3A_158 = arith.constant 0 : i32
      %add3A_159 = arith.addi %mul3A_157, %add3A_158 : i32
      %mul3A_160 = arith.constant 16 : i32
      %mul3A_161 = arith.muli %add3A_159, %mul3A_160 : i32
      %swap3A_162 = arith.index_cast %mul3A_161 : i32 to index
      %swap3A_163 = tpu.vector_load %arg5[%swap3A_162] {strides = array<i32>} : memref<32896xi32, #tpu.memory_space<vmem>>, vector<16xi32>,
      tpu.vector_store %arg5[%swap3A_162], %broadcast_in_dim3A_90 {strides = array<i32>} : memref<32896xi32, #tpu.memory_space<vmem>>, vector<16xi32>,
      %mul3A_164 = arith.constant 8 : i32
      %mul3A_165 = arith.muli %scan3A_155, %mul3A_164 : i32
      %add3A_166 = arith.constant 1 : i32
      %add3A_167 = arith.addi %mul3A_165, %add3A_166 : i32
      %mul3A_168 = arith.constant 16 : i32
      %mul3A_169 = arith.muli %add3A_167, %mul3A_168 : i32
      %swap3A_170 = arith.index_cast %mul3A_169 : i32 to index
      %swap3A_171 = tpu.vector_load %arg5[%swap3A_170] {strides = array<i32>} : memref<32896xi32, #tpu.memory_space<vmem>>, vector<16xi32>,
      tpu.vector_store %arg5[%swap3A_170], %broadcast_in_dim3A_90 {strides = array<i32>} : memref<32896xi32, #tpu.memory_space<vmem>>, vector<16xi32>,
      %mul3A_172 = arith.constant 8 : i32
      %mul3A_173 = arith.muli %scan3A_155, %mul3A_172 : i32
      %add3A_174 = arith.constant 2 : i32
      %add3A_175 = arith.addi %mul3A_173, %add3A_174 : i32
      %mul3A_176 = arith.constant 16 : i32
      %mul3A_177 = arith.muli %add3A_175, %mul3A_176 : i32
      %swap3A_178 = arith.index_cast %mul3A_177 : i32 to index
      %swap3A_179 = tpu.vector_load %arg5[%swap3A_178] {strides = array<i32>} : memref<32896xi32, #tpu.memory_space<vmem>>, vector<16xi32>,
      tpu.vector_store %arg5[%swap3A_178], %broadcast_in_dim3A_90 {strides = array<i32>} : memref<32896xi32, #tpu.memory_space<vmem>>, vector<16xi32>,
      %mul3A_180 = arith.constant 8 : i32
      %mul3A_181 = arith.muli %scan3A_155, %mul3A_180 : i32
      %add3A_182 = arith.constant 3 : i32
      %add3A_183 = arith.addi %mul3A_181, %add3A_182 : i32
      %mul3A_184 = arith.constant 16 : i32
      %mul3A_185 = arith.muli %add3A_183, %mul3A_184 : i32
      %swap3A_186 = arith.index_cast %mul3A_185 : i32 to index
      %swap3A_187 = tpu.vector_load %arg5[%swap3A_186] {strides = array<i32>} : memref<32896xi32, #tpu.memory_space<vmem>>, vector<16xi32>,
      tpu.vector_store %arg5[%swap3A_186], %broadcast_in_dim3A_90 {strides = array<i32>} : memref<32896xi32, #tpu.memory_space<vmem>>, vector<16xi32>,
      %mul3A_188 = arith.constant 8 : i32
      %mul3A_189 = arith.muli %scan3A_155, %mul3A_188 : i32
      %add3A_190 = arith.constant 4 : i32
      %add3A_191 = arith.addi %mul3A_189, %add3A_190 : i32
      %mul3A_192 = arith.constant 16 : i32
      %mul3A_193 = arith.muli %add3A_191, %mul3A_192 : i32
      %swap3A_194 = arith.index_cast %mul3A_193 : i32 to index
      %swap3A_195 = tpu.vector_load %arg5[%swap3A_194] {strides = array<i32>} : memref<32896xi32, #tpu.memory_space<vmem>>, vector<16xi32>,
      tpu.vector_store %arg5[%swap3A_194], %broadcast_in_dim3A_90 {strides = array<i32>} : memref<32896xi32, #tpu.memory_space<vmem>>, vector<16xi32>,
      %mul3A_196 = arith.constant 8 : i32
      %mul3A_197 = arith.muli %scan3A_155, %mul3A_196 : i32
      %add3A_198 = arith.constant 5 : i32
      %add3A_199 = arith.addi %mul3A_197, %add3A_198 : i32
      %mul3A_200 = arith.constant 16 : i32
      %mul3A_201 = arith.muli %add3A_199, %mul3A_200 : i32
      %swap3A_202 = arith.index_cast %mul3A_201 : i32 to index
      %swap3A_203 = tpu.vector_load %arg5[%swap3A_202] {strides = array<i32>} : memref<32896xi32, #tpu.memory_space<vmem>>, vector<16xi32>,
      tpu.vector_store %arg5[%swap3A_202], %broadcast_in_dim3A_90 {strides = array<i32>} : memref<32896xi32, #tpu.memory_space<vmem>>, vector<16xi32>,
      %mul3A_204 = arith.constant 8 : i32
      %mul3A_205 = arith.muli %scan3A_155, %mul3A_204 : i32
      %add3A_206 = arith.constant 6 : i32
      %add3A_207 = arith.addi %mul3A_205, %add3A_206 : i32
      %mul3A_208 = arith.constant 16 : i32
      %mul3A_209 = arith.muli %add3A_207, %mul3A_208 : i32
      %swap3A_210 = arith.index_cast %mul3A_209 : i32 to index
      %swap3A_211 = tpu.vector_load %arg5[%swap3A_210] {strides = array<i32>} : memref<32896xi32, #tpu.memory_space<vmem>>, vector<16xi32>,
      tpu.vector_store %arg5[%swap3A_210], %broadcast_in_dim3A_90 {strides = array<i32>} : memref<32896xi32, #tpu.memory_space<vmem>>, vector<16xi32>,
      %mul3A_212 = arith.constant 8 : i32
      %mul3A_213 = arith.muli %scan3A_155, %mul3A_212 : i32
      %add3A_214 = arith.constant 7 : i32
      %add3A_215 = arith.addi %mul3A_213, %add3A_214 : i32
      %mul3A_216 = arith.constant 16 : i32
      %mul3A_217 = arith.muli %add3A_215, %mul3A_216 : i32
      %swap3A_218 = arith.index_cast %mul3A_217 : i32 to index
      %swap3A_219 = tpu.vector_load %arg5[%swap3A_218] {strides = array<i32>} : memref<32896xi32, #tpu.memory_space<vmem>>, vector<16xi32>,
      tpu.vector_store %arg5[%swap3A_218], %broadcast_in_dim3A_90 {strides = array<i32>} : memref<32896xi32, #tpu.memory_space<vmem>>, vector<16xi32>,
    }
    %scan3A_96 = arith.constant 129 : i32
    %barrier3A_97 = arith.constant 0 : index
    tpu.barrier barrier_id(%barrier3A_97)
    %eq3A_98 = arith.constant 0 : i32
    %eq3A_99 = arith.cmpi eq, %arg1, %eq3A_98 : i32
    %convert_element_type3A_100 = arith.extui %eq3A_99 : i1 to i32
    %cond3A_101 = arith.constant 0 : i32
    %cond3A_102 = arith.cmpi ne, %convert_element_type3A_100, %cond3A_101 : i32
    scf.if %cond3A_102 {
      "tpu.region"() ({
        %run_scoped3A = tpu.sem_alloc : memref<!tpu.dma_semaphore, #tpu.memory_space<semaphore_mem>>
        %dma_start3A = arith.constant 0 : i32
        %dma_start3A_208 = tpu.memref_slice %arg6[%dma_start3A] : memref<2048xi32, #tpu.memory_space<vmem>> -> memref<1024xi32, #tpu.memory_space<vmem>>
        %dma_start3A_209 = arith.constant 0 : i32
        %dma_start3A_210 = tpu.memref_slice %arg6[%dma_start3A_209] : memref<2048xi32, #tpu.memory_space<vmem>> -> memref<1024xi32, #tpu.memory_space<vmem>>
        tpu.enqueue_dma source(%arg16 : memref<1024xi32, #tpu.memory_space<vmem_shared>>) target(%dma_start3A_210 : memref<1024xi32, #tpu.memory_space<vmem>>) target_semaphore(%run_scoped3A : memref<!tpu.dma_semaphore, #tpu.memory_space<semaphore_mem>>)
        %dma_wait3A = arith.constant 0 : i32
        %dma_wait3A_211 = tpu.memref_slice %arg6[%dma_wait3A] : memref<2048xi32, #tpu.memory_space<vmem>> -> memref<1024xi32, #tpu.memory_space<vmem>>
        %dma_wait3A_212 = arith.constant 0 : i32
        %dma_wait3A_213 = tpu.memref_slice %arg6[%dma_wait3A_212] : memref<2048xi32, #tpu.memory_space<vmem>> -> memref<1024xi32, #tpu.memory_space<vmem>>
        tpu.wait_dma2 semaphore(%run_scoped3A : memref<!tpu.dma_semaphore, #tpu.memory_space<semaphore_mem>>) src(%arg16 : memref<1024xi32, #tpu.memory_space<vmem_shared>>) dst(%dma_wait3A_213 : memref<1024xi32, #tpu.memory_space<vmem>>)
        tpu.yield
      }) : () -> ()
      %get3A_155 = arith.constant 16 : index
      %get3A_156 = tpu.vector_load %arg9[%get3A_155] {strides = array<i32>} : memref<48xi32, #tpu.memory_space<vmem>>, vector<16xi32>,
      %reduce_max3A = arith.constant true
      %reduce_max3A_157 = vector.broadcast %reduce_max3A : i1 to vector<16xi1>
      %reduce_max3A_158 = arith.constant -2147483648 : i32
      %reduce_max3A_159 = vector.broadcast %reduce_max3A_158 : i32 to vector<16xi32>
      %reduce_max3A_160 = arith.xori %get3A_156, %reduce_max3A_159 : vector<16xi32>
      %reduce_max3A_161 = tpu.scan <max>, %reduce_max3A_160 masked %reduce_max3A_157 : vector<16xi32>, vector<16xi1> -> vector<16xi32>
      %reduce_max3A_162 = arith.xori %reduce_max3A_161, %reduce_max3A_159 : vector<16xi32>
      %reduce_max3A_163 = vector.extract %reduce_max3A_162[15] : i32 from vector<16xi32>
      %get3A_164 = arith.constant 0 : index
      %get3A_165 = tpu.vector_load %arg9[%get3A_164] {strides = array<i32>} : memref<48xi32, #tpu.memory_space<vmem>>, vector<16xi32>,
      %reduce_max3A_166 = arith.constant true
      %reduce_max3A_167 = vector.broadcast %reduce_max3A_166 : i1 to vector<16xi1>
      %reduce_max3A_168 = arith.constant -2147483648 : i32
      %reduce_max3A_169 = vector.broadcast %reduce_max3A_168 : i32 to vector<16xi32>
      %reduce_max3A_170 = arith.xori %get3A_165, %reduce_max3A_169 : vector<16xi32>
      %reduce_max3A_171 = tpu.scan <max>, %reduce_max3A_170 masked %reduce_max3A_167 : vector<16xi32>, vector<16xi1> -> vector<16xi32>
      %reduce_max3A_172 = arith.xori %reduce_max3A_171, %reduce_max3A_169 : vector<16xi32>
      %reduce_max3A_173 = vector.extract %reduce_max3A_172[15] : i32 from vector<16xi32>
      %get3A_174 = arith.constant 32 : index
      %get3A_175 = tpu.vector_load %arg9[%get3A_174] {strides = array<i32>} : memref<48xi32, #tpu.memory_space<vmem>>, vector<16xi32>,
      %iota3A_176 = tpu.iota {dimensions = array<i32: 0>} : vector<16xi32>
      %scan3A_177 = arith.constant 0.000000e+00 : f32
      %scan3A_178 = arith.constant 0 : i32
      %scan3A_179 = arith.constant -1 : i32
      %scan3A_180 = arith.constant 0 : i32
      %scan3A_181 = arith.constant 0 : i32
      %scan3A_182 = arith.constant 0.000000e+00 : f32
      %scan3A_183 = arith.constant 0 : i32
      %scan3A_184 = arith.constant 64 : i32
      %scan3A_185 = arith.addi %scan3A_183, %scan3A_184 : i32
      %scan3A_186 = arith.constant 1 : i32
      %scan3A_187:5 = scf.for %scan3A_208 = %scan3A_183 to %scan3A_185 step %scan3A_186 iter_args(%scan3A_209 = %scan3A_178, %scan3A_210 = %scan3A_179, %scan3A_211 = %scan3A_180, %scan3A_212 = %scan3A_181, %scan3A_213 = %scan3A_182) -> (i32, i32, i32, i32, f32)  : i32 {
        %sub3A = arith.constant 63 : i32
        %sub3A_214 = arith.subi %sub3A, %scan3A_208 : i32
        %mul3A_215 = arith.constant 16 : i32
        %mul3A_216 = arith.muli %sub3A_214, %mul3A_215 : i32
        %get3A_217 = arith.index_cast %mul3A_216 : i32 to index
        %get3A_218 = tpu.vector_load %arg6[%get3A_217] {strides = array<i32>} : memref<2048xi32, #tpu.memory_space<vmem>>, vector<16xi32>,
        %rev3A = arith.constant 15 : i32
        %rev3A_219 = vector.broadcast %rev3A : i32 to vector<16xi32>
        %rev3A_220 = tpu.iota {dimensions = array<i32: 0>} : vector<16xi32>
        %rev3A_221 = arith.subi %rev3A_219, %rev3A_220 : vector<16xi32>
        %rev3A_222 = tpu.dynamic_gather %get3A_218[%rev3A_221] in [0] : vector<16xi32>, vector<16xi32> -> vector<16xi32>
        %broadcast_in_dim3A_223 = arith.constant true
        %broadcast_in_dim3A_224 = vector.broadcast %broadcast_in_dim3A_223 : i1 to vector<16xi1>
        %masked_cumsum3A = tpu.scan <sum>, %rev3A_222 masked %broadcast_in_dim3A_224 : vector<16xi32>, vector<16xi1> -> vector<16xi32>
        %add3A_225 = vector.broadcast %scan3A_209 : i32 to vector<16xi32>
        %add3A_226 = arith.addi %add3A_225, %masked_cumsum3A : vector<16xi32>
        %ge3A = vector.broadcast %reduce_max3A_163 : i32 to vector<16xi32>
        %ge3A_227 = arith.cmpi sge, %add3A_226, %ge3A : vector<16xi32>
        %all_reduce_ffs3A = tpu.all_reduce %ge3A_227 {dim = 0 : i64, kind = #tpu.reduction_kind<find_first_set>} : vector<16xi1> -> vector<16xi32>
        %reduce_max3A_228 = arith.constant true
        %reduce_max3A_229 = vector.broadcast %reduce_max3A_228 : i1 to vector<16xi1>
        %reduce_max3A_230 = arith.constant -2147483648 : i32
        %reduce_max3A_231 = vector.broadcast %reduce_max3A_230 : i32 to vector<16xi32>
        %reduce_max3A_232 = arith.xori %all_reduce_ffs3A, %reduce_max3A_231 : vector<16xi32>
        %reduce_max3A_233 = tpu.scan <max>, %reduce_max3A_232 masked %reduce_max3A_229 : vector<16xi32>, vector<16xi1> -> vector<16xi32>
        %reduce_max3A_234 = arith.xori %reduce_max3A_233, %reduce_max3A_231 : vector<16xi32>
        %reduce_max3A_235 = vector.extract %reduce_max3A_234[15] : i32 from vector<16xi32>
        %lt3A = arith.constant 16 : i32
        %lt3A_236 = arith.cmpi slt, %reduce_max3A_235, %lt3A : i32
        %lt3A_237 = arith.constant 0 : i32
        %lt3A_238 = arith.cmpi slt, %scan3A_210, %lt3A_237 : i32
        %and3A_239 = arith.andi %lt3A_236, %lt3A_238 : i1
        %mul3A_240 = arith.constant 16 : i32
        %mul3A_241 = arith.muli %sub3A_214, %mul3A_240 : i32
        %add3A_242 = arith.constant 15 : i32
        %add3A_243 = arith.addi %mul3A_241, %add3A_242 : i32
        %sub3A_244 = arith.subi %add3A_243, %reduce_max3A_235 : i32
        %min3A = arith.constant 15 : i32
        %min3A_245 = vector.broadcast %min3A : i32 to vector<16xi32>
        %min3A_246 = arith.minsi %all_reduce_ffs3A, %min3A_245 : vector<16xi32>
        %eq3A_247 = arith.cmpi eq, %iota3A_176, %min3A_246 : vector<16xi32>
        %sub3A_248 = arith.subi %masked_cumsum3A, %rev3A_222 : vector<16xi32>
        %jit3A = arith.constant 0 : i32
        %broadcast_in_dim3A_249 = vector.broadcast %jit3A : i32 to vector<16xi32>
        %select_n3A = arith.select %eq3A_247, %sub3A_248, %broadcast_in_dim3A_249 : vector<16xi1>, vector<16xi32>
        %reduce_sum3A_250 = arith.constant true
        %reduce_sum3A_251 = vector.broadcast %reduce_sum3A_250 : i1 to vector<16xi1>
        %reduce_sum3A_252 = tpu.scan <sum>, %select_n3A masked %reduce_sum3A_251 : vector<16xi32>, vector<16xi1> -> vector<16xi32>
        %reduce_sum3A_253 = vector.extract %reduce_sum3A_252[15] : i32 from vector<16xi32>
        %jit3A_254 = arith.constant 0 : i32
        %broadcast_in_dim3A_255 = vector.broadcast %jit3A_254 : i32 to vector<16xi32>
        %select_n3A_256 = arith.select %eq3A_247, %masked_cumsum3A, %broadcast_in_dim3A_255 : vector<16xi1>, vector<16xi32>
        %reduce_sum3A_257 = arith.constant true
        %reduce_sum3A_258 = vector.broadcast %reduce_sum3A_257 : i1 to vector<16xi1>
        %reduce_sum3A_259 = tpu.scan <sum>, %select_n3A_256 masked %reduce_sum3A_258 : vector<16xi32>, vector<16xi1> -> vector<16xi32>
        %reduce_sum3A_260 = vector.extract %reduce_sum3A_259[15] : i32 from vector<16xi32>
        %select_n3A_261 = arith.select %and3A_239, %sub3A_244, %scan3A_210 : i32
        %add3A_262 = arith.addi %scan3A_209, %reduce_sum3A_253 : i32
        %sub3A_263 = arith.subi %reduce_max3A_163, %add3A_262 : i32
        %select_n3A_264 = arith.select %and3A_239, %sub3A_263, %scan3A_211 : i32
        %add3A_265 = arith.addi %scan3A_209, %reduce_sum3A_260 : i32
        %select_n3A_266 = arith.select %and3A_239, %add3A_265, %scan3A_212 : i32
        %add3A_267 = arith.constant 0.000000e+00 : f32
        %add3A_268 = arith.addf %scan3A_177, %add3A_267 : f32
        %select_n3A_269 = arith.select %and3A_239, %add3A_268, %scan3A_213 : f32
        %reduce_max3A_270 = arith.constant true
        %reduce_max3A_271 = vector.broadcast %reduce_max3A_270 : i1 to vector<16xi1>
        %reduce_max3A_272 = arith.constant -2147483648 : i32
        %reduce_max3A_273 = vector.broadcast %reduce_max3A_272 : i32 to vector<16xi32>
        %reduce_max3A_274 = arith.xori %masked_cumsum3A, %reduce_max3A_273 : vector<16xi32>
        %reduce_max3A_275 = tpu.scan <max>, %reduce_max3A_274 masked %reduce_max3A_271 : vector<16xi32>, vector<16xi1> -> vector<16xi32>
        %reduce_max3A_276 = arith.xori %reduce_max3A_275, %reduce_max3A_273 : vector<16xi32>
        %reduce_max3A_277 = vector.extract %reduce_max3A_276[15] : i32 from vector<16xi32>
        %add3A_278 = arith.addi %scan3A_209, %reduce_max3A_277 : i32
        scf.yield %add3A_278, %select_n3A_261, %select_n3A_264, %select_n3A_266, %select_n3A_269 : i32, i32, i32, i32, f32
      }
      %scan3A_188 = arith.constant 64 : i32
      %mul3A_189 = arith.constant 1024 : i32
      %mul3A_190 = arith.muli %reduce_max3A_173, %mul3A_189 : i32
      %add3A_191 = arith.addi %mul3A_190, %scan3A_187#1 : i32
      %broadcast_in_dim3A_192 = vector.broadcast %add3A_191 : i32 to vector<16xi32>
      %swap3A_193 = arith.constant 0 : index
      %swap3A_194 = tpu.vector_load %arg9[%swap3A_193] {strides = array<i32>} : memref<48xi32, #tpu.memory_space<vmem>>, vector<16xi32>,
      tpu.vector_store %arg9[%swap3A_193], %broadcast_in_dim3A_192 {strides = array<i32>} : memref<48xi32, #tpu.memory_space<vmem>>, vector<16xi32>,
      %broadcast_in_dim3A_195 = vector.broadcast %scan3A_187#2 : i32 to vector<16xi32>
      %swap3A_196 = arith.constant 16 : index
      %swap3A_197 = tpu.vector_load %arg9[%swap3A_196] {strides = array<i32>} : memref<48xi32, #tpu.memory_space<vmem>>, vector<16xi32>,
      tpu.vector_store %arg9[%swap3A_196], %broadcast_in_dim3A_195 {strides = array<i32>} : memref<48xi32, #tpu.memory_space<vmem>>, vector<16xi32>,
      %swap3A_198 = arith.constant 32 : index
      %swap3A_199 = tpu.vector_load %arg9[%swap3A_198] {strides = array<i32>} : memref<48xi32, #tpu.memory_space<vmem>>, vector<16xi32>,
      tpu.vector_store %arg9[%swap3A_198], %get3A_175 {strides = array<i32>} : memref<48xi32, #tpu.memory_space<vmem>>, vector<16xi32>,
      "tpu.region"() ({
        %run_scoped3A = tpu.sem_alloc : memref<!tpu.dma_semaphore, #tpu.memory_space<semaphore_mem>>
        tpu.enqueue_dma source(%arg9 : memref<48xi32, #tpu.memory_space<vmem>>) target(%arg18 : memref<48xi32, #tpu.memory_space<vmem_shared>>) target_semaphore(%run_scoped3A : memref<!tpu.dma_semaphore, #tpu.memory_space<semaphore_mem>>)
        tpu.wait_dma2 semaphore(%run_scoped3A : memref<!tpu.dma_semaphore, #tpu.memory_space<semaphore_mem>>) src(%arg9 : memref<48xi32, #tpu.memory_space<vmem>>) dst(%arg18 : memref<48xi32, #tpu.memory_space<vmem_shared>>)
        tpu.yield
      }) : () -> ()
      %broadcast_in_dim3A_200 = arith.constant 0 : i32
      %broadcast_in_dim3A_201 = vector.broadcast %broadcast_in_dim3A_200 : i32 to vector<16xi32>
      %scan3A_202 = arith.constant 0 : i32
      %scan3A_203 = arith.constant 0 : i32
      %scan3A_204 = arith.constant 8 : i32
      %scan3A_205 = arith.addi %scan3A_203, %scan3A_204 : i32
      %scan3A_206 = arith.constant 1 : i32
      scf.for %scan3A_208 = %scan3A_203 to %scan3A_205 step %scan3A_206  : i32 {
        %mul3A_209 = arith.constant 8 : i32
        %mul3A_210 = arith.muli %scan3A_208, %mul3A_209 : i32
        %add3A_211 = arith.constant 0 : i32
        %add3A_212 = arith.addi %mul3A_210, %add3A_211 : i32
        %mul3A_213 = arith.constant 16 : i32
        %mul3A_214 = arith.muli %add3A_212, %mul3A_213 : i32
        %swap3A_215 = arith.index_cast %mul3A_214 : i32 to index
        %swap3A_216 = tpu.vector_load %arg6[%swap3A_215] {strides = array<i32>} : memref<2048xi32, #tpu.memory_space<vmem>>, vector<16xi32>,
        tpu.vector_store %arg6[%swap3A_215], %broadcast_in_dim3A_201 {strides = array<i32>} : memref<2048xi32, #tpu.memory_space<vmem>>, vector<16xi32>,
        %mul3A_217 = arith.constant 8 : i32
        %mul3A_218 = arith.muli %scan3A_208, %mul3A_217 : i32
        %add3A_219 = arith.constant 1 : i32
        %add3A_220 = arith.addi %mul3A_218, %add3A_219 : i32
        %mul3A_221 = arith.constant 16 : i32
        %mul3A_222 = arith.muli %add3A_220, %mul3A_221 : i32
        %swap3A_223 = arith.index_cast %mul3A_222 : i32 to index
        %swap3A_224 = tpu.vector_load %arg6[%swap3A_223] {strides = array<i32>} : memref<2048xi32, #tpu.memory_space<vmem>>, vector<16xi32>,
        tpu.vector_store %arg6[%swap3A_223], %broadcast_in_dim3A_201 {strides = array<i32>} : memref<2048xi32, #tpu.memory_space<vmem>>, vector<16xi32>,
        %mul3A_225 = arith.constant 8 : i32
        %mul3A_226 = arith.muli %scan3A_208, %mul3A_225 : i32
        %add3A_227 = arith.constant 2 : i32
        %add3A_228 = arith.addi %mul3A_226, %add3A_227 : i32
        %mul3A_229 = arith.constant 16 : i32
        %mul3A_230 = arith.muli %add3A_228, %mul3A_229 : i32
        %swap3A_231 = arith.index_cast %mul3A_230 : i32 to index
        %swap3A_232 = tpu.vector_load %arg6[%swap3A_231] {strides = array<i32>} : memref<2048xi32, #tpu.memory_space<vmem>>, vector<16xi32>,
        tpu.vector_store %arg6[%swap3A_231], %broadcast_in_dim3A_201 {strides = array<i32>} : memref<2048xi32, #tpu.memory_space<vmem>>, vector<16xi32>,
        %mul3A_233 = arith.constant 8 : i32
        %mul3A_234 = arith.muli %scan3A_208, %mul3A_233 : i32
        %add3A_235 = arith.constant 3 : i32
        %add3A_236 = arith.addi %mul3A_234, %add3A_235 : i32
        %mul3A_237 = arith.constant 16 : i32
        %mul3A_238 = arith.muli %add3A_236, %mul3A_237 : i32
        %swap3A_239 = arith.index_cast %mul3A_238 : i32 to index
        %swap3A_240 = tpu.vector_load %arg6[%swap3A_239] {strides = array<i32>} : memref<2048xi32, #tpu.memory_space<vmem>>, vector<16xi32>,
        tpu.vector_store %arg6[%swap3A_239], %broadcast_in_dim3A_201 {strides = array<i32>} : memref<2048xi32, #tpu.memory_space<vmem>>, vector<16xi32>,
        %mul3A_241 = arith.constant 8 : i32
        %mul3A_242 = arith.muli %scan3A_208, %mul3A_241 : i32
        %add3A_243 = arith.constant 4 : i32
        %add3A_244 = arith.addi %mul3A_242, %add3A_243 : i32
        %mul3A_245 = arith.constant 16 : i32
        %mul3A_246 = arith.muli %add3A_244, %mul3A_245 : i32
        %swap3A_247 = arith.index_cast %mul3A_246 : i32 to index
        %swap3A_248 = tpu.vector_load %arg6[%swap3A_247] {strides = array<i32>} : memref<2048xi32, #tpu.memory_space<vmem>>, vector<16xi32>,
        tpu.vector_store %arg6[%swap3A_247], %broadcast_in_dim3A_201 {strides = array<i32>} : memref<2048xi32, #tpu.memory_space<vmem>>, vector<16xi32>,
        %mul3A_249 = arith.constant 8 : i32
        %mul3A_250 = arith.muli %scan3A_208, %mul3A_249 : i32
        %add3A_251 = arith.constant 5 : i32
        %add3A_252 = arith.addi %mul3A_250, %add3A_251 : i32
        %mul3A_253 = arith.constant 16 : i32
        %mul3A_254 = arith.muli %add3A_252, %mul3A_253 : i32
        %swap3A_255 = arith.index_cast %mul3A_254 : i32 to index
        %swap3A_256 = tpu.vector_load %arg6[%swap3A_255] {strides = array<i32>} : memref<2048xi32, #tpu.memory_space<vmem>>, vector<16xi32>,
        tpu.vector_store %arg6[%swap3A_255], %broadcast_in_dim3A_201 {strides = array<i32>} : memref<2048xi32, #tpu.memory_space<vmem>>, vector<16xi32>,
        %mul3A_257 = arith.constant 8 : i32
        %mul3A_258 = arith.muli %scan3A_208, %mul3A_257 : i32
        %add3A_259 = arith.constant 6 : i32
        %add3A_260 = arith.addi %mul3A_258, %add3A_259 : i32
        %mul3A_261 = arith.constant 16 : i32
        %mul3A_262 = arith.muli %add3A_260, %mul3A_261 : i32
        %swap3A_263 = arith.index_cast %mul3A_262 : i32 to index
        %swap3A_264 = tpu.vector_load %arg6[%swap3A_263] {strides = array<i32>} : memref<2048xi32, #tpu.memory_space<vmem>>, vector<16xi32>,
        tpu.vector_store %arg6[%swap3A_263], %broadcast_in_dim3A_201 {strides = array<i32>} : memref<2048xi32, #tpu.memory_space<vmem>>, vector<16xi32>,
        %mul3A_265 = arith.constant 8 : i32
        %mul3A_266 = arith.muli %scan3A_208, %mul3A_265 : i32
        %add3A_267 = arith.constant 7 : i32
        %add3A_268 = arith.addi %mul3A_266, %add3A_267 : i32
        %mul3A_269 = arith.constant 16 : i32
        %mul3A_270 = arith.muli %add3A_268, %mul3A_269 : i32
        %swap3A_271 = arith.index_cast %mul3A_270 : i32 to index
        %swap3A_272 = tpu.vector_load %arg6[%swap3A_271] {strides = array<i32>} : memref<2048xi32, #tpu.memory_space<vmem>>, vector<16xi32>,
        tpu.vector_store %arg6[%swap3A_271], %broadcast_in_dim3A_201 {strides = array<i32>} : memref<2048xi32, #tpu.memory_space<vmem>>, vector<16xi32>,
      }
      %scan3A_207 = arith.constant 8 : i32
      "tpu.region"() ({
        %run_scoped3A = tpu.sem_alloc : memref<!tpu.dma_semaphore, #tpu.memory_space<semaphore_mem>>
        %dma_start3A = arith.constant 0 : i32
        %dma_start3A_208 = tpu.memref_slice %arg6[%dma_start3A] : memref<2048xi32, #tpu.memory_space<vmem>> -> memref<1024xi32, #tpu.memory_space<vmem>>
        %dma_start3A_209 = arith.constant 0 : i32
        %dma_start3A_210 = tpu.memref_slice %arg6[%dma_start3A_209] : memref<2048xi32, #tpu.memory_space<vmem>> -> memref<1024xi32, #tpu.memory_space<vmem>>
        tpu.enqueue_dma source(%dma_start3A_210 : memref<1024xi32, #tpu.memory_space<vmem>>) target(%arg16 : memref<1024xi32, #tpu.memory_space<vmem_shared>>) target_semaphore(%run_scoped3A : memref<!tpu.dma_semaphore, #tpu.memory_space<semaphore_mem>>)
        %dma_wait3A = arith.constant 0 : i32
        %dma_wait3A_211 = tpu.memref_slice %arg6[%dma_wait3A] : memref<2048xi32, #tpu.memory_space<vmem>> -> memref<1024xi32, #tpu.memory_space<vmem>>
        %dma_wait3A_212 = arith.constant 0 : i32
        %dma_wait3A_213 = tpu.memref_slice %arg6[%dma_wait3A_212] : memref<2048xi32, #tpu.memory_space<vmem>> -> memref<1024xi32, #tpu.memory_space<vmem>>
        tpu.wait_dma2 semaphore(%run_scoped3A : memref<!tpu.dma_semaphore, #tpu.memory_space<semaphore_mem>>) src(%dma_wait3A_213 : memref<1024xi32, #tpu.memory_space<vmem>>) dst(%arg16 : memref<1024xi32, #tpu.memory_space<vmem_shared>>)
        tpu.yield
      }) : () -> ()
    } else {
    }
    %barrier3A_103 = arith.constant 0 : index
    tpu.barrier barrier_id(%barrier3A_103)
    "tpu.region"() ({
      %run_scoped3A = tpu.sem_alloc : memref<!tpu.dma_semaphore, #tpu.memory_space<semaphore_mem>>
      tpu.enqueue_dma source(%arg18 : memref<48xi32, #tpu.memory_space<vmem_shared>>) target(%arg9 : memref<48xi32, #tpu.memory_space<vmem>>) target_semaphore(%run_scoped3A : memref<!tpu.dma_semaphore, #tpu.memory_space<semaphore_mem>>)
      tpu.wait_dma2 semaphore(%run_scoped3A : memref<!tpu.dma_semaphore, #tpu.memory_space<semaphore_mem>>) src(%arg18 : memref<48xi32, #tpu.memory_space<vmem_shared>>) dst(%arg9 : memref<48xi32, #tpu.memory_space<vmem>>)
      tpu.yield
    }) : () -> ()
    %get3A_104 = arith.constant 0 : index
    %get3A_105 = tpu.vector_load %arg9[%get3A_104] {strides = array<i32>} : memref<48xi32, #tpu.memory_space<vmem>>, vector<16xi32>,
    %shift_right_logical3A_106 = arith.constant 10 : i32
    %shift_right_logical3A_107 = vector.broadcast %shift_right_logical3A_106 : i32 to vector<16xi32>
    %shift_right_logical3A_108 = arith.shrui %get3A_105, %shift_right_logical3A_107 : vector<16xi32>
    %parallel_loop3A_109 = arith.constant 0 : i32
    %parallel_loop3A_110 = arith.constant 4096 : i32
    %parallel_loop3A_111 = arith.constant 1 : i32
    %parallel_loop3A_112:2 = scf.for %parallel_loop3A_155 = %parallel_loop3A_109 to %parallel_loop3A_110 step %parallel_loop3A_111 iter_args(%parallel_loop3A_156 = %broadcast_in_dim3A_2, %parallel_loop3A_157 = %broadcast_in_dim3A_2) -> (vector<16xf32>, vector<16xf32>)  : i32 {
      %parallel_loop3A_158 = arith.constant 5 : i32
      %parallel_loop3A_159 = arith.shrui %parallel_loop3A_155, %parallel_loop3A_158 : i32
      %parallel_loop3A_160 = arith.constant 31 : i32
      %parallel_loop3A_161 = arith.andi %parallel_loop3A_155, %parallel_loop3A_160 : i32
      %parallel_loop3A_162 = arith.constant 16 : i32
      %parallel_loop3A_163 = arith.muli %parallel_loop3A_161, %parallel_loop3A_162 : i32
      %parallel_loop3A_164 = arith.index_cast %parallel_loop3A_159 : i32 to index
      %parallel_loop3A_165 = arith.index_cast %parallel_loop3A_163 : i32 to index
      %parallel_loop3A_166 = tpu.vector_load %arg4[%parallel_loop3A_164, %parallel_loop3A_165] {strides = array<i32>} : memref<128x512xf32, #tpu.memory_space<vmem>>, vector<16xf32>,
      %parallel_loop3A_167 = tpu.bitcast %parallel_loop3A_166 : vector<16xf32> -> vector<16xi32>
      %parallel_loop3A_168 = arith.constant 10 : i32
      %parallel_loop3A_169 = vector.broadcast %parallel_loop3A_168 : i32 to vector<16xi32>
      %parallel_loop3A_170 = arith.shrui %parallel_loop3A_167, %parallel_loop3A_169 : vector<16xi32>
      %parallel_loop3A_171 = arith.constant 1023 : i32
      %parallel_loop3A_172 = vector.broadcast %parallel_loop3A_171 : i32 to vector<16xi32>
      %parallel_loop3A_173 = arith.andi %parallel_loop3A_167, %parallel_loop3A_172 : vector<16xi32>
      %parallel_loop3A_174 = arith.addi %mul3A_78, %parallel_loop3A_173 : vector<16xi32>
      %parallel_loop3A_175 = arith.cmpi eq, %parallel_loop3A_170, %get3A_105 : vector<16xi32>
      tpu.vector_store_idx %arg5[%parallel_loop3A_174], %broadcast_in_dim3A_0 masked %parallel_loop3A_175 {add = true} : memref<32896xi32, #tpu.memory_space<vmem>>[vector<16xi32>], vector<16xi32>, vector<16xi1>
      %parallel_loop3A_176 = arith.cmpi sgt, %parallel_loop3A_170, %get3A_105 : vector<16xi32>
      %parallel_loop3A_177 = arith.constant 20 : i32
      %parallel_loop3A_178 = vector.broadcast %parallel_loop3A_177 : i32 to vector<16xi32>
      %parallel_loop3A_179 = arith.shrui %parallel_loop3A_167, %parallel_loop3A_178 : vector<16xi32>
      %parallel_loop3A_180 = arith.cmpi eq, %parallel_loop3A_179, %shift_right_logical3A_108 : vector<16xi32>
      %parallel_loop3A_181 = arith.andi %parallel_loop3A_176, %parallel_loop3A_180 : vector<16xi1>
      %parallel_loop3A_182 = arith.constant 0.000000e+00 : f32
      %parallel_loop3A_183 = vector.broadcast %parallel_loop3A_182 : f32 to vector<16xf32>
      %parallel_loop3A_184 = arith.select %parallel_loop3A_181, %parallel_loop3A_166, %parallel_loop3A_183 : vector<16xi1>, vector<16xf32>
      %parallel_loop3A_185 = arith.addf %parallel_loop3A_156, %parallel_loop3A_184 : vector<16xf32>
      %parallel_loop3A_186 = arith.constant 1.000000e+00 : f32
      %parallel_loop3A_187 = arith.constant 0.000000e+00 : f32
      %parallel_loop3A_188 = vector.broadcast %parallel_loop3A_186 : f32 to vector<16xf32>
      %parallel_loop3A_189 = vector.broadcast %parallel_loop3A_187 : f32 to vector<16xf32>
      %parallel_loop3A_190 = arith.select %parallel_loop3A_181, %parallel_loop3A_188, %parallel_loop3A_189 : vector<16xi1>, vector<16xf32>
      %parallel_loop3A_191 = arith.addf %parallel_loop3A_157, %parallel_loop3A_190 : vector<16xf32>
      scf.yield %parallel_loop3A_185, %parallel_loop3A_191 : vector<16xf32>, vector<16xf32>
    } {sc.loop_unroll_factor = 8 : i64, sc.parallel_access}
    %scan3A_113 = arith.constant 0 : i32
    %scan3A_114 = arith.constant 0 : i32
    %scan3A_115 = arith.constant 64 : i32
    %scan3A_116 = arith.addi %scan3A_114, %scan3A_115 : i32
    %scan3A_117 = arith.constant 1 : i32
    scf.for %scan3A_155 = %scan3A_114 to %scan3A_116 step %scan3A_117  : i32 {
      %mul3A_156 = arith.constant 16 : i32
      %mul3A_157 = arith.muli %scan3A_155, %mul3A_156 : i32
      %get3A_158 = arith.index_cast %mul3A_157 : i32 to index
      %get3A_159 = tpu.vector_load %arg5[%get3A_158] {strides = array<i32>} : memref<32896xi32, #tpu.memory_space<vmem>>, vector<16xi32>,
      %mul3A_160 = arith.constant 16 : i32
      %mul3A_161 = arith.muli %scan3A_155, %mul3A_160 : i32
      %add3A_162 = arith.constant 1025 : i32
      %add3A_163 = arith.addi %add3A_162, %mul3A_161 : i32
      %get3A_164 = arith.index_cast %add3A_163 : i32 to index
      %get3A_165 = tpu.vector_load %arg5[%get3A_164] {strides = array<i32>} : memref<32896xi32, #tpu.memory_space<vmem>>, vector<16xi32>,
      %add3A_166 = arith.addi %get3A_159, %get3A_165 : vector<16xi32>
      %mul3A_167 = arith.constant 16 : i32
      %mul3A_168 = arith.muli %scan3A_155, %mul3A_167 : i32
      %add3A_169 = arith.constant 2050 : i32
      %add3A_170 = arith.addi %add3A_169, %mul3A_168 : i32
      %get3A_171 = arith.index_cast %add3A_170 : i32 to index
      %get3A_172 = tpu.vector_load %arg5[%get3A_171] {strides = array<i32>} : memref<32896xi32, #tpu.memory_space<vmem>>, vector<16xi32>,
      %add3A_173 = arith.addi %add3A_166, %get3A_172 : vector<16xi32>
      %mul3A_174 = arith.constant 16 : i32
      %mul3A_175 = arith.muli %scan3A_155, %mul3A_174 : i32
      %add3A_176 = arith.constant 3075 : i32
      %add3A_177 = arith.addi %add3A_176, %mul3A_175 : i32
      %get3A_178 = arith.index_cast %add3A_177 : i32 to index
      %get3A_179 = tpu.vector_load %arg5[%get3A_178] {strides = array<i32>} : memref<32896xi32, #tpu.memory_space<vmem>>, vector<16xi32>,
      %add3A_180 = arith.addi %add3A_173, %get3A_179 : vector<16xi32>
      %mul3A_181 = arith.constant 16 : i32
      %mul3A_182 = arith.muli %scan3A_155, %mul3A_181 : i32
      %add3A_183 = arith.constant 4100 : i32
      %add3A_184 = arith.addi %add3A_183, %mul3A_182 : i32
      %get3A_185 = arith.index_cast %add3A_184 : i32 to index
      %get3A_186 = tpu.vector_load %arg5[%get3A_185] {strides = array<i32>} : memref<32896xi32, #tpu.memory_space<vmem>>, vector<16xi32>,
      %add3A_187 = arith.addi %add3A_180, %get3A_186 : vector<16xi32>
      %mul3A_188 = arith.constant 16 : i32
      %mul3A_189 = arith.muli %scan3A_155, %mul3A_188 : i32
      %add3A_190 = arith.constant 5125 : i32
      %add3A_191 = arith.addi %add3A_190, %mul3A_189 : i32
      %get3A_192 = arith.index_cast %add3A_191 : i32 to index
      %get3A_193 = tpu.vector_load %arg5[%get3A_192] {strides = array<i32>} : memref<32896xi32, #tpu.memory_space<vmem>>, vector<16xi32>,
      %add3A_194 = arith.addi %add3A_187, %get3A_193 : vector<16xi32>
      %mul3A_195 = arith.constant 16 : i32
      %mul3A_196 = arith.muli %scan3A_155, %mul3A_195 : i32
      %add3A_197 = arith.constant 6150 : i32
      %add3A_198 = arith.addi %add3A_197, %mul3A_196 : i32
      %get3A_199 = arith.index_cast %add3A_198 : i32 to index
      %get3A_200 = tpu.vector_load %arg5[%get3A_199] {strides = array<i32>} : memref<32896xi32, #tpu.memory_space<vmem>>, vector<16xi32>,
      %add3A_201 = arith.addi %add3A_194, %get3A_200 : vector<16xi32>
      %mul3A_202 = arith.constant 16 : i32
      %mul3A_203 = arith.muli %scan3A_155, %mul3A_202 : i32
      %add3A_204 = arith.constant 7175 : i32
      %add3A_205 = arith.addi %add3A_204, %mul3A_203 : i32
      %get3A_206 = arith.index_cast %add3A_205 : i32 to index
      %get3A_207 = tpu.vector_load %arg5[%get3A_206] {strides = array<i32>} : memref<32896xi32, #tpu.memory_space<vmem>>, vector<16xi32>,
      %add3A_208 = arith.addi %add3A_201, %get3A_207 : vector<16xi32>
      %mul3A_209 = arith.constant 16 : i32
      %mul3A_210 = arith.muli %scan3A_155, %mul3A_209 : i32
      %add3A_211 = arith.constant 8200 : i32
      %add3A_212 = arith.addi %add3A_211, %mul3A_210 : i32
      %get3A_213 = arith.index_cast %add3A_212 : i32 to index
      %get3A_214 = tpu.vector_load %arg5[%get3A_213] {strides = array<i32>} : memref<32896xi32, #tpu.memory_space<vmem>>, vector<16xi32>,
      %add3A_215 = arith.addi %add3A_208, %get3A_214 : vector<16xi32>
      %mul3A_216 = arith.constant 16 : i32
      %mul3A_217 = arith.muli %scan3A_155, %mul3A_216 : i32
      %add3A_218 = arith.constant 9225 : i32
      %add3A_219 = arith.addi %add3A_218, %mul3A_217 : i32
      %get3A_220 = arith.index_cast %add3A_219 : i32 to index
      %get3A_221 = tpu.vector_load %arg5[%get3A_220] {strides = array<i32>} : memref<32896xi32, #tpu.memory_space<vmem>>, vector<16xi32>,
      %add3A_222 = arith.addi %add3A_215, %get3A_221 : vector<16xi32>
      %mul3A_223 = arith.constant 16 : i32
      %mul3A_224 = arith.muli %scan3A_155, %mul3A_223 : i32
      %add3A_225 = arith.constant 10250 : i32
      %add3A_226 = arith.addi %add3A_225, %mul3A_224 : i32
      %get3A_227 = arith.index_cast %add3A_226 : i32 to index
      %get3A_228 = tpu.vector_load %arg5[%get3A_227] {strides = array<i32>} : memref<32896xi32, #tpu.memory_space<vmem>>, vector<16xi32>,
      %add3A_229 = arith.addi %add3A_222, %get3A_228 : vector<16xi32>
      %mul3A_230 = arith.constant 16 : i32
      %mul3A_231 = arith.muli %scan3A_155, %mul3A_230 : i32
      %add3A_232 = arith.constant 11275 : i32
      %add3A_233 = arith.addi %add3A_232, %mul3A_231 : i32
      %get3A_234 = arith.index_cast %add3A_233 : i32 to index
      %get3A_235 = tpu.vector_load %arg5[%get3A_234] {strides = array<i32>} : memref<32896xi32, #tpu.memory_space<vmem>>, vector<16xi32>,
      %add3A_236 = arith.addi %add3A_229, %get3A_235 : vector<16xi32>
      %mul3A_237 = arith.constant 16 : i32
      %mul3A_238 = arith.muli %scan3A_155, %mul3A_237 : i32
      %add3A_239 = arith.constant 12300 : i32
      %add3A_240 = arith.addi %add3A_239, %mul3A_238 : i32
      %get3A_241 = arith.index_cast %add3A_240 : i32 to index
      %get3A_242 = tpu.vector_load %arg5[%get3A_241] {strides = array<i32>} : memref<32896xi32, #tpu.memory_space<vmem>>, vector<16xi32>,
      %add3A_243 = arith.addi %add3A_236, %get3A_242 : vector<16xi32>
      %mul3A_244 = arith.constant 16 : i32
      %mul3A_245 = arith.muli %scan3A_155, %mul3A_244 : i32
      %add3A_246 = arith.constant 13325 : i32
      %add3A_247 = arith.addi %add3A_246, %mul3A_245 : i32
      %get3A_248 = arith.index_cast %add3A_247 : i32 to index
      %get3A_249 = tpu.vector_load %arg5[%get3A_248] {strides = array<i32>} : memref<32896xi32, #tpu.memory_space<vmem>>, vector<16xi32>,
      %add3A_250 = arith.addi %add3A_243, %get3A_249 : vector<16xi32>
      %mul3A_251 = arith.constant 16 : i32
      %mul3A_252 = arith.muli %scan3A_155, %mul3A_251 : i32
      %add3A_253 = arith.constant 14350 : i32
      %add3A_254 = arith.addi %add3A_253, %mul3A_252 : i32
      %get3A_255 = arith.index_cast %add3A_254 : i32 to index
      %get3A_256 = tpu.vector_load %arg5[%get3A_255] {strides = array<i32>} : memref<32896xi32, #tpu.memory_space<vmem>>, vector<16xi32>,
      %add3A_257 = arith.addi %add3A_250, %get3A_256 : vector<16xi32>
      %mul3A_258 = arith.constant 16 : i32
      %mul3A_259 = arith.muli %scan3A_155, %mul3A_258 : i32
      %add3A_260 = arith.constant 15375 : i32
      %add3A_261 = arith.addi %add3A_260, %mul3A_259 : i32
      %get3A_262 = arith.index_cast %add3A_261 : i32 to index
      %get3A_263 = tpu.vector_load %arg5[%get3A_262] {strides = array<i32>} : memref<32896xi32, #tpu.memory_space<vmem>>, vector<16xi32>,
      %add3A_264 = arith.addi %add3A_257, %get3A_263 : vector<16xi32>
      %mul3A_265 = arith.constant 16 : i32
      %mul3A_266 = arith.muli %scan3A_155, %mul3A_265 : i32
      %swap3A_267 = arith.index_cast %mul3A_266 : i32 to index
      %swap3A_268 = tpu.vector_load %arg6[%swap3A_267] {strides = array<i32>} : memref<2048xi32, #tpu.memory_space<vmem>>, vector<16xi32>,
      tpu.vector_store %arg6[%swap3A_267], %add3A_264 {strides = array<i32>} : memref<2048xi32, #tpu.memory_space<vmem>>, vector<16xi32>,
    }
    %scan3A_118 = arith.constant 64 : i32
    "tpu.region"() ({
      %run_scoped3A = tpu.sem_alloc : memref<!tpu.dma_semaphore, #tpu.memory_space<semaphore_mem>>
      %dma_start3A = arith.constant 0 : i32
      %dma_start3A_155 = tpu.memref_slice %arg6[%dma_start3A] : memref<2048xi32, #tpu.memory_space<vmem>> -> memref<1024xi32, #tpu.memory_space<vmem>>
      %dma_start3A_156 = arith.constant 0 : i32
      %dma_start3A_157 = tpu.memref_slice %arg16[%dma_start3A_156] : memref<1024xi32, #tpu.memory_space<vmem_shared>> -> memref<1024xi32, #tpu.memory_space<vmem_shared>>
      tpu.enqueue_indirect_dma source(%dma_start3A_155 : memref<1024xi32, #tpu.memory_space<vmem>>) target(%dma_start3A_157 : memref<1024xi32, #tpu.memory_space<vmem_shared>>) offsets(%arg8 : memref<1024xi32, #tpu.memory_space<vmem>>) semaphore(%run_scoped3A : memref<!tpu.dma_semaphore, #tpu.memory_space<semaphore_mem>>) {add = true}
      %dma_wait3A = arith.constant 0 : i32
      %dma_wait3A_158 = tpu.memref_slice %arg6[%dma_wait3A] : memref<2048xi32, #tpu.memory_space<vmem>> -> memref<1024xi32, #tpu.memory_space<vmem>>
      %dma_wait3A_159 = arith.constant 0 : i32
      %dma_wait3A_160 = tpu.memref_slice %arg16[%dma_wait3A_159] : memref<1024xi32, #tpu.memory_space<vmem_shared>> -> memref<1024xi32, #tpu.memory_space<vmem_shared>>
      tpu.wait_indirect_dma semaphore(%run_scoped3A : memref<!tpu.dma_semaphore, #tpu.memory_space<semaphore_mem>>) src(%dma_wait3A_158 : memref<1024xi32, #tpu.memory_space<vmem>>) dst(%dma_wait3A_160 : memref<1024xi32, #tpu.memory_space<vmem_shared>>)
      tpu.yield
    }) : () -> ()
    %get3A_119 = arith.constant 0 : index
    %get3A_120 = tpu.vector_load %arg14[%get3A_119] {strides = array<i32>} : memref<16xf32, #tpu.memory_space<vmem>>, vector<16xf32>,
    %add3A = arith.addf %parallel_loop3A_82#0, %parallel_loop3A_112#0 : vector<16xf32>
    %reduce_sum3A_121 = arith.constant true
    %reduce_sum3A_122 = vector.broadcast %reduce_sum3A_121 : i1 to vector<16xi1>
    %reduce_sum3A_123 = tpu.scan <sum>, %add3A masked %reduce_sum3A_122 : vector<16xf32>, vector<16xi1> -> vector<16xf32>
    %reduce_sum3A_124 = vector.extract %reduce_sum3A_123[15] : f32 from vector<16xf32>
    %broadcast_in_dim3A_125 = vector.broadcast %reduce_sum3A_124 : f32 to vector<16xf32>
    %swap3A_126 = arith.constant 0 : index
    %swap3A_127 = tpu.vector_load %arg13[%swap3A_126] {strides = array<i32>} : memref<16xf32, #tpu.memory_space<vmem>>, vector<16xf32>,
    tpu.vector_store %arg13[%swap3A_126], %broadcast_in_dim3A_125 {strides = array<i32>} : memref<16xf32, #tpu.memory_space<vmem>>, vector<16xf32>,
    %mul3A_128 = arith.constant 16 : i32
    %mul3A_129 = arith.muli %arg1, %mul3A_128 : i32
    "tpu.region"() ({
      %run_scoped3A = tpu.sem_alloc : memref<!tpu.dma_semaphore, #tpu.memory_space<semaphore_mem>>
      %dma_start3A = tpu.memref_slice %arg19[%mul3A_129] : memref<256xf32, #tpu.memory_space<vmem_shared>> -> memref<16xf32, #tpu.memory_space<vmem_shared>>
      %dma_start3A_155 = tpu.memref_slice %arg19[%mul3A_129] : memref<256xf32, #tpu.memory_space<vmem_shared>> -> memref<16xf32, #tpu.memory_space<vmem_shared>>
      tpu.enqueue_dma source(%arg13 : memref<16xf32, #tpu.memory_space<vmem>>) target(%dma_start3A_155 : memref<16xf32, #tpu.memory_space<vmem_shared>>) target_semaphore(%run_scoped3A : memref<!tpu.dma_semaphore, #tpu.memory_space<semaphore_mem>>)
      %dma_wait3A = tpu.memref_slice %arg19[%mul3A_129] : memref<256xf32, #tpu.memory_space<vmem_shared>> -> memref<16xf32, #tpu.memory_space<vmem_shared>>
      %dma_wait3A_156 = tpu.memref_slice %arg19[%mul3A_129] : memref<256xf32, #tpu.memory_space<vmem_shared>> -> memref<16xf32, #tpu.memory_space<vmem_shared>>
      tpu.wait_dma2 semaphore(%run_scoped3A : memref<!tpu.dma_semaphore, #tpu.memory_space<semaphore_mem>>) src(%arg13 : memref<16xf32, #tpu.memory_space<vmem>>) dst(%dma_wait3A_156 : memref<16xf32, #tpu.memory_space<vmem_shared>>)
      tpu.yield
    }) : () -> ()
    %add3A_130 = arith.addf %parallel_loop3A_82#1, %parallel_loop3A_112#1 : vector<16xf32>
    %reduce_sum3A_131 = arith.constant true
    %reduce_sum3A_132 = vector.broadcast %reduce_sum3A_131 : i1 to vector<16xi1>
    %reduce_sum3A_133 = tpu.scan <sum>, %add3A_130 masked %reduce_sum3A_132 : vector<16xf32>, vector<16xi1> -> vector<16xf32>
    %reduce_sum3A_134 = vector.extract %reduce_sum3A_133[15] : f32 from vector<16xf32>
    %broadcast_in_dim3A_135 = vector.broadcast %reduce_sum3A_134 : f32 to vector<16xf32>
    %swap3A_136 = arith.constant 0 : index
    %swap3A_137 = tpu.vector_load %arg13[%swap3A_136] {strides = array<i32>} : memref<16xf32, #tpu.memory_space<vmem>>, vector<16xf32>,
    tpu.vector_store %arg13[%swap3A_136], %broadcast_in_dim3A_135 {strides = array<i32>} : memref<16xf32, #tpu.memory_space<vmem>>, vector<16xf32>,
    %mul3A_138 = arith.constant 16 : i32
    %mul3A_139 = arith.muli %arg1, %mul3A_138 : i32
    "tpu.region"() ({
      %run_scoped3A = tpu.sem_alloc : memref<!tpu.dma_semaphore, #tpu.memory_space<semaphore_mem>>
      %dma_start3A = tpu.memref_slice %arg20[%mul3A_139] : memref<256xf32, #tpu.memory_space<vmem_shared>> -> memref<16xf32, #tpu.memory_space<vmem_shared>>
      %dma_start3A_155 = tpu.memref_slice %arg20[%mul3A_139] : memref<256xf32, #tpu.memory_space<vmem_shared>> -> memref<16xf32, #tpu.memory_space<vmem_shared>>
      tpu.enqueue_dma source(%arg13 : memref<16xf32, #tpu.memory_space<vmem>>) target(%dma_start3A_155 : memref<16xf32, #tpu.memory_space<vmem_shared>>) target_semaphore(%run_scoped3A : memref<!tpu.dma_semaphore, #tpu.memory_space<semaphore_mem>>)
      %dma_wait3A = tpu.memref_slice %arg20[%mul3A_139] : memref<256xf32, #tpu.memory_space<vmem_shared>> -> memref<16xf32, #tpu.memory_space<vmem_shared>>
      %dma_wait3A_156 = tpu.memref_slice %arg20[%mul3A_139] : memref<256xf32, #tpu.memory_space<vmem_shared>> -> memref<16xf32, #tpu.memory_space<vmem_shared>>
      tpu.wait_dma2 semaphore(%run_scoped3A : memref<!tpu.dma_semaphore, #tpu.memory_space<semaphore_mem>>) src(%arg13 : memref<16xf32, #tpu.memory_space<vmem>>) dst(%dma_wait3A_156 : memref<16xf32, #tpu.memory_space<vmem_shared>>)
      tpu.yield
    }) : () -> ()
    %reduce_sum3A_140 = arith.constant true
    %reduce_sum3A_141 = vector.broadcast %reduce_sum3A_140 : i1 to vector<16xi1>
    %reduce_sum3A_142 = tpu.scan <sum>, %get3A_120 masked %reduce_sum3A_141 : vector<16xf32>, vector<16xi1> -> vector<16xf32>
    %reduce_sum3A_143 = vector.extract %reduce_sum3A_142[15] : f32 from vector<16xf32>
    %broadcast_in_dim3A_144 = vector.broadcast %reduce_sum3A_143 : f32 to vector<16xf32>
    %swap3A_145 = arith.constant 0 : index
    %swap3A_146 = tpu.vector_load %arg13[%swap3A_145] {strides = array<i32>} : memref<16xf32, #tpu.memory_space<vmem>>, vector<16xf32>,
    tpu.vector_store %arg13[%swap3A_145], %broadcast_in_dim3A_144 {strides = array<i32>} : memref<16xf32, #tpu.memory_space<vmem>>, vector<16xf32>,
    %mul3A_147 = arith.constant 16 : i32
    %mul3A_148 = arith.muli %arg1, %mul3A_147 : i32
    "tpu.region"() ({
      %run_scoped3A = tpu.sem_alloc : memref<!tpu.dma_semaphore, #tpu.memory_space<semaphore_mem>>
      %dma_start3A = tpu.memref_slice %arg21[%mul3A_148] : memref<256xf32, #tpu.memory_space<vmem_shared>> -> memref<16xf32, #tpu.memory_space<vmem_shared>>
      %dma_start3A_155 = tpu.memref_slice %arg21[%mul3A_148] : memref<256xf32, #tpu.memory_space<vmem_shared>> -> memref<16xf32, #tpu.memory_space<vmem_shared>>
      tpu.enqueue_dma source(%arg13 : memref<16xf32, #tpu.memory_space<vmem>>) target(%dma_start3A_155 : memref<16xf32, #tpu.memory_space<vmem_shared>>) target_semaphore(%run_scoped3A : memref<!tpu.dma_semaphore, #tpu.memory_space<semaphore_mem>>)
      %dma_wait3A = tpu.memref_slice %arg21[%mul3A_148] : memref<256xf32, #tpu.memory_space<vmem_shared>> -> memref<16xf32, #tpu.memory_space<vmem_shared>>
      %dma_wait3A_156 = tpu.memref_slice %arg21[%mul3A_148] : memref<256xf32, #tpu.memory_space<vmem_shared>> -> memref<16xf32, #tpu.memory_space<vmem_shared>>
      tpu.wait_dma2 semaphore(%run_scoped3A : memref<!tpu.dma_semaphore, #tpu.memory_space<semaphore_mem>>) src(%arg13 : memref<16xf32, #tpu.memory_space<vmem>>) dst(%dma_wait3A_156 : memref<16xf32, #tpu.memory_space<vmem_shared>>)
      tpu.yield
    }) : () -> ()
    %barrier3A_149 = arith.constant 0 : index
    tpu.barrier barrier_id(%barrier3A_149)
    %eq3A_150 = arith.constant 0 : i32
    %eq3A_151 = arith.cmpi eq, %arg1, %eq3A_150 : i32
    %convert_element_type3A_152 = arith.extui %eq3A_151 : i1 to i32
    %cond3A_153 = arith.constant 0 : i32
    %cond3A_154 = arith.cmpi ne, %convert_element_type3A_152, %cond3A_153 : i32
    scf.if %cond3A_154 {
      "tpu.region"() ({
        %run_scoped3A = tpu.sem_alloc : memref<!tpu.dma_semaphore, #tpu.memory_space<semaphore_mem>>
        %dma_start3A = arith.constant 0 : i32
        %dma_start3A_346 = tpu.memref_slice %arg6[%dma_start3A] : memref<2048xi32, #tpu.memory_space<vmem>> -> memref<1024xi32, #tpu.memory_space<vmem>>
        %dma_start3A_347 = arith.constant 0 : i32
        %dma_start3A_348 = tpu.memref_slice %arg6[%dma_start3A_347] : memref<2048xi32, #tpu.memory_space<vmem>> -> memref<1024xi32, #tpu.memory_space<vmem>>
        tpu.enqueue_dma source(%arg16 : memref<1024xi32, #tpu.memory_space<vmem_shared>>) target(%dma_start3A_348 : memref<1024xi32, #tpu.memory_space<vmem>>) target_semaphore(%run_scoped3A : memref<!tpu.dma_semaphore, #tpu.memory_space<semaphore_mem>>)
        %dma_wait3A = arith.constant 0 : i32
        %dma_wait3A_349 = tpu.memref_slice %arg6[%dma_wait3A] : memref<2048xi32, #tpu.memory_space<vmem>> -> memref<1024xi32, #tpu.memory_space<vmem>>
        %dma_wait3A_350 = arith.constant 0 : i32
        %dma_wait3A_351 = tpu.memref_slice %arg6[%dma_wait3A_350] : memref<2048xi32, #tpu.memory_space<vmem>> -> memref<1024xi32, #tpu.memory_space<vmem>>
        tpu.wait_dma2 semaphore(%run_scoped3A : memref<!tpu.dma_semaphore, #tpu.memory_space<semaphore_mem>>) src(%arg16 : memref<1024xi32, #tpu.memory_space<vmem_shared>>) dst(%dma_wait3A_351 : memref<1024xi32, #tpu.memory_space<vmem>>)
        tpu.yield
      }) : () -> ()
      %get3A_155 = arith.constant 16 : index
      %get3A_156 = tpu.vector_load %arg9[%get3A_155] {strides = array<i32>} : memref<48xi32, #tpu.memory_space<vmem>>, vector<16xi32>,
      %reduce_max3A = arith.constant true
      %reduce_max3A_157 = vector.broadcast %reduce_max3A : i1 to vector<16xi1>
      %reduce_max3A_158 = arith.constant -2147483648 : i32
      %reduce_max3A_159 = vector.broadcast %reduce_max3A_158 : i32 to vector<16xi32>
      %reduce_max3A_160 = arith.xori %get3A_156, %reduce_max3A_159 : vector<16xi32>
      %reduce_max3A_161 = tpu.scan <max>, %reduce_max3A_160 masked %reduce_max3A_157 : vector<16xi32>, vector<16xi1> -> vector<16xi32>
      %reduce_max3A_162 = arith.xori %reduce_max3A_161, %reduce_max3A_159 : vector<16xi32>
      %reduce_max3A_163 = vector.extract %reduce_max3A_162[15] : i32 from vector<16xi32>
      %get3A_164 = arith.constant 0 : index
      %get3A_165 = tpu.vector_load %arg9[%get3A_164] {strides = array<i32>} : memref<48xi32, #tpu.memory_space<vmem>>, vector<16xi32>,
      %reduce_max3A_166 = arith.constant true
      %reduce_max3A_167 = vector.broadcast %reduce_max3A_166 : i1 to vector<16xi1>
      %reduce_max3A_168 = arith.constant -2147483648 : i32
      %reduce_max3A_169 = vector.broadcast %reduce_max3A_168 : i32 to vector<16xi32>
      %reduce_max3A_170 = arith.xori %get3A_165, %reduce_max3A_169 : vector<16xi32>
      %reduce_max3A_171 = tpu.scan <max>, %reduce_max3A_170 masked %reduce_max3A_167 : vector<16xi32>, vector<16xi1> -> vector<16xi32>
      %reduce_max3A_172 = arith.xori %reduce_max3A_171, %reduce_max3A_169 : vector<16xi32>
      %reduce_max3A_173 = vector.extract %reduce_max3A_172[15] : i32 from vector<16xi32>
      %mul3A_174 = arith.constant 1024 : i32
      %mul3A_175 = arith.muli %reduce_max3A_173, %mul3A_174 : i32
      %iota3A_176 = tpu.iota {dimensions = array<i32: 0>} : vector<16xi32>
      %scan3A_177 = arith.constant 0 : i32
      %scan3A_178 = arith.constant 0.000000e+00 : f32
      %scan3A_179 = arith.constant -1 : i32
      %scan3A_180 = arith.constant 0 : i32
      %scan3A_181 = arith.constant 0 : i32
      %scan3A_182 = arith.constant 0.000000e+00 : f32
      %scan3A_183 = arith.constant 0 : i32
      %scan3A_184 = arith.constant 64 : i32
      %scan3A_185 = arith.addi %scan3A_183, %scan3A_184 : i32
      %scan3A_186 = arith.constant 1 : i32
      %scan3A_187:6 = scf.for %scan3A_346 = %scan3A_183 to %scan3A_185 step %scan3A_186 iter_args(%scan3A_347 = %scan3A_177, %scan3A_348 = %scan3A_178, %scan3A_349 = %scan3A_179, %scan3A_350 = %scan3A_180, %scan3A_351 = %scan3A_181, %scan3A_352 = %scan3A_182) -> (i32, f32, i32, i32, i32, f32)  : i32 {
        %sub3A = arith.constant 63 : i32
        %sub3A_353 = arith.subi %sub3A, %scan3A_346 : i32
        %mul3A_354 = arith.constant 16 : i32
        %mul3A_355 = arith.muli %sub3A_353, %mul3A_354 : i32
        %get3A_356 = arith.index_cast %mul3A_355 : i32 to index
        %get3A_357 = tpu.vector_load %arg6[%get3A_356] {strides = array<i32>} : memref<2048xi32, #tpu.memory_space<vmem>>, vector<16xi32>,
        %rev3A = arith.constant 15 : i32
        %rev3A_358 = vector.broadcast %rev3A : i32 to vector<16xi32>
        %rev3A_359 = tpu.iota {dimensions = array<i32: 0>} : vector<16xi32>
        %rev3A_360 = arith.subi %rev3A_358, %rev3A_359 : vector<16xi32>
        %rev3A_361 = tpu.dynamic_gather %get3A_357[%rev3A_360] in [0] : vector<16xi32>, vector<16xi32> -> vector<16xi32>
        %broadcast_in_dim3A_362 = arith.constant true
        %broadcast_in_dim3A_363 = vector.broadcast %broadcast_in_dim3A_362 : i1 to vector<16xi1>
        %masked_cumsum3A = tpu.scan <sum>, %rev3A_361 masked %broadcast_in_dim3A_363 : vector<16xi32>, vector<16xi1> -> vector<16xi32>
        %add3A_364 = vector.broadcast %scan3A_347 : i32 to vector<16xi32>
        %add3A_365 = arith.addi %add3A_364, %masked_cumsum3A : vector<16xi32>
        %ge3A = vector.broadcast %reduce_max3A_163 : i32 to vector<16xi32>
        %ge3A_366 = arith.cmpi sge, %add3A_365, %ge3A : vector<16xi32>
        %all_reduce_ffs3A = tpu.all_reduce %ge3A_366 {dim = 0 : i64, kind = #tpu.reduction_kind<find_first_set>} : vector<16xi1> -> vector<16xi32>
        %reduce_max3A_367 = arith.constant true
        %reduce_max3A_368 = vector.broadcast %reduce_max3A_367 : i1 to vector<16xi1>
        %reduce_max3A_369 = arith.constant -2147483648 : i32
        %reduce_max3A_370 = vector.broadcast %reduce_max3A_369 : i32 to vector<16xi32>
        %reduce_max3A_371 = arith.xori %all_reduce_ffs3A, %reduce_max3A_370 : vector<16xi32>
        %reduce_max3A_372 = tpu.scan <max>, %reduce_max3A_371 masked %reduce_max3A_368 : vector<16xi32>, vector<16xi1> -> vector<16xi32>
        %reduce_max3A_373 = arith.xori %reduce_max3A_372, %reduce_max3A_370 : vector<16xi32>
        %reduce_max3A_374 = vector.extract %reduce_max3A_373[15] : i32 from vector<16xi32>
        %lt3A = arith.constant 16 : i32
        %lt3A_375 = arith.cmpi slt, %reduce_max3A_374, %lt3A : i32
        %lt3A_376 = arith.constant 0 : i32
        %lt3A_377 = arith.cmpi slt, %scan3A_349, %lt3A_376 : i32
        %and3A_378 = arith.andi %lt3A_375, %lt3A_377 : i1
        %mul3A_379 = arith.constant 16 : i32
        %mul3A_380 = arith.muli %sub3A_353, %mul3A_379 : i32
        %add3A_381 = arith.constant 15 : i32
        %add3A_382 = arith.addi %mul3A_380, %add3A_381 : i32
        %sub3A_383 = arith.subi %add3A_382, %reduce_max3A_374 : i32
        %min3A = arith.constant 15 : i32
        %min3A_384 = vector.broadcast %min3A : i32 to vector<16xi32>
        %min3A_385 = arith.minsi %all_reduce_ffs3A, %min3A_384 : vector<16xi32>
        %eq3A_386 = arith.cmpi eq, %iota3A_176, %min3A_385 : vector<16xi32>
        %sub3A_387 = arith.subi %masked_cumsum3A, %rev3A_361 : vector<16xi32>
        %jit3A = arith.constant 0 : i32
        %broadcast_in_dim3A_388 = vector.broadcast %jit3A : i32 to vector<16xi32>
        %select_n3A = arith.select %eq3A_386, %sub3A_387, %broadcast_in_dim3A_388 : vector<16xi1>, vector<16xi32>
        %reduce_sum3A_389 = arith.constant true
        %reduce_sum3A_390 = vector.broadcast %reduce_sum3A_389 : i1 to vector<16xi1>
        %reduce_sum3A_391 = tpu.scan <sum>, %select_n3A masked %reduce_sum3A_390 : vector<16xi32>, vector<16xi1> -> vector<16xi32>
        %reduce_sum3A_392 = vector.extract %reduce_sum3A_391[15] : i32 from vector<16xi32>
        %jit3A_393 = arith.constant 0 : i32
        %broadcast_in_dim3A_394 = vector.broadcast %jit3A_393 : i32 to vector<16xi32>
        %select_n3A_395 = arith.select %eq3A_386, %masked_cumsum3A, %broadcast_in_dim3A_394 : vector<16xi1>, vector<16xi32>
        %reduce_sum3A_396 = arith.constant true
        %reduce_sum3A_397 = vector.broadcast %reduce_sum3A_396 : i1 to vector<16xi1>
        %reduce_sum3A_398 = tpu.scan <sum>, %select_n3A_395 masked %reduce_sum3A_397 : vector<16xi32>, vector<16xi1> -> vector<16xi32>
        %reduce_sum3A_399 = vector.extract %reduce_sum3A_398[15] : i32 from vector<16xi32>
        %mul3A_400 = arith.constant 16 : i32
        %mul3A_401 = arith.muli %sub3A_353, %mul3A_400 : i32
        %add3A_402 = arith.addi %mul3A_175, %mul3A_401 : i32
        %add3A_403 = arith.constant 15 : i32
        %add3A_404 = arith.addi %add3A_402, %add3A_403 : i32
        %sub3A_405 = vector.broadcast %add3A_404 : i32 to vector<16xi32>
        %sub3A_406 = arith.subi %sub3A_405, %iota3A_176 : vector<16xi32>
        %bitcast_convert_type3A = tpu.bitcast %sub3A_406 : vector<16xi32> -> vector<16xf32>
        %convert_element_type3A_407 = arith.sitofp %rev3A_361 : vector<16xi32> to vector<16xf32>
        %mul3A_408 = arith.mulf %bitcast_convert_type3A, %convert_element_type3A_407 : vector<16xf32>
        %broadcast_in_dim3A_409 = arith.constant true
        %broadcast_in_dim3A_410 = vector.broadcast %broadcast_in_dim3A_409 : i1 to vector<16xi1>
        %masked_cumsum3A_411 = tpu.scan <sum>, %mul3A_408 masked %broadcast_in_dim3A_410 : vector<16xf32>, vector<16xi1> -> vector<16xf32>
        %jit3A_412 = arith.constant 0.000000e+00 : f32
        %broadcast_in_dim3A_413 = vector.broadcast %jit3A_412 : f32 to vector<16xf32>
        %select_n3A_414 = arith.select %eq3A_386, %masked_cumsum3A_411, %broadcast_in_dim3A_413 : vector<16xi1>, vector<16xf32>
        %reduce_sum3A_415 = arith.constant true
        %reduce_sum3A_416 = vector.broadcast %reduce_sum3A_415 : i1 to vector<16xi1>
        %reduce_sum3A_417 = tpu.scan <sum>, %select_n3A_414 masked %reduce_sum3A_416 : vector<16xf32>, vector<16xi1> -> vector<16xf32>
        %reduce_sum3A_418 = vector.extract %reduce_sum3A_417[15] : f32 from vector<16xf32>
        %reduce_max3A_419 = arith.constant true
        %reduce_max3A_420 = vector.broadcast %reduce_max3A_419 : i1 to vector<16xi1>
        %reduce_max3A_421 = tpu.scan <max>, %masked_cumsum3A_411 masked %reduce_max3A_420 : vector<16xf32>, vector<16xi1> -> vector<16xf32>
        %reduce_max3A_422 = vector.extract %reduce_max3A_421[15] : f32 from vector<16xf32>
        %add3A_423 = arith.addf %scan3A_348, %reduce_max3A_422 : f32
        %select_n3A_424 = arith.select %and3A_378, %sub3A_383, %scan3A_349 : i32
        %add3A_425 = arith.addi %scan3A_347, %reduce_sum3A_392 : i32
        %sub3A_426 = arith.subi %reduce_max3A_163, %add3A_425 : i32
        %select_n3A_427 = arith.select %and3A_378, %sub3A_426, %scan3A_350 : i32
        %add3A_428 = arith.addi %scan3A_347, %reduce_sum3A_399 : i32
        %select_n3A_429 = arith.select %and3A_378, %add3A_428, %scan3A_351 : i32
        %add3A_430 = arith.addf %scan3A_348, %reduce_sum3A_418 : f32
        %select_n3A_431 = arith.select %and3A_378, %add3A_430, %scan3A_352 : f32
        %reduce_max3A_432 = arith.constant true
        %reduce_max3A_433 = vector.broadcast %reduce_max3A_432 : i1 to vector<16xi1>
        %reduce_max3A_434 = arith.constant -2147483648 : i32
        %reduce_max3A_435 = vector.broadcast %reduce_max3A_434 : i32 to vector<16xi32>
        %reduce_max3A_436 = arith.xori %masked_cumsum3A, %reduce_max3A_435 : vector<16xi32>
        %reduce_max3A_437 = tpu.scan <max>, %reduce_max3A_436 masked %reduce_max3A_433 : vector<16xi32>, vector<16xi1> -> vector<16xi32>
        %reduce_max3A_438 = arith.xori %reduce_max3A_437, %reduce_max3A_435 : vector<16xi32>
        %reduce_max3A_439 = vector.extract %reduce_max3A_438[15] : i32 from vector<16xi32>
        %add3A_440 = arith.addi %scan3A_347, %reduce_max3A_439 : i32
        scf.yield %add3A_440, %add3A_423, %select_n3A_424, %select_n3A_427, %select_n3A_429, %select_n3A_431 : i32, f32, i32, i32, i32, f32
      }
      %scan3A_188 = arith.constant 64 : i32
      "tpu.region"() ({
        %run_scoped3A = tpu.sem_alloc : memref<!tpu.dma_semaphore, #tpu.memory_space<semaphore_mem>>
        tpu.enqueue_dma source(%arg19 : memref<256xf32, #tpu.memory_space<vmem_shared>>) target(%arg10 : memref<256xf32, #tpu.memory_space<vmem>>) target_semaphore(%run_scoped3A : memref<!tpu.dma_semaphore, #tpu.memory_space<semaphore_mem>>)
        tpu.wait_dma2 semaphore(%run_scoped3A : memref<!tpu.dma_semaphore, #tpu.memory_space<semaphore_mem>>) src(%arg19 : memref<256xf32, #tpu.memory_space<vmem_shared>>) dst(%arg10 : memref<256xf32, #tpu.memory_space<vmem>>)
        tpu.yield
      }) : () -> ()
      %get3A_189 = arith.constant 0 : index
      %get3A_190 = tpu.vector_load %arg10[%get3A_189] {strides = array<i32>} : memref<256xf32, #tpu.memory_space<vmem>>, vector<16xf32>,
      %get3A_191 = arith.constant 16 : index
      %get3A_192 = tpu.vector_load %arg10[%get3A_191] {strides = array<i32>} : memref<256xf32, #tpu.memory_space<vmem>>, vector<16xf32>,
      %add3A_193 = arith.addf %get3A_190, %get3A_192 : vector<16xf32>
      %get3A_194 = arith.constant 32 : index
      %get3A_195 = tpu.vector_load %arg10[%get3A_194] {strides = array<i32>} : memref<256xf32, #tpu.memory_space<vmem>>, vector<16xf32>,
      %add3A_196 = arith.addf %add3A_193, %get3A_195 : vector<16xf32>
      %get3A_197 = arith.constant 48 : index
      %get3A_198 = tpu.vector_load %arg10[%get3A_197] {strides = array<i32>} : memref<256xf32, #tpu.memory_space<vmem>>, vector<16xf32>,
      %add3A_199 = arith.addf %add3A_196, %get3A_198 : vector<16xf32>
      %get3A_200 = arith.constant 64 : index
      %get3A_201 = tpu.vector_load %arg10[%get3A_200] {strides = array<i32>} : memref<256xf32, #tpu.memory_space<vmem>>, vector<16xf32>,
      %add3A_202 = arith.addf %add3A_199, %get3A_201 : vector<16xf32>
      %get3A_203 = arith.constant 80 : index
      %get3A_204 = tpu.vector_load %arg10[%get3A_203] {strides = array<i32>} : memref<256xf32, #tpu.memory_space<vmem>>, vector<16xf32>,
      %add3A_205 = arith.addf %add3A_202, %get3A_204 : vector<16xf32>
      %get3A_206 = arith.constant 96 : index
      %get3A_207 = tpu.vector_load %arg10[%get3A_206] {strides = array<i32>} : memref<256xf32, #tpu.memory_space<vmem>>, vector<16xf32>,
      %add3A_208 = arith.addf %add3A_205, %get3A_207 : vector<16xf32>
      %get3A_209 = arith.constant 112 : index
      %get3A_210 = tpu.vector_load %arg10[%get3A_209] {strides = array<i32>} : memref<256xf32, #tpu.memory_space<vmem>>, vector<16xf32>,
      %add3A_211 = arith.addf %add3A_208, %get3A_210 : vector<16xf32>
      %get3A_212 = arith.constant 128 : index
      %get3A_213 = tpu.vector_load %arg10[%get3A_212] {strides = array<i32>} : memref<256xf32, #tpu.memory_space<vmem>>, vector<16xf32>,
      %add3A_214 = arith.addf %add3A_211, %get3A_213 : vector<16xf32>
      %get3A_215 = arith.constant 144 : index
      %get3A_216 = tpu.vector_load %arg10[%get3A_215] {strides = array<i32>} : memref<256xf32, #tpu.memory_space<vmem>>, vector<16xf32>,
      %add3A_217 = arith.addf %add3A_214, %get3A_216 : vector<16xf32>
      %get3A_218 = arith.constant 160 : index
      %get3A_219 = tpu.vector_load %arg10[%get3A_218] {strides = array<i32>} : memref<256xf32, #tpu.memory_space<vmem>>, vector<16xf32>,
      %add3A_220 = arith.addf %add3A_217, %get3A_219 : vector<16xf32>
      %get3A_221 = arith.constant 176 : index
      %get3A_222 = tpu.vector_load %arg10[%get3A_221] {strides = array<i32>} : memref<256xf32, #tpu.memory_space<vmem>>, vector<16xf32>,
      %add3A_223 = arith.addf %add3A_220, %get3A_222 : vector<16xf32>
      %get3A_224 = arith.constant 192 : index
      %get3A_225 = tpu.vector_load %arg10[%get3A_224] {strides = array<i32>} : memref<256xf32, #tpu.memory_space<vmem>>, vector<16xf32>,
      %add3A_226 = arith.addf %add3A_223, %get3A_225 : vector<16xf32>
      %get3A_227 = arith.constant 208 : index
      %get3A_228 = tpu.vector_load %arg10[%get3A_227] {strides = array<i32>} : memref<256xf32, #tpu.memory_space<vmem>>, vector<16xf32>,
      %add3A_229 = arith.addf %add3A_226, %get3A_228 : vector<16xf32>
      %get3A_230 = arith.constant 224 : index
      %get3A_231 = tpu.vector_load %arg10[%get3A_230] {strides = array<i32>} : memref<256xf32, #tpu.memory_space<vmem>>, vector<16xf32>,
      %add3A_232 = arith.addf %add3A_229, %get3A_231 : vector<16xf32>
      %get3A_233 = arith.constant 240 : index
      %get3A_234 = tpu.vector_load %arg10[%get3A_233] {strides = array<i32>} : memref<256xf32, #tpu.memory_space<vmem>>, vector<16xf32>,
      %add3A_235 = arith.addf %add3A_232, %get3A_234 : vector<16xf32>
      %add3A_236 = vector.broadcast %scan3A_187#5 : f32 to vector<16xf32>
      %add3A_237 = arith.addf %add3A_235, %add3A_236 : vector<16xf32>
      %swap3A_238 = arith.constant 0 : index
      %swap3A_239 = tpu.vector_load %arg12[%swap3A_238] {strides = array<i32>} : memref<64xf32, #tpu.memory_space<vmem>>, vector<16xf32>,
      tpu.vector_store %arg12[%swap3A_238], %add3A_237 {strides = array<i32>} : memref<64xf32, #tpu.memory_space<vmem>>, vector<16xf32>,
      "tpu.region"() ({
        %run_scoped3A = tpu.sem_alloc : memref<!tpu.dma_semaphore, #tpu.memory_space<semaphore_mem>>
        tpu.enqueue_dma source(%arg20 : memref<256xf32, #tpu.memory_space<vmem_shared>>) target(%arg10 : memref<256xf32, #tpu.memory_space<vmem>>) target_semaphore(%run_scoped3A : memref<!tpu.dma_semaphore, #tpu.memory_space<semaphore_mem>>)
        tpu.wait_dma2 semaphore(%run_scoped3A : memref<!tpu.dma_semaphore, #tpu.memory_space<semaphore_mem>>) src(%arg20 : memref<256xf32, #tpu.memory_space<vmem_shared>>) dst(%arg10 : memref<256xf32, #tpu.memory_space<vmem>>)
        tpu.yield
      }) : () -> ()
      %get3A_240 = arith.constant 0 : index
      %get3A_241 = tpu.vector_load %arg10[%get3A_240] {strides = array<i32>} : memref<256xf32, #tpu.memory_space<vmem>>, vector<16xf32>,
      %get3A_242 = arith.constant 16 : index
      %get3A_243 = tpu.vector_load %arg10[%get3A_242] {strides = array<i32>} : memref<256xf32, #tpu.memory_space<vmem>>, vector<16xf32>,
      %add3A_244 = arith.addf %get3A_241, %get3A_243 : vector<16xf32>
      %get3A_245 = arith.constant 32 : index
      %get3A_246 = tpu.vector_load %arg10[%get3A_245] {strides = array<i32>} : memref<256xf32, #tpu.memory_space<vmem>>, vector<16xf32>,
      %add3A_247 = arith.addf %add3A_244, %get3A_246 : vector<16xf32>
      %get3A_248 = arith.constant 48 : index
      %get3A_249 = tpu.vector_load %arg10[%get3A_248] {strides = array<i32>} : memref<256xf32, #tpu.memory_space<vmem>>, vector<16xf32>,
      %add3A_250 = arith.addf %add3A_247, %get3A_249 : vector<16xf32>
      %get3A_251 = arith.constant 64 : index
      %get3A_252 = tpu.vector_load %arg10[%get3A_251] {strides = array<i32>} : memref<256xf32, #tpu.memory_space<vmem>>, vector<16xf32>,
      %add3A_253 = arith.addf %add3A_250, %get3A_252 : vector<16xf32>
      %get3A_254 = arith.constant 80 : index
      %get3A_255 = tpu.vector_load %arg10[%get3A_254] {strides = array<i32>} : memref<256xf32, #tpu.memory_space<vmem>>, vector<16xf32>,
      %add3A_256 = arith.addf %add3A_253, %get3A_255 : vector<16xf32>
      %get3A_257 = arith.constant 96 : index
      %get3A_258 = tpu.vector_load %arg10[%get3A_257] {strides = array<i32>} : memref<256xf32, #tpu.memory_space<vmem>>, vector<16xf32>,
      %add3A_259 = arith.addf %add3A_256, %get3A_258 : vector<16xf32>
      %get3A_260 = arith.constant 112 : index
      %get3A_261 = tpu.vector_load %arg10[%get3A_260] {strides = array<i32>} : memref<256xf32, #tpu.memory_space<vmem>>, vector<16xf32>,
      %add3A_262 = arith.addf %add3A_259, %get3A_261 : vector<16xf32>
      %get3A_263 = arith.constant 128 : index
      %get3A_264 = tpu.vector_load %arg10[%get3A_263] {strides = array<i32>} : memref<256xf32, #tpu.memory_space<vmem>>, vector<16xf32>,
      %add3A_265 = arith.addf %add3A_262, %get3A_264 : vector<16xf32>
      %get3A_266 = arith.constant 144 : index
      %get3A_267 = tpu.vector_load %arg10[%get3A_266] {strides = array<i32>} : memref<256xf32, #tpu.memory_space<vmem>>, vector<16xf32>,
      %add3A_268 = arith.addf %add3A_265, %get3A_267 : vector<16xf32>
      %get3A_269 = arith.constant 160 : index
      %get3A_270 = tpu.vector_load %arg10[%get3A_269] {strides = array<i32>} : memref<256xf32, #tpu.memory_space<vmem>>, vector<16xf32>,
      %add3A_271 = arith.addf %add3A_268, %get3A_270 : vector<16xf32>
      %get3A_272 = arith.constant 176 : index
      %get3A_273 = tpu.vector_load %arg10[%get3A_272] {strides = array<i32>} : memref<256xf32, #tpu.memory_space<vmem>>, vector<16xf32>,
      %add3A_274 = arith.addf %add3A_271, %get3A_273 : vector<16xf32>
      %get3A_275 = arith.constant 192 : index
      %get3A_276 = tpu.vector_load %arg10[%get3A_275] {strides = array<i32>} : memref<256xf32, #tpu.memory_space<vmem>>, vector<16xf32>,
      %add3A_277 = arith.addf %add3A_274, %get3A_276 : vector<16xf32>
      %get3A_278 = arith.constant 208 : index
      %get3A_279 = tpu.vector_load %arg10[%get3A_278] {strides = array<i32>} : memref<256xf32, #tpu.memory_space<vmem>>, vector<16xf32>,
      %add3A_280 = arith.addf %add3A_277, %get3A_279 : vector<16xf32>
      %get3A_281 = arith.constant 224 : index
      %get3A_282 = tpu.vector_load %arg10[%get3A_281] {strides = array<i32>} : memref<256xf32, #tpu.memory_space<vmem>>, vector<16xf32>,
      %add3A_283 = arith.addf %add3A_280, %get3A_282 : vector<16xf32>
      %get3A_284 = arith.constant 240 : index
      %get3A_285 = tpu.vector_load %arg10[%get3A_284] {strides = array<i32>} : memref<256xf32, #tpu.memory_space<vmem>>, vector<16xf32>,
      %add3A_286 = arith.addf %add3A_283, %get3A_285 : vector<16xf32>
      %convert_element_type3A_287 = arith.sitofp %scan3A_187#4 : i32 to f32
      %add3A_288 = vector.broadcast %convert_element_type3A_287 : f32 to vector<16xf32>
      %add3A_289 = arith.addf %add3A_286, %add3A_288 : vector<16xf32>
      %swap3A_290 = arith.constant 16 : index
      %swap3A_291 = tpu.vector_load %arg12[%swap3A_290] {strides = array<i32>} : memref<64xf32, #tpu.memory_space<vmem>>, vector<16xf32>,
      tpu.vector_store %arg12[%swap3A_290], %add3A_289 {strides = array<i32>} : memref<64xf32, #tpu.memory_space<vmem>>, vector<16xf32>,
      %get3A_292 = arith.constant 32 : index
      %get3A_293 = tpu.vector_load %arg9[%get3A_292] {strides = array<i32>} : memref<48xi32, #tpu.memory_space<vmem>>, vector<16xi32>,
      %convert_element_type3A_294 = arith.sitofp %get3A_293 : vector<16xi32> to vector<16xf32>
      %swap3A_295 = arith.constant 32 : index
      %swap3A_296 = tpu.vector_load %arg12[%swap3A_295] {strides = array<i32>} : memref<64xf32, #tpu.memory_space<vmem>>, vector<16xf32>,
      tpu.vector_store %arg12[%swap3A_295], %convert_element_type3A_294 {strides = array<i32>} : memref<64xf32, #tpu.memory_space<vmem>>, vector<16xf32>,
      "tpu.region"() ({
        %run_scoped3A = tpu.sem_alloc : memref<!tpu.dma_semaphore, #tpu.memory_space<semaphore_mem>>
        tpu.enqueue_dma source(%arg21 : memref<256xf32, #tpu.memory_space<vmem_shared>>) target(%arg10 : memref<256xf32, #tpu.memory_space<vmem>>) target_semaphore(%run_scoped3A : memref<!tpu.dma_semaphore, #tpu.memory_space<semaphore_mem>>)
        tpu.wait_dma2 semaphore(%run_scoped3A : memref<!tpu.dma_semaphore, #tpu.memory_space<semaphore_mem>>) src(%arg21 : memref<256xf32, #tpu.memory_space<vmem_shared>>) dst(%arg10 : memref<256xf32, #tpu.memory_space<vmem>>)
        tpu.yield
      }) : () -> ()
      %get3A_297 = arith.constant 0 : index
      %get3A_298 = tpu.vector_load %arg10[%get3A_297] {strides = array<i32>} : memref<256xf32, #tpu.memory_space<vmem>>, vector<16xf32>,
      %get3A_299 = arith.constant 16 : index
      %get3A_300 = tpu.vector_load %arg10[%get3A_299] {strides = array<i32>} : memref<256xf32, #tpu.memory_space<vmem>>, vector<16xf32>,
      %add3A_301 = arith.addf %get3A_298, %get3A_300 : vector<16xf32>
      %get3A_302 = arith.constant 32 : index
      %get3A_303 = tpu.vector_load %arg10[%get3A_302] {strides = array<i32>} : memref<256xf32, #tpu.memory_space<vmem>>, vector<16xf32>,
      %add3A_304 = arith.addf %add3A_301, %get3A_303 : vector<16xf32>
      %get3A_305 = arith.constant 48 : index
      %get3A_306 = tpu.vector_load %arg10[%get3A_305] {strides = array<i32>} : memref<256xf32, #tpu.memory_space<vmem>>, vector<16xf32>,
      %add3A_307 = arith.addf %add3A_304, %get3A_306 : vector<16xf32>
      %get3A_308 = arith.constant 64 : index
      %get3A_309 = tpu.vector_load %arg10[%get3A_308] {strides = array<i32>} : memref<256xf32, #tpu.memory_space<vmem>>, vector<16xf32>,
      %add3A_310 = arith.addf %add3A_307, %get3A_309 : vector<16xf32>
      %get3A_311 = arith.constant 80 : index
      %get3A_312 = tpu.vector_load %arg10[%get3A_311] {strides = array<i32>} : memref<256xf32, #tpu.memory_space<vmem>>, vector<16xf32>,
      %add3A_313 = arith.addf %add3A_310, %get3A_312 : vector<16xf32>
      %get3A_314 = arith.constant 96 : index
      %get3A_315 = tpu.vector_load %arg10[%get3A_314] {strides = array<i32>} : memref<256xf32, #tpu.memory_space<vmem>>, vector<16xf32>,
      %add3A_316 = arith.addf %add3A_313, %get3A_315 : vector<16xf32>
      %get3A_317 = arith.constant 112 : index
      %get3A_318 = tpu.vector_load %arg10[%get3A_317] {strides = array<i32>} : memref<256xf32, #tpu.memory_space<vmem>>, vector<16xf32>,
      %add3A_319 = arith.addf %add3A_316, %get3A_318 : vector<16xf32>
      %get3A_320 = arith.constant 128 : index
      %get3A_321 = tpu.vector_load %arg10[%get3A_320] {strides = array<i32>} : memref<256xf32, #tpu.memory_space<vmem>>, vector<16xf32>,
      %add3A_322 = arith.addf %add3A_319, %get3A_321 : vector<16xf32>
      %get3A_323 = arith.constant 144 : index
      %get3A_324 = tpu.vector_load %arg10[%get3A_323] {strides = array<i32>} : memref<256xf32, #tpu.memory_space<vmem>>, vector<16xf32>,
      %add3A_325 = arith.addf %add3A_322, %get3A_324 : vector<16xf32>
      %get3A_326 = arith.constant 160 : index
      %get3A_327 = tpu.vector_load %arg10[%get3A_326] {strides = array<i32>} : memref<256xf32, #tpu.memory_space<vmem>>, vector<16xf32>,
      %add3A_328 = arith.addf %add3A_325, %get3A_327 : vector<16xf32>
      %get3A_329 = arith.constant 176 : index
      %get3A_330 = tpu.vector_load %arg10[%get3A_329] {strides = array<i32>} : memref<256xf32, #tpu.memory_space<vmem>>, vector<16xf32>,
      %add3A_331 = arith.addf %add3A_328, %get3A_330 : vector<16xf32>
      %get3A_332 = arith.constant 192 : index
      %get3A_333 = tpu.vector_load %arg10[%get3A_332] {strides = array<i32>} : memref<256xf32, #tpu.memory_space<vmem>>, vector<16xf32>,
      %add3A_334 = arith.addf %add3A_331, %get3A_333 : vector<16xf32>
      %get3A_335 = arith.constant 208 : index
      %get3A_336 = tpu.vector_load %arg10[%get3A_335] {strides = array<i32>} : memref<256xf32, #tpu.memory_space<vmem>>, vector<16xf32>,
      %add3A_337 = arith.addf %add3A_334, %get3A_336 : vector<16xf32>
      %get3A_338 = arith.constant 224 : index
      %get3A_339 = tpu.vector_load %arg10[%get3A_338] {strides = array<i32>} : memref<256xf32, #tpu.memory_space<vmem>>, vector<16xf32>,
      %add3A_340 = arith.addf %add3A_337, %get3A_339 : vector<16xf32>
      %get3A_341 = arith.constant 240 : index
      %get3A_342 = tpu.vector_load %arg10[%get3A_341] {strides = array<i32>} : memref<256xf32, #tpu.memory_space<vmem>>, vector<16xf32>,
      %add3A_343 = arith.addf %add3A_340, %get3A_342 : vector<16xf32>
      %swap3A_344 = arith.constant 48 : index
      %swap3A_345 = tpu.vector_load %arg12[%swap3A_344] {strides = array<i32>} : memref<64xf32, #tpu.memory_space<vmem>>, vector<16xf32>,
      tpu.vector_store %arg12[%swap3A_344], %add3A_343 {strides = array<i32>} : memref<64xf32, #tpu.memory_space<vmem>>, vector<16xf32>,
      "tpu.region"() ({
        %run_scoped3A = tpu.sem_alloc : memref<!tpu.dma_semaphore, #tpu.memory_space<semaphore_mem>>
        tpu.enqueue_dma source(%arg12 : memref<64xf32, #tpu.memory_space<vmem>>) target(%arg3 : memref<64xf32, #tpu.memory_space<hbm>>) target_semaphore(%run_scoped3A : memref<!tpu.dma_semaphore, #tpu.memory_space<semaphore_mem>>)
        tpu.wait_dma2 semaphore(%run_scoped3A : memref<!tpu.dma_semaphore, #tpu.memory_space<semaphore_mem>>) src(%arg12 : memref<64xf32, #tpu.memory_space<vmem>>) dst(%arg3 : memref<64xf32, #tpu.memory_space<hbm>>)
        tpu.yield
      }) : () -> ()
    } else {
    }
    return
  }
}

</mosaic_0001>

<sc_bundles>
// kernel: _ohem_select.3.cloned.1.call-start
scs
__scs_entry_jumppad:
0x0: {  	(pc) =	sbr.rel $0x88, $3  }
0x1: {  	(tag) =	ssettag $0x0;
	lr =	simm.s32 $0x1  }
0x2: {  	[smem:$0x3FA0] =	sst lr;
	_ =	strace $0xD0000000  }
0x3: {  	_ = 	snop  }
0x4: {  	_ = 	snop  }
0x5: {  	_ = 	snop  }
0x6: {  	_ = 	snop  }
0x7: {  	_ = 	snop  }
__scs_overlays_trampoline_lowered:
0x8: {  	[smem:$0x3FAF] =	sst s0  }
0x9: {  	[smem:$0x3FB0] =	sst s1  }
0xa: {  	[smem:$0x3FB1] =	sst s2  }
0xb: {  	[smem:$0x3FB2] =	sst s3  }
0xc: {  	[smem:$0x3FB3] =	sst s4  }
0xd: {  	[smem:$0x3FB4] =	sst s5  }
0xe: {  	[smem:$0x3FB5] =	sst s6  }
0xf: {  	[smem:$0x3FB6] =	sst s7  }
0x10: {  	[smem:$0x3FB7] =	sst s8  }
0x11: {  	[smem:$0x3FB8] =	sst s9;
	s0 =	simm.s32 @!p0 $0x0  }
0x12: {  	s1 =	sld [smem:$0x3F9E];
	s0 =	simm.s32 @p0 $0x1  }
0x13: {  	[smem:$0x3FB9] =	sst s0;
	s0 =	simm.s32 @!p1 $0x0  }
0x14: {  	s2 =	sld [smem:$0x3F9D];
	s0 =	simm.s32 @p1 $0x1  }
0x15: {  	[smem:$0x3FBA] =	sst s0;
	s0 =	simm.s32 @!p2 $0x0  }
0x16: {  	s3 =	sld [smem:$0x3FDB];
	s0 =	simm.s32 @p2 $0x1  }
0x17: {  	s4 =	simm.s32 $0x1BF5;
	[smem:$0x3FBC] =	sst s0  }
0x18: {  	s0 =	sld [smem:$0x3F9F];
	_ =	swait.ge [sflag:s4], $0x0  }
0x19: {  	s7 =	sld [smem:$0x3FA0]  }
0x1a: {  	s8 =	sadd.s32 $0xFFFFE003, lr  }
0x1b: {  	s9 =	sadd.s32 $0xFFFFFEF7, lr;
	s5 =	simm.s32 $0xFFFFFFFF;
	p2 =	slt.u32 s8, $0xFFFFF086  }
0x1c: {  	p1 =	slt.u32 s9, $0xF7A;
	s5 =	simm.s32 @!p2 $0x0  }
0x1d: {  	s5 =	simm.s32 @p1 $0x1;
	p0 =	seq.s32 s7, s2  }
0x1e: {  	s7 =	smul.u32 @!p0 $0xF7A, s2;
	p2 =	seq.s32 @!p0 s5, $0x0  }
0x1f: {  	s9 =	smul.u32 $0xF7A, s1;
	s8 =	simm.s32 @!p0 $0x1BF5;
	p2 =	por !p2, p0  }
0x20: {  	[sflag:s8] =	ssyncset.s32 @!p0 $0xFFFFF086;
	s6 =	sadd.s32 @!p0 s3, s7;
	s7 =	simm.s32 @!p0 $0x108  }
0x21: {  	s3 =	sadd.s32 s3, s9;
	s6 =	sadd.s32 @!p0 $0x88, s6;
	s7 =	simm.s32 @p2 $0x1082  }
0x22: {  	[simem:s7], [sflag:s8] =	dma.local @!p0 [hbm:s6], $0xF7A  }
0x23: {  	s9 =	sor.u32 $0xD0000000, s2;
	s6 =	simm.s32 $0x108;
	_ =	swait.ge @!p0 [sflag:s8], $0x0  }
0x24: {  	s3 =	sadd.s32 $0x88, s3;
	s6 =	simm.s32 @!p1 $0x1082;
	[sflag:s4] =	ssyncset.s32 $0xFFFFF086  }
0x25: {  	[simem:s6], [sflag:s4] =	dma.local [hbm:s3], $0xF7A  }
0x26: {  	[smem:$0x3FA0] =	sst s1;
	(tag) =	ssettag s2;
	_ =	strace s9  }
0x27: {  	s1 =	sld [smem:$0x3FB0]  }
0x28: {  	s2 =	sld [smem:$0x3FB1]  }
0x29: {  	s4 =	sld [smem:$0x3FB3]  }
0x2a: {  	p0 =	seq.s32 s5, $0x0;
	s5 =	sld [smem:$0x3FB4]  }
0x2b: {  	s6 =	sld [smem:$0x3FB5]  }
0x2c: {  	s7 =	sld [smem:$0x3FB6]  }
0x2d: {  	s3 =	simm.s32 $0x108;
	s8 =	sld [smem:$0x3FB7]  }
0x2e: {  	s3 =	simm.s32 @!p0 $0x1082;
	s9 =	sld [smem:$0x3FB8]  }
0x2f: {  	lr =	sadd.s32 s0, s3;
	s0 =	sld [smem:$0x3FAF]  }
0x30: {  	s3 =	sld [smem:$0x3FB2]  }
0x31: {  	[smem:$0x3FBB] =	sst s10  }
0x32: {  	s10 =	sld [smem:$0x3FB9];
	_ =	sdelay $0x3  }
0x33: {  	p0 =	seq.s32 s10, $0x1;
	s10 =	sld [smem:$0x3FBB];
	_ =	sdelay $0x3  }
0x34: {  	[smem:$0x3FBB] =	sst s10  }
0x35: {  	s10 =	sld [smem:$0x3FBA];
	_ =	sdelay $0x3  }
0x36: {  	p1 =	seq.s32 s10, $0x1;
	s10 =	sld [smem:$0x3FBB];
	_ =	sdelay $0x3  }
0x37: {  	[smem:$0x3FBB] =	sst s10  }
0x38: {  	s10 =	sld [smem:$0x3FBC]  }
0x39: {  	_ = 	snop;
	(pc) =	sbr.ind lr, $3  }
0x3a: {  	_ = 	snop  }
0x3b: {  	_ = 	snop  }
0x3c: {  	p2 =	seq.s32 s10, $0x1;
	s10 =	sld [smem:$0x3FBB]  }
0x3d: {  	_ =	shalt  }
0x3e: {  	_ =	shalt  }
0x3f: {  	_ =	shalt  }
0x40: {  	_ =	shalt  }
0x41: {  	_ =	shalt  }
0x42: {  	_ =	shalt  }
0x43: {  	_ =	shalt  }
0x44: {  	_ =	shalt  }
0x45: {  	_ =	shalt  }
0x46: {  	_ =	shalt  }
0x47: {  	_ =	shalt  }
0x48: {  	_ =	shalt  }
0x49: {  	_ =	shalt  }
0x4a: {  	_ =	shalt  }
0x4b: {  	_ =	shalt  }
0x4c: {  	_ =	shalt  }
0x4d: {  	_ =	shalt  }
0x4e: {  	_ =	shalt  }
0x4f: {  	_ =	shalt  }
0x50: {  	_ =	shalt  }
0x51: {  	_ =	shalt  }
0x52: {  	_ =	shalt  }
0x53: {  	_ =	shalt  }
0x54: {  	_ =	shalt  }
0x55: {  	_ =	shalt  }
0x56: {  	_ =	shalt  }
0x57: {  	_ =	shalt  }
0x58: {  	_ =	shalt  }
0x59: {  	_ =	shalt  }
0x5a: {  	_ =	shalt  }
0x5b: {  	_ =	shalt  }
0x5c: {  	_ =	shalt  }
0x5d: {  	_ =	shalt  }
0x5e: {  	_ =	shalt  }
0x5f: {  	_ =	shalt  }
0x60: {  	_ =	shalt  }
0x61: {  	_ =	shalt  }
0x62: {  	_ =	shalt  }
0x63: {  	_ =	shalt  }
0x64: {  	_ =	shalt  }
0x65: {  	_ =	shalt  }
0x66: {  	_ =	shalt  }
0x67: {  	_ =	shalt  }
0x68: {  	_ =	shalt  }
0x69: {  	_ =	shalt  }
0x6a: {  	_ =	shalt  }
0x6b: {  	_ =	shalt  }
0x6c: {  	_ =	shalt  }
0x6d: {  	_ =	shalt  }
0x6e: {  	_ =	shalt  }
0x6f: {  	_ =	shalt  }
0x70: {  	_ =	shalt  }
0x71: {  	_ =	shalt  }
0x72: {  	_ =	shalt  }
0x73: {  	_ =	shalt  }
0x74: {  	_ =	shalt  }
0x75: {  	_ =	shalt  }
0x76: {  	_ =	shalt  }
0x77: {  	_ =	shalt  }
0x78: {  	_ =	shalt  }
0x79: {  	_ =	shalt  }
0x7a: {  	_ =	shalt  }
0x7b: {  	_ =	shalt  }
0x7c: {  	_ =	shalt  }
0x7d: {  	_ =	shalt  }
0x7e: {  	_ =	shalt  }
0x7f: {  	_ =	shalt  }
0x80: {  	_ =	shalt  }
0x81: {  	_ =	shalt  }
0x82: {  	_ =	shalt  }
0x83: {  	_ =	shalt  }
0x84: {  	_ =	shalt  }
0x85: {  	_ =	shalt  }
0x86: {  	_ =	shalt  }
0x87: {  	_ =	shalt  }
.Lfunc_end0:
.L_simem_size_0:
called_computation_lowered:
.L_overlay_start_0:
0x88: {  	s0 =	sld [smem:$0x3FD9]  }
0x89: {  	s1 =	sld [smem:$0x3FFE];
	_ =	sdelay $0x3  }
0x8a: {  	s0 =	sadd.s32 s1, s0  }
0x8b: {  	[smem:$0x3FC7] =	sst s0  }
0x8c: {  	_ = 	snop  }
0x8d: {  	s0 =	sld [smem:$0x3FC9]  }
0x8e: {  	s17 =	sld [smem:$0x3FD0];
	(tm) =	ssettm $0x1  }
0x8f: {  	s2 =	sld [smem:$0x3FFB];
	_ =	sdelay $0x3  }
0x90: {  	_ =	strace s2  }
0x91: {  	s2 =	sld [smem:$0x3FFC];
	_ =	sdelay $0x3  }
0x92: {  	_ =	strace s2  }
0x93: {  	s2 =	sld [smem:$0x3FFD];
	_ =	sdelay $0x3  }
0x94: {  	_ =	strace s2  }
0x95: {  	_ =	strace $0x8FFFFFFF  }
0x96: {  	s18 =	sld [smem:$0x3FDB];
	_ =	sdelay $0x1  }
0x97: {  	s3 =	simm.s32 $_scs_section_size  }
0x98: {  	s4 =	simm.s32 $_size__tile_overlayer_lowered;
	s5 =	simm.s32 $_tile_overlayer_lowered  }
0x99: {  	s21 =	simm.s32 $0x1BFF;
	s20 =	sshll.u32 s5, $0x1;
	s2 =	sadd.s32 s3, s18  }
0x9a: {  	s6 =	simm.s32 $0x0;
	s19 =	sshll.u32 s4, $0x1;
	s4 =	sadd.s32 s20, s2  }
0x9b: {  	[timem:s6], [sflag:s21] =	dma.local [hbm:s4], s19  }
0x9c: {  	_ =	swait.ge [sflag:s21], s19  }
0x9d: {  	s3 =	ssub.s32 $0x0, s19;
	[sflag:s21] =	ssyncset.done $0x0  }
0x9e: {  	[sflag:s21] =	ssyncadd.s32 s3;
	_ =	sdelay $0x1  }
0x9f: {  	s22 =	simm.s32 $0x1B8B  }
0xa0: {  	_ =	swait.ge [sflag:s22], $0x1  }
0xa1: {  	[sflag:s22] =	ssyncset.done $0x0  }
0xa2: {  	s23 =	simm.s32 $0x1B8E;
	[sflag:s22] =	ssyncadd.s32 $0xFFFFFFFF  }
0xa3: {  	s24 =	simm.s32 $execute0_lowered;
	[smem:$0x3FD2] =	sst s23  }
0xa4: {  	s3 =	sshll.u32 s24, $0x1;
	_ =	strace $0x80000046;
	[dreg:$0x1] =	wrdreg $0xFFFFFFFF  }
0xa5: {  	s25 =	simm.s32 $_size_execute0_lowered;
	s2 =	sadd.s32 s2, s3;
	[dreg:$0x0] =	wrdreg $0x0  }
0xa6: {  	s3 =	sshll.u32 s25, $0x1;
	[dreg:$0x2] =	wrdreg s2  }
0xa7: {  	[dreg:$0x3] =	wrdreg s3  }
0xa8: {  	[dreg:$0x4] =	wrdreg $0xC0  }
0xa9: {  	_ =	task [dreg:s6], $0x5FFFF  }
0xaa: {  	[dreg:$0x1] =	wrdreg $0xFFFFFFFF  }
0xab: {  	[dreg:$0x0] =	wrdreg $0x60  }
0xac: {  	[dreg:$0x2] =	wrdreg s0  }
0xad: {  	[dreg:$0x3] =	wrdreg s17  }
0xae: {  	[dreg:$0x4] =	wrdreg $0x198800  }
0xaf: {  	[dreg:$0x5] =	wrdreg $0x199000  }
0xb0: {  	[dreg:$0x6] =	wrdreg $0x199400  }
0xb1: {  	[dreg:$0x7] =	wrdreg $0x199500  }
0xb2: {  	[dreg:$0x8] =	wrdreg $0x199580  }
0xb3: {  	[dreg:$0x9] =	wrdreg $0x199680  }
0xb4: {  	[dreg:$0xa] =	wrdreg $0x199780  }
0xb5: {  	[dreg:$0xb] =	wrdreg $0x9  }
0xb6: {  	_ =	task.clear_ibuf [dreg:s6], $0xCFFFF;
	_ =	strace $0x90000046  }
0xb7: {  	s26 =	simm.s32 $0x9;
	_ =	strace $0x80000048  }
0xb8: {  	_ =	swait.ge [sflag:s26], $0x1  }
0xb9: {  	[sflag:s26] =	ssyncadd.s32 $0xFFFFFFFF  }
0xba: {  	_ =	strace $0x90000048  }
0xbb: {  	_ =	sfence  }
0xbc: {  	s28 =	sld [smem:$0x0];
	_ =	sdelay $0x1  }
0xbd: {  	s29 =	srdreg.scid  }
0xbe: {  	s30 =	sshll.u32 s29, $0xD;
	s31 =	sshrl.u32 s29, $0x2  }
0xbf: {  	s1 =	sand.u32 $0x1, s29;
	s2 =	sand.u32 $0x4000, s30;
	s0 =	sadd.s32 s31, s28  }
0xc0: {  	s1 =	sor.u32 s2, s1;
	s0 =	sshll.u32 s0, $0x11  }
0xc1: {  	s0 =	sor.u32 s0, s1  }
0xc2: {  	s0 =	sadd.s32 $0x8F2B, s0  }
0xc3: {  	[sflag:s0] =	ssyncadd.remote.s32 $0x1  }
0xc4: {  	_ =	sfence.sel $0xFFFF  }
0xc5: {  	[dreg:$0x0] =	wrdreg $0xFFFFFFFF;
	(pc) =	sbr.abs _section_cstart, $3  }
0xc6: {  	[dreg:$0x1] =	wrdreg $0xFFFFFFFF  }
0xc7: {  	_ =	task.clear_ibuf [dreg:s6], $0x2FFFF;
	_ =	strace $0x9FFFFFFF  }
0xc8: {  	(tm) =	ssettm $0x7FFFFFFF  }
0xc9: {  	_ =	shalt  }
tec
execute0_lowered:
.L_overlay_start_1:
0x0: {  	(tag) =	ssettag $0x1  }
0x1: {  	s0 =	rddreg [dreg:$0x0]  }
0x2: {  	s10 =	rddreg [dreg:$0x2]  }
0x3: {  	s5 =	rddreg [dreg:$0x3]  }
0x4: {  	s11 =	rddreg [dreg:$0x4]  }
0x5: {  	s9 =	rddreg [dreg:$0x5]  }
0x6: {  	s4 =	rddreg [dreg:$0x6]  }
0x7: {  	s14 =	rddreg [dreg:$0x7]  }
0x8: {  	s13 =	rddreg [dreg:$0x8];
	s1 =	simm.s32 $0x0;
	s6 =	stileid.u32  }
0x9: {  	[smem:$0x7FF] =	sst s1;
	s2 =	sshll.u32 s6, $0xD  }
0xa: {  	s23 =	simm.s32 $0x1;
	_ =	strace $0x80000047;
	s0 =	sadd.s32 s0, s2  }
0xb: {  	[tilespmem:s1], [sflag:$0x1] =	stream.linear.gather [hbm4b:s0+s1], $0x10000, $0x38;
	[tilespmem:$0x19988] =	vst v63  }
0xc: {  	_ =	swait.ge [sflag:s23], $0x10000  }
0xd: {  	v0 =	vlaneseq.u32;
	s24 =	simm.s32 $0x60;
	[sflag:s23] =	ssyncset.done $0x0  }
0xe: {  	s25 =	simm.s32 $0x0;
	v1 =	vor.u32 s24, v0;
	s0 =	simm.s32 $0x188C0;
	[sflag:s23] =	ssyncadd.s32 $0xFFFF0000  }
0xf: {  	s26 =	simm.s32 $0x10;
	v2 =	vor.u32 s25, v0;
	[tilespmem:s0+$0x20] =	vst v1  }
0x10: {  	s28 =	simm.s32 $0x20;
	[tilespmem:s0+$0xFFFFFFC0] =	vst v2;
	v1 =	vor.u32 s26, v0  }
0x11: {  	s29 =	simm.s32 $0x30;
	[tilespmem:s0+$0xFFFFFFD0] =	vst v1;
	v1 =	vor.u32 s28, v0  }
0x12: {  	s30 =	simm.s32 $0x40;
	[tilespmem:s0+$0xFFFFFFE0] =	vst v1;
	v1 =	vor.u32 s29, v0  }
0x13: {  	s31 =	simm.s32 $0x50;
	[tilespmem:s0+$0xFFFFFFF0] =	vst v1;
	v1 =	vor.u32 s30, v0  }
0x14: {  	s7 =	simm.s32 $0x70;
	[tilespmem:s0+$0x0] =	vst v1;
	v1 =	vor.u32 s31, v0  }
0x15: {  	s3 =	simm.s32 $0xE0;
	s2 =	simm.s32 $0x170;
	s1 =	simm.s32 $0xF0;
	[tilespmem:s0+$0x10] =	vst v1;
	v1 =	vor.u32 s7, v0  }
.LBB2_1:
0x16: {  	p0 =	sne.s32 s2, $0x7F0;
	s7 =	sadd.s32 $0xFFFFFF90, s1;
	v2 =	vor.u32 s3, v0;
	[tilespmem:s0+$0x30] =	vst v1;
	s0 =	sadd.s32 $0x80, s0  }
0x17: {  	s3 =	sadd.s32 $0xFFFFFFA0, s1;
	v1 =	vor.u32 s7, v0;
	[tilespmem:s0+$0x20] =	vst v2  }
0x18: {  	[tilespmem:s0+$0xFFFFFFC0] =	vst v1;
	v1 =	vor.u32 s3, v0;
	s3 =	sadd.s32 $0xFFFFFFB0, s1  }
.Ltmp0:
0x19: {  	[tilespmem:s0+$0xFFFFFFD0] =	vst v1;
	v1 =	vor.u32 s3, v0;
	s3 =	sadd.s32 $0xFFFFFFC0, s1;
	(pc) =	sbr.rel @p0 .LBB2_1-.Ltmp0, $4  }
0x1a: {  	[tilespmem:s0+$0xFFFFFFE0] =	vst v1;
	v1 =	vor.u32 s3, v0;
	s3 =	sadd.s32 $0xFFFFFFD0, s1  }
0x1b: {  	[tilespmem:s0+$0xFFFFFFF0] =	vst v1;
	v1 =	vor.u32 s3, v0;
	s3 =	sadd.s32 $0xFFFFFFE0, s1  }
0x1c: {  	[tilespmem:s0+$0x0] =	vst v1;
	v1 =	vor.u32 s3, v0  }
0x1d: {  	s3 =	sadd.s32 $0xFFFFFFF0, s2;
	[tilespmem:s0+$0x10] =	vst v1;
	v1 =	vor.u32 s1, v0;
	s1 =	smov.u32 s2;
	s2 =	sadd.s32 $0x80, s2  }
0x1e: {  	s2 =	sadd.s32 $0xFFFFFF90, s1;
	v2 =	vor.u32 s3, v0;
	[tilespmem:s0+$0x30] =	vst v1;
	s18 =	sadd.s32 $0x80, s0  }
0x1f: {  	s19 =	sadd.s32 $0xFFFFFFA0, s1;
	v1 =	vor.u32 s2, v0;
	[tilespmem:s18+$0x20] =	vst v2  }
0x20: {  	s20 =	sadd.s32 $0xFFFFFFB0, s1;
	[tilespmem:s18+$0xFFFFFFC0] =	vst v1;
	v1 =	vor.u32 s19, v0  }
0x21: {  	s21 =	sadd.s32 $0xFFFFFFC0, s1;
	[tilespmem:s18+$0xFFFFFFD0] =	vst v1;
	v1 =	vor.u32 s20, v0  }
0x22: {  	s22 =	sadd.s32 $0xFFFFFFD0, s1;
	[tilespmem:s18+$0xFFFFFFE0] =	vst v1;
	v1 =	vor.u32 s21, v0  }
0x23: {  	s23 =	sadd.s32 $0xFFFFFFE0, s1;
	[tilespmem:s18+$0xFFFFFFF0] =	vst v1;
	v1 =	vor.u32 s22, v0  }
0x24: {  	[tilespmem:s18+$0x0] =	vst v1;
	v1 =	vor.u32 s23, v0  }
0x25: {  	s24 =	simm.s32 $0x60;
	[tilespmem:s18+$0x10] =	vst v1;
	v1 =	vor.u32 s1, v0;
	v0 =	vlaneseq.u32  }
0x26: {  	s0 =	simm.s32 $0x190C0;
	s25 =	simm.s32 $0x0;
	[tilespmem:s18+$0x30] =	vst v1;
	v1 =	vor.u32 s24, v0  }
0x27: {  	s26 =	simm.s32 $0x10;
	v2 =	vor.u32 s25, v0;
	[tilespmem:s0+$0x20] =	vst v1  }
0x28: {  	s28 =	simm.s32 $0x20;
	[tilespmem:s0+$0xFFFFFFC0] =	vst v2;
	v1 =	vor.u32 s26, v0  }
0x29: {  	s29 =	simm.s32 $0x30;
	[tilespmem:s0+$0xFFFFFFD0] =	vst v1;
	v1 =	vor.u32 s28, v0  }
0x2a: {  	s30 =	simm.s32 $0x40;
	[tilespmem:s0+$0xFFFFFFE0] =	vst v1;
	v1 =	vor.u32 s29, v0  }
0x2b: {  	s31 =	simm.s32 $0x50;
	[tilespmem:s0+$0xFFFFFFF0] =	vst v1;
	v1 =	vor.u32 s30, v0  }
0x2c: {  	s7 =	simm.s32 $0x70;
	[tilespmem:s0+$0x0] =	vst v1;
	v1 =	vor.u32 s31, v0  }
0x2d: {  	s3 =	simm.s32 $0xE0;
	s2 =	simm.s32 $0x170;
	s1 =	simm.s32 $0xF0;
	[tilespmem:s0+$0x10] =	vst v1;
	v1 =	vor.u32 s7, v0  }
.LBB2_3:
0x2e: {  	p0 =	sne.s32 s2, $0x3F0;
	s7 =	sadd.s32 $0xFFFFFF90, s1;
	v2 =	vor.u32 s3, v0;
	[tilespmem:s0+$0x30] =	vst v1;
	s0 =	sadd.s32 $0x80, s0  }
0x2f: {  	s3 =	sadd.s32 $0xFFFFFFA0, s1;
	v1 =	vor.u32 s7, v0;
	[tilespmem:s0+$0x20] =	vst v2  }
0x30: {  	[tilespmem:s0+$0xFFFFFFC0] =	vst v1;
	v1 =	vor.u32 s3, v0;
	s3 =	sadd.s32 $0xFFFFFFB0, s1  }
.Ltmp1:
0x31: {  	[tilespmem:s0+$0xFFFFFFD0] =	vst v1;
	v1 =	vor.u32 s3, v0;
	s3 =	sadd.s32 $0xFFFFFFC0, s1;
	(pc) =	sbr.rel @p0 .LBB2_3-.Ltmp1, $4  }
0x32: {  	[tilespmem:s0+$0xFFFFFFE0] =	vst v1;
	v1 =	vor.u32 s3, v0;
	s3 =	sadd.s32 $0xFFFFFFD0, s1  }
0x33: {  	[tilespmem:s0+$0xFFFFFFF0] =	vst v1;
	v1 =	vor.u32 s3, v0;
	s3 =	sadd.s32 $0xFFFFFFE0, s1  }
0x34: {  	[tilespmem:s0+$0x0] =	vst v1;
	v1 =	vor.u32 s3, v0  }
0x35: {  	s3 =	sadd.s32 $0xFFFFFFF0, s2;
	[tilespmem:s0+$0x10] =	vst v1;
	v1 =	vor.u32 s1, v0;
	s1 =	smov.u32 s2;
	s2 =	sadd.s32 $0x80, s2  }
0x36: {  	s2 =	sadd.s32 $0xFFFFFF90, s1;
	v2 =	vor.u32 s3, v0;
	[tilespmem:s0+$0x30] =	vst v1;
	s25 =	sadd.s32 $0x80, s0  }
0x37: {  	s26 =	sadd.s32 $0xFFFFFFA0, s1;
	v1 =	vor.u32 s2, v0;
	[tilespmem:s25+$0x20] =	vst v2  }
0x38: {  	s28 =	sadd.s32 $0xFFFFFFB0, s1;
	[tilespmem:s25+$0xFFFFFFC0] =	vst v1;
	v1 =	vor.u32 s26, v0  }
0x39: {  	s29 =	sadd.s32 $0xFFFFFFC0, s1;
	[tilespmem:s25+$0xFFFFFFD0] =	vst v1;
	v1 =	vor.u32 s28, v0  }
0x3a: {  	s30 =	sadd.s32 $0xFFFFFFD0, s1;
	[tilespmem:s25+$0xFFFFFFE0] =	vst v1;
	v1 =	vor.u32 s29, v0  }
0x3b: {  	s31 =	sadd.s32 $0xFFFFFFE0, s1;
	[tilespmem:s25+$0xFFFFFFF0] =	vst v1;
	v1 =	vor.u32 s30, v0  }
0x3c: {  	[tilespmem:s25+$0x0] =	vst v1;
	v1 =	vor.u32 s31, v0  }
0x3d: {  	v0 =	vor.u32 s1, v0;
	[tilespmem:s25+$0x10] =	vst v1  }
0x3e: {  	s0 =	simm.s32 $0x0;
	s1 =	simm.s32 $0x200;
	[tilespmem:s25+$0x30] =	vst v0;
	v0 =	vimm.s32 $0x0  }
.LBB2_5:
0x3f: {  	p0 =	sne.s32 s1, $0x1E00;
	[tilespmem:s0+$0x180F0] =	vst v0  }
0x40: {  	[tilespmem:s0+$0x18080] =	vst v0  }
0x41: {  	[tilespmem:s0+$0x18090] =	vst v0  }
.Ltmp2:
0x42: {  	[tilespmem:s0+$0x180A0] =	vst v0;
	(pc) =	sbr.rel @p0 .LBB2_5-.Ltmp2, $4  }
0x43: {  	[tilespmem:s0+$0x180B0] =	vst v0  }
0x44: {  	[tilespmem:s0+$0x180C0] =	vst v0  }
0x45: {  	[tilespmem:s0+$0x180D0] =	vst v0  }
0x46: {  	[tilespmem:s0+$0x180E0] =	vst v0;
	s0 =	sshra.s32 s1, $0x2;
	s1 =	sadd.s32 $0x200, s1  }
0x47: {  	[tilespmem:s0+$0x180F0] =	vst v0  }
0x48: {  	[tilespmem:s0+$0x18080] =	vst v0  }
0x49: {  	[tilespmem:s0+$0x18090] =	vst v0  }
0x4a: {  	[tilespmem:s0+$0x180A0] =	vst v0  }
0x4b: {  	[tilespmem:s0+$0x180B0] =	vst v0  }
0x4c: {  	[tilespmem:s0+$0x180C0] =	vst v0  }
0x4d: {  	[tilespmem:s0+$0x180D0] =	vst v0;
	p0 =	sne.s32 s6, $0x0  }
0x4e: {  	[tilespmem:s0+$0x180E0] =	vst v0;
	s0 =	simm.s32 @!p0 $0x18080;
	s1 =	simm.s32 @!p0 $0x1  }
0x4f: {  	[spmem:s10] =	stream.linear.scatter @!p0 [tilespmem:s0], [sflag:$0x1], $0x800, $0x38;
	[tilespmem:$0x19988] =	vst v63  }
0x50: {  	_ =	swait.ge @!p0 [sflag:s1], $0x800  }
0x51: {  	[sflag:s1] =	ssyncset.done @!p0 $0x0  }
0x52: {  	s2 =	sshll.u32 s6, $0x4;
	[sflag:s1] =	ssyncadd.s32 @!p0 $0xFFFFF800  }
0x53: {  	[spmem:s5] =	stream.linear.scatter @!p0 [tilespmem:s0], [sflag:$0x1], $0x400, $0x38;
	[tilespmem:$0x19988] =	vst v63  }
0x54: {  	s12 =	sadd.s32 s2, s11;
	s8 =	sadd.s32 s2, s4;
	_ =	swait.ge @!p0 [sflag:s1], $0x400  }
0x55: {  	s7 =	sadd.s32 s2, s14;
	s6 =	sadd.s32 s2, s13;
	[sflag:s1] =	ssyncset.done @!p0 $0x0  }
0x56: {  	v0 =	vimm.s32 $0x0;
	s0 =	simm.s32 $0x0;
	[sflag:s1] =	ssyncadd.s32 @!p0 $0xFFFFFC00;
	s1 =	simm.s32 $0x200  }
.LBB2_7:
0x57: {  	p1 =	sne.s32 s1, $0x20000;
	[tilespmem:s0+$0x10070] =	vst v0  }
0x58: {  	[tilespmem:s0+$0x10000] =	vst v0  }
0x59: {  	[tilespmem:s0+$0x10010] =	vst v0  }
.Ltmp3:
0x5a: {  	[tilespmem:s0+$0x10020] =	vst v0;
	(pc) =	sbr.rel @p1 .LBB2_7-.Ltmp3, $4  }
0x5b: {  	[tilespmem:s0+$0x10030] =	vst v0  }
0x5c: {  	[tilespmem:s0+$0x10040] =	vst v0  }
0x5d: {  	[tilespmem:s0+$0x10050] =	vst v0  }
0x5e: {  	[tilespmem:s0+$0x10060] =	vst v0;
	s0 =	sshra.s32 s1, $0x2;
	s1 =	sadd.s32 $0x200, s1  }
0x5f: {  	[tilespmem:s0+$0x10070] =	vst v0  }
0x60: {  	[tilespmem:s0+$0x10000] =	vst v0  }
0x61: {  	[tilespmem:s0+$0x10010] =	vst v0  }
0x62: {  	[tilespmem:s0+$0x10020] =	vst v0  }
0x63: {  	[tilespmem:s0+$0x10030] =	vst v0  }
0x64: {  	[tilespmem:s0+$0x10040] =	vst v0;
	s1 =	simm.s32 $0x0  }
0x65: {  	[tilespmem:s0+$0x10050] =	vst v0;
	s2 =	sand.u32 $0xF000, s1;
	s3 =	sand.u32 $0xC00, s1  }
0x66: {  	[tilespmem:s0+$0x10060] =	vst v0;
	s26 =	sand.u32 $0x380, s1;
	s28 =	sor.u32 s3, s2  }
0x67: {  	[bflag:$0x0] =	sbarrier.arrive $0xFFFF;
	s0 =	sor.u32 s26, s28  }
0x68: {  	v3 =	vld [tilespmem:s0+$0x0]  }
0x69: {  	v4 =	vld [tilespmem:s0+$0x50]  }
0x6a: {  	v5 =	vld [tilespmem:s0+$0x10]  }
0x6b: {  	v6 =	vld [tilespmem:s0+$0x70]  }
0x6c: {  	v7 =	vld [tilespmem:s0+$0x20]  }
0x6d: {  	v0 =	vlaneseq.u32;
	v1 =	vimm.f32 $0.0e+00  }
0x6e: {  	v2 =	vmul.u32 $0x801, v0;
	v0 =	vimm.s32 $0x0;
	v10 =	vld [tilespmem:s0+$0x30];
	v9 =	vadd.f32 v3, v1  }
0x6f: {  	v8 =	vshrl.u32 v3, $0x14;
	v1 =	vimm.s32 $0x1;
	v11 =	vshrl.u32 v4, $0x14  }
0x70: {  	v12 =	vshrl.u32 v5, $0x14;
	v15 =	vshrl.u32 v6, $0x14;
	v9 =	vadd.f32 v5, v9  }
0x71: {  	v14 =	vshrl.u32 v7, $0x14;
	vm0 =	veq.s32 v6, $0x0;
	v13 =	vadd.s32 v2, v11;
	v11 =	vld [tilespmem:s0+$0x40]  }
0x72: {  	vm1 =	veq.s32 v3, $0x0;
	v8 =	vadd.s32 v2, v8;
	v9 =	vadd.f32 v7, v9  }
0x73: {  	vm2 =	veq.s32 v10, $0x0;
	vm3 =	veq.s32 v4, $0x0;
	v12 =	vadd.s32 v2, v12  }
0x74: {  	s29 =	simm.s32 $0x400;
	s30 =	simm.s32 $0x80;
	v3 =	vsel vm1, $0x1, v0;
	vm1 =	veq.s32 v5, $0x0;
	v5 =	vadd.f32 v10, v9  }
0x75: {  	s31 =	simm.s32 $0x20;
	s1 =	sand.u32 $0xF000, s30;
	v3 =	vadd.s32 v3, v0;
	v16 =	vsel vm1, $0x1, v0;
	vm1 =	veq.s32 v7, $0x0;
	v9 =	vld [tilespmem:s0+$0x60];
	s0 =	sand.u32 $0xC00, s29  }
0x76: {  	s13 =	simm.s32 $0x10000;
	s2 =	sand.u32 $0x380, s31;
	v3 =	vadd.s32 v16, v3;
	v7 =	vsel vm1, $0x1, v0;
	s0 =	sor.u32 s0, s1;
	v5 =	vadd.f32 v11, v5  }
0x77: {  	v3 =	vadd.s32 v7, v3;
	v7 =	vsel vm2, $0x1, v0;
	vm1 =	veq.s32 v11, $0x0;
	[tilespmem:v8+s13+$0x0] =	vst.idx.add.s32.msk $0xffff, v1;
	s0 =	sor.u32 s2, s0  }
0x78: {  	v3 =	vadd.s32 v7, v3;
	v7 =	vsel vm1, $0x1, v0;
	v16 =	vld [tilespmem:s0+$0x0];
	v5 =	vadd.f32 v4, v5  }
0x79: {  	v20 =	vadd.s32 v2, v14;
	v8 =	vshrl.u32 v10, $0x14;
	v3 =	vadd.s32 v7, v3;
	v17 =	vld [tilespmem:s0+$0x10]  }
0x7a: {  	v7 =	vsel vm3, $0x1, v0;
	v19 =	vld [tilespmem:s0+$0x20];
	vm1 =	veq.s32 v9, $0x0;
	v5 =	vadd.f32 v9, v5  }
0x7b: {  	v10 =	vsel vm0, $0x1, v0;
	v3 =	vadd.s32 v7, v3;
	v4 =	vld [tilespmem:s0+$0x50];
	v7 =	vsel vm1, $0x1, v0  }
0x7c: {  	[tilespmem:v12+s13+$0x0] =	vst.idx.add.s32.msk $0xffff, v1;
	v11 =	vshrl.u32 v11, $0x14;
	v7 =	vadd.s32 v7, v3;
	v5 =	vadd.f32 v6, v5  }
0x7d: {  	v21 =	vadd.s32 v2, v8;
	v11 =	vadd.s32 v2, v11;
	v18 =	vadd.s32 v10, v7  }
0x7e: {  	[tilespmem:v13+s13+$0x0] =	vst.idx.add.s32.msk $0xffff, v1;
	v6 =	vshrl.u32 v9, $0x14;
	v7 =	vshrl.u32 v16, $0x14;
	v5 =	vadd.f32 v16, v5  }
0x7f: {  	v10 =	vld [tilespmem:s0+$0x30];
	v8 =	vshrl.u32 v17, $0x14;
	v12 =	vshrl.u32 v19, $0x14;
	vm3 =	veq.s32 v16, $0x0  }
0x80: {  	v3 =	vld [tilespmem:s0+$0x70];
	v22 =	vadd.s32 v2, v7;
	v7 =	vshrl.u32 v4, $0x14;
	v9 =	vadd.f32 v17, v5  }
0x81: {  	v6 =	vadd.s32 v2, v6;
	v14 =	vadd.s32 v2, v8;
	v8 =	vadd.s32 v2, v15;
	v5 =	vld [tilespmem:s0+$0x40]  }
0x82: {  	[tilespmem:v20+s13+$0x0] =	vst.idx.add.s32.msk $0xffff, v1;
	vm1 =	veq.s32 v4, $0x0;
	v15 =	vsel vm3, $0x1, v0;
	v9 =	vadd.f32 v19, v9  }
0x83: {  	[tilespmem:v21+s13+$0x0] =	vst.idx.add.s32.msk $0xffff, v1;
	vm3 =	veq.s32 v17, $0x0;
	v13 =	vadd.s32 v2, v7;
	v15 =	vadd.s32 v15, v18  }
0x84: {  	s14 =	simm.s32 $0x8;
	v16 =	vsel vm3, $0x1, v0;
	vm3 =	veq.s32 v19, $0x0;
	v17 =	vadd.f32 v10, v9;
	v9 =	vld [tilespmem:s0+$0x60]  }
0x85: {  	s15 =	simm.s32 $0x40;
	s16 =	simm.s32 $0x800;
	s17 =	simm.s32 $0x100;
	v7 =	vshrl.u32 v3, $0x14;
	vm0 =	veq.s32 v3, $0x0;
	vm2 =	veq.s32 v10, $0x0;
	[tilespmem:v22+s13+$0x0] =	vst.idx.add.s32.msk $0xffff, v1  }
.LBB2_9:
0x86: {  	s0 =	sand.u32 $0xF000, s17;
	s1 =	sand.u32 $0xC00, s16;
	s14 =	sadd.s32 $0x8, s14;
	[tilespmem:v14+s13+$0x0] =	vst.idx.add.s32.msk $0xffff, v1;
	v14 =	vadd.s32 v16, v15;
	v15 =	vsel vm3, $0x1, v0;
	v16 =	vadd.f32 v5, v17  }
0x87: {  	s2 =	sand.u32 $0x380, s15;
	s0 =	sor.u32 s1, s0;
	p1 =	slt.u32 s14, $0xFF8;
	v14 =	vadd.s32 v15, v14;
	v15 =	vsel vm2, $0x1, v0;
	vm2 =	veq.s32 v5, $0x0;
	[tilespmem:v11+s13+$0x0] =	vst.idx.add.s32.msk $0xffff, v1  }
0x88: {  	s0 =	sor.u32 s2, s0;
	v11 =	vadd.s32 v15, v14;
	v14 =	vsel vm2, $0x1, v0;
	[tilespmem:v13+s13+$0x0] =	vst.idx.add.s32.msk $0xffff, v1;
	v13 =	vadd.f32 v4, v16  }
0x89: {  	v15 =	vld [tilespmem:s0+$0x0];
	v11 =	vadd.s32 v14, v11;
	v14 =	vsel vm1, $0x1, v0;
	vm1 =	veq.s32 v9, $0x0  }
0x8a: {  	v4 =	vld [tilespmem:s0+$0x50];
	v11 =	vadd.s32 v14, v11;
	v14 =	vsel vm1, $0x1, v0;
	v13 =	vadd.f32 v9, v13  }
0x8b: {  	v10 =	vshrl.u32 v10, $0x14;
	v16 =	vld [tilespmem:s0+$0x10];
	v11 =	vadd.s32 v14, v11;
	v14 =	vsel vm0, $0x1, v0  }
0x8c: {  	v5 =	vshrl.u32 v5, $0x14;
	v18 =	vadd.s32 v14, v11;
	v11 =	vadd.f32 v3, v13;
	v3 =	vld [tilespmem:s0+$0x70]  }
0x8d: {  	v17 =	vadd.s32 v2, v12;
	v20 =	vadd.s32 v2, v10;
	v9 =	vshrl.u32 v9, $0x14;
	v19 =	vld [tilespmem:s0+$0x20]  }
0x8e: {  	v12 =	vshrl.u32 v15, $0x14;
	v13 =	vadd.f32 v15, v11;
	v10 =	vld [tilespmem:s0+$0x30];
	v11 =	vadd.s32 v2, v5  }
0x8f: {  	v21 =	vadd.s32 v2, v12;
	v5 =	vshrl.u32 v4, $0x14;
	[tilespmem:v6+s13+$0x0] =	vst.idx.add.s32.msk $0xffff, v1;
	v6 =	vadd.s32 v2, v9  }
0x90: {  	v9 =	vshrl.u32 v16, $0x14;
	v22 =	vadd.f32 v16, v13;
	v13 =	vadd.s32 v2, v5;
	[tilespmem:v8+s13+$0x0] =	vst.idx.add.s32.msk $0xffff, v1  }
.Ltmp4:
0x91: {  	v8 =	vadd.s32 v2, v7;
	v14 =	vadd.s32 v2, v9;
	v5 =	vld [tilespmem:s0+$0x40];
	v7 =	vshrl.u32 v3, $0x14;
	(pc) =	sbr.rel @p1 .LBB2_9-.Ltmp4, $4  }
0x92: {  	vm0 =	veq.s32 v3, $0x0;
	v12 =	vshrl.u32 v19, $0x14;
	v9 =	vadd.f32 v19, v22;
	[tilespmem:v17+s13+$0x0] =	vst.idx.add.s32.msk $0xffff, v1  }
0x93: {  	vm3 =	veq.s32 v15, $0x0;
	vm1 =	veq.s32 v4, $0x0;
	vm2 =	veq.s32 v10, $0x0;
	[tilespmem:v20+s13+$0x0] =	vst.idx.add.s32.msk $0xffff, v1  }
0x94: {  	v15 =	vsel vm3, $0x1, v0;
	vm3 =	veq.s32 v16, $0x0;
	v17 =	vadd.f32 v10, v9;
	v9 =	vld [tilespmem:s0+$0x60]  }
0x95: {  	s15 =	sadd.s32 $0x20, s15;
	s16 =	sadd.s32 $0x400, s16;
	s17 =	sadd.s32 $0x80, s17;
	v15 =	vadd.s32 v15, v18;
	v16 =	vsel vm3, $0x1, v0;
	vm3 =	veq.s32 v19, $0x0;
	[tilespmem:v21+s13+$0x0] =	vst.idx.add.s32.msk $0xffff, v1  }
0x96: {  	_ =	sdelay $0x3  }
0x97: {  	[tilespmem:v14+s13+$0x0] =	vst.idx.add.s32.msk $0xffff, v1;
	v10 =	vshrl.u32 v10, $0x14;
	v12 =	vadd.s32 v2, v12  }
0x98: {  	[tilespmem:v11+s13+$0x0] =	vst.idx.add.s32.msk $0xffff, v1;
	v58 =	vshrl.u32 v5, $0x14;
	v10 =	vadd.s32 v2, v10  }
0x99: {  	v59 =	vadd.f32 v5, v17;
	[tilespmem:v13+s13+$0x0] =	vst.idx.add.s32.msk $0xffff, v1;
	v11 =	vadd.s32 v2, v58;
	v60 =	vshrl.u32 v9, $0x14  }
0x9a: {  	[tilespmem:v6+s13+$0x0] =	vst.idx.add.s32.msk $0xffff, v1;
	v13 =	vadd.s32 v2, v60  }
0x9b: {  	[tilespmem:v8+s13+$0x0] =	vst.idx.add.s32.msk $0xffff, v1;
	v4 =	vadd.f32 v4, v59;
	v2 =	vadd.s32 v2, v7  }
0x9c: {  	[tilespmem:v12+s13+$0x0] =	vst.idx.add.s32.msk $0xffff, v1  }
0x9d: {  	v4 =	vadd.f32 v9, v4;
	[tilespmem:v10+s13+$0x0] =	vst.idx.add.s32.msk $0xffff, v1  }
0x9e: {  	[tilespmem:v11+s13+$0x0] =	vst.idx.add.s32.msk $0xffff, v1  }
0x9f: {  	v3 =	vadd.f32 v3, v4;
	[tilespmem:v13+s13+$0x0] =	vst.idx.add.s32.msk $0xffff, v1  }
0xa0: {  	[tilespmem:v2+s13+$0x0] =	vst.idx.add.s32.msk $0xffff, v1  }
0xa1: {  	s13 =	simm.s32 $0x0;
	[tilespmem:$0x19800] =	vst v3  }
0xa2: {  	v1 =	vld [tilespmem:s13+$0x10000]  }
0xa3: {  	v2 =	vld [tilespmem:s13+$0x10801]  }
0xa4: {  	v3 =	vld [tilespmem:s13+$0x11002]  }
0xa5: {  	v4 =	vld [tilespmem:s13+$0x11803]  }
0xa6: {  	v6 =	vld [tilespmem:s13+$0x12004]  }
0xa7: {  	v7 =	vld [tilespmem:s13+$0x12805]  }
0xa8: {  	v1 =	vadd.s32 v1, v2;
	v2 =	vld [tilespmem:s13+$0x13006]  }
0xa9: {  	v1 =	vadd.s32 v3, v1;
	v3 =	vld [tilespmem:s13+$0x13807]  }
0xaa: {  	v1 =	vadd.s32 v4, v1;
	v4 =	vld [tilespmem:s13+$0x14008]  }
0xab: {  	v8 =	vadd.s32 v16, v15;
	v61 =	vsel vm3, $0x1, v0;
	v1 =	vadd.s32 v6, v1;
	v6 =	vld [tilespmem:s13+$0x14809]  }
0xac: {  	v62 =	vsel vm2, $0x1, v0;
	vm14 =	veq.s32 v5, $0x0;
	v5 =	vld [tilespmem:s13+$0x1500A];
	v1 =	vadd.s32 v7, v1  }
0xad: {  	v8 =	vadd.s32 v61, v8;
	vm15 =	veq.s32 v9, $0x0;
	v63 =	vld [tilespmem:s13+$0x1580B];
	v1 =	vadd.s32 v2, v1  }
0xae: {  	v7 =	vadd.s32 v62, v8;
	v8 =	vsel vm14, $0x1, v0;
	v2 =	vadd.s32 v3, v1;
	v1 =	vld [tilespmem:s13+$0x1600C]  }
0xaf: {  	v7 =	vadd.s32 v8, v7;
	v3 =	vsel vm1, $0x1, v0;
	v4 =	vadd.s32 v4, v2;
	v2 =	vld [tilespmem:s13+$0x1680D]  }
0xb0: {  	v3 =	vadd.s32 v3, v7;
	v7 =	vsel vm15, $0x1, v0;
	v6 =	vadd.s32 v6, v4;
	v4 =	vld [tilespmem:s13+$0x1700E]  }
0xb1: {  	s0 =	simm.s32 $0x10;
	v0 =	vsel vm0, $0x1, v0;
	v3 =	vadd.s32 v7, v3;
	v6 =	vadd.s32 v5, v6;
	v5 =	vld [tilespmem:s13+$0x1780F]  }
0xb2: {  	s1 =	simm.s32 $0x80;
	v0 =	vadd.s32 v0, v3;
	v3 =	vld [tilespmem:s0+$0x10000];
	v6 =	vadd.s32 v63, v6  }
.LBB2_11:
0xb3: {  	p1 =	sne.s32 s1, $0x1FC0;
	v7 =	vld [tilespmem:s0+$0x10801];
	v1 =	vadd.s32 v1, v6  }
0xb4: {  	v6 =	vld [tilespmem:s0+$0x11002];
	v1 =	vadd.s32 v2, v1  }
0xb5: {  	v2 =	vld [tilespmem:s0+$0x11803];
	v1 =	vadd.s32 v4, v1  }
0xb6: {  	v4 =	vld [tilespmem:s0+$0x12004];
	v1 =	vadd.s32 v5, v1  }
0xb7: {  	v5 =	vld [tilespmem:s0+$0x12805];
	[tilespmem:s13+$0x18080] =	vst v1;
	s13 =	smov.u32 s0  }
0xb8: {  	v1 =	vadd.s32 v3, v7;
	v3 =	vld [tilespmem:s13+$0x13006]  }
0xb9: {  	v1 =	vadd.s32 v6, v1;
	v6 =	vld [tilespmem:s13+$0x13807]  }
0xba: {  	v1 =	vadd.s32 v2, v1;
	v2 =	vld [tilespmem:s13+$0x14008]  }
0xbb: {  	v1 =	vadd.s32 v4, v1;
	v4 =	vld [tilespmem:s13+$0x14809]  }
0xbc: {  	v1 =	vadd.s32 v5, v1;
	v5 =	vld [tilespmem:s13+$0x1500A]  }
0xbd: {  	v1 =	vadd.s32 v3, v1;
	v7 =	vld [tilespmem:s13+$0x1580B]  }
.Ltmp5:
0xbe: {  	v3 =	vadd.s32 v6, v1;
	v1 =	vld [tilespmem:s13+$0x1600C];
	(pc) =	sbr.rel @p1 .LBB2_11-.Ltmp5, $4  }
0xbf: {  	v3 =	vadd.s32 v2, v3;
	v2 =	vld [tilespmem:s13+$0x1680D]  }
0xc0: {  	v3 =	vadd.s32 v4, v3;
	v4 =	vld [tilespmem:s13+$0x1700E]  }
0xc1: {  	s0 =	sshra.s32 s1, $0x2;
	v6 =	vadd.s32 v5, v3;
	v5 =	vld [tilespmem:s13+$0x1780F]  }
0xc2: {  	s1 =	sadd.s32 $0x40, s1;
	v3 =	vld [tilespmem:s0+$0x10000];
	v6 =	vadd.s32 v7, v6  }
0xc3: {  	v7 =	vld [tilespmem:s0+$0x10801];
	v1 =	vadd.s32 v1, v6  }
0xc4: {  	v55 =	vld [tilespmem:s0+$0x11002];
	v1 =	vadd.s32 v2, v1  }
0xc5: {  	v2 =	vld [tilespmem:s0+$0x11803];
	v1 =	vadd.s32 v4, v1  }
0xc6: {  	v56 =	vld [tilespmem:s0+$0x12004];
	v1 =	vadd.s32 v5, v1  }
0xc7: {  	v57 =	vld [tilespmem:s0+$0x12805];
	[tilespmem:s13+$0x18080] =	vst v1  }
0xc8: {  	v1 =	vadd.s32 v3, v7;
	v3 =	vld [tilespmem:s0+$0x13006]  }
0xc9: {  	v58 =	vld [tilespmem:s0+$0x13807];
	v1 =	vadd.s32 v55, v1  }
0xca: {  	v1 =	vadd.s32 v2, v1;
	v2 =	vld [tilespmem:s0+$0x14008]  }
0xcb: {  	v59 =	vld [tilespmem:s0+$0x14809];
	v1 =	vadd.s32 v56, v1  }
0xcc: {  	v60 =	vld [tilespmem:s0+$0x1500A];
	v1 =	vadd.s32 v57, v1  }
0xcd: {  	v1 =	vadd.s32 v3, v1;
	v3 =	vld [tilespmem:s0+$0x1580B]  }
0xce: {  	v61 =	vld [tilespmem:s0+$0x1600C];
	v1 =	vadd.s32 v58, v1  }
0xcf: {  	v1 =	vadd.s32 v2, v1;
	v2 =	vld [tilespmem:s0+$0x1680D]  }
0xd0: {  	v62 =	vld [tilespmem:s0+$0x1700E];
	v1 =	vadd.s32 v59, v1  }
0xd1: {  	v63 =	vld [tilespmem:s0+$0x1780F];
	v1 =	vadd.s32 v60, v1  }
0xd2: {  	v1 =	vadd.s32 v3, v1  }
0xd3: {  	v1 =	vadd.s32 v61, v1  }
0xd4: {  	v1 =	vadd.s32 v2, v1  }
0xd5: {  	v1 =	vadd.s32 v62, v1  }
0xd6: {  	s29 =	simm.s32 $0x800;
	v1 =	vadd.s32 v63, v1  }
0xd7: {  	s1 =	simm.s32 $0x18880;
	s2 =	simm.s32 $0x18080;
	s30 =	simm.s32 $0x1;
	[tilespmem:s0+$0x18080] =	vst v1  }
0xd8: {  	[spmem:s10] =	stream.indirect.scatter.add.s32 [tilespmem:s2], [sflag:$0x1], $0x1, s1, s29, $0xb8;
	[tilespmem:$0x19988] =	vst v63  }
0xd9: {  	_ =	swait.ge [sflag:s30], $0x800  }
0xda: {  	(xrf0) =	vadd.scan.msk.s32 $0xffff, v0;
	_ =	sdelay $0x5  }
0xdb: {  	v0, _, _ =	vpop (xrf0)  }
0xdc: {  	[sflag:s30] =	ssyncset.done $0x0;
	v0 =	vbroadcast v0, $0xF  }
0xdd: {  	[sflag:s30] =	ssyncadd.s32 $0xFFFFF800  }
0xde: {  	s31 =	simm.s32 $0x19480;
	[tilespmem:$0x19480] =	vst v0  }
0xdf: {  	[spmem:s12] =	stream.linear.scatter [tilespmem:s31], [sflag:$0x1], $0x10, $0x38;
	[tilespmem:$0x19988] =	vst v63  }
0xe0: {  	_ =	swait.ge [sflag:s30], $0x10  }
0xe1: {  	[sflag:s30] =	ssyncset.done $0x0  }
0xe2: {  	s0 =	simm.s32 $0x0;
	s1 =	simm.s32 $0x200;
	v0 =	vimm.s32 $0x0;
	[sflag:s30] =	ssyncadd.s32 $0xFFFFFFF0  }
.LBB2_13:
0xe3: {  	p1 =	sne.s32 s1, $0x10000;
	[tilespmem:s0+$0x10070] =	vst v0  }
0xe4: {  	[tilespmem:s0+$0x10000] =	vst v0  }
0xe5: {  	[tilespmem:s0+$0x10010] =	vst v0  }
.Ltmp6:
0xe6: {  	[tilespmem:s0+$0x10020] =	vst v0;
	(pc) =	sbr.rel @p1 .LBB2_13-.Ltmp6, $4  }
0xe7: {  	[tilespmem:s0+$0x10030] =	vst v0  }
0xe8: {  	[tilespmem:s0+$0x10040] =	vst v0  }
0xe9: {  	[tilespmem:s0+$0x10050] =	vst v0  }
0xea: {  	[tilespmem:s0+$0x10060] =	vst v0;
	s0 =	sshra.s32 s1, $0x2;
	s1 =	sadd.s32 $0x200, s1  }
0xeb: {  	[tilespmem:s0+$0x10070] =	vst v0  }
0xec: {  	[tilespmem:s0+$0x10000] =	vst v0  }
0xed: {  	[tilespmem:s0+$0x10010] =	vst v0  }
0xee: {  	[tilespmem:s0+$0x10020] =	vst v0  }
0xef: {  	[tilespmem:s0+$0x10030] =	vst v0  }
.Ltmp7:
0xf0: {  	[tilespmem:s0+$0x10040] =	vst v0;
	(pc) =	sbr.rel @p0 .LBB2_18-.Ltmp7, $3  }
0xf1: {  	[tilespmem:s0+$0x10050] =	vst v0  }
0xf2: {  	[tilespmem:s0+$0x10060] =	vst v0  }
0xf3: {  	[bflag:$0x0] =	sbarrier.arrive $0xFFFF;
	_ =	sdelay $0x1  }
0xf4: {  	s0 =	simm.s32 $0x19600;
	s19 =	simm.s32 $0x1  }
0xf5: {  	[tilespmem:s0], [sflag:$0x1] =	stream.linear.gather [spmem:s11], $0x100, $0x38;
	[tilespmem:$0x19988] =	vst v63  }
0xf6: {  	_ =	swait.ge [sflag:s19], $0x100  }
0xf7: {  	[sflag:s19] =	ssyncset.done $0x0  }
0xf8: {  	[sflag:s19] =	ssyncadd.s32 $0xFFFFFF00  }
0xf9: {  	v0 =	vld [tilespmem:$0x19600]  }
0xfa: {  	v1 =	vld [tilespmem:$0x19610]  }
0xfb: {  	v2 =	vld [tilespmem:$0x19620]  }
0xfc: {  	v3 =	vld [tilespmem:$0x19630]  }
0xfd: {  	v4 =	vld [tilespmem:$0x19640]  }
0xfe: {  	v5 =	vld [tilespmem:$0x19650]  }
0xff: {  	v0 =	vadd.s32 v0, v1;
	v1 =	vld [tilespmem:$0x19660]  }
0x100: {  	v0 =	vadd.s32 v2, v0;
	v2 =	vld [tilespmem:$0x19670]  }
0x101: {  	v0 =	vadd.s32 v3, v0;
	v3 =	vld [tilespmem:$0x19680]  }
0x102: {  	v0 =	vadd.s32 v4, v0;
	v4 =	vld [tilespmem:$0x19690]  }
0x103: {  	v0 =	vadd.s32 v5, v0;
	v5 =	vld [tilespmem:$0x196A0]  }
0x104: {  	v0 =	vadd.s32 v1, v0;
	v1 =	vld [tilespmem:$0x196B0]  }
0x105: {  	v0 =	vadd.s32 v2, v0;
	v2 =	vld [tilespmem:$0x196C0]  }
0x106: {  	v0 =	vadd.s32 v3, v0;
	v3 =	vld [tilespmem:$0x196D0]  }
0x107: {  	v0 =	vadd.s32 v4, v0;
	v4 =	vld [tilespmem:$0x196E0]  }
0x108: {  	v0 =	vadd.s32 v5, v0;
	v5 =	vld [tilespmem:$0x196F0]  }
0x109: {  	v0 =	vadd.s32 v1, v0  }
0x10a: {  	v0 =	vadd.s32 v2, v0  }
0x10b: {  	v0 =	vadd.s32 v3, v0  }
0x10c: {  	v0 =	vadd.s32 v4, v0  }
0x10d: {  	v0 =	vadd.s32 v5, v0  }
0x10e: {  	v0 =	vxor.u32 $0x80000000, v0  }
0x10f: {  	(xrf0) =	vmax.scan.msk.u32 $0xffff, v0;
	_ =	sdelay $0x5  }
0x110: {  	v0, _, _ =	vpop (xrf0)  }
0x111: {  	(v2sf) =	vpush v0, $0xF;
	_ =	sdelay $0xc  }
0x112: {  	s2 =	simm.s32 $0x18080  }
0x113: {  	[tilespmem:s2], [sflag:$0x1] =	stream.linear.gather [spmem:s10], $0x800, $0x38;
	[tilespmem:$0x19988] =	vst v63  }
0x114: {  	s1 =	spop (v2sf)  }
0x115: {  	_ =	swait.ge [sflag:s19], $0x800  }
0x116: {  	[sflag:s19] =	ssyncset.done $0x0  }
0x117: {  	s20 =	simm.s32 $0x18870;
	[sflag:s19] =	ssyncadd.s32 $0xFFFFF800  }
0x118: {  	v2 =	vld [tilespmem:s20+$0x0]  }
0x119: {  	v0 =	vlaneseq.u32  }
0x11a: {  	v1 =	vmul.u32 $0xFFFFFFFF, v0;
	s21 =	sxor.u32 $0x80000000, s1  }
0x11b: {  	s10 =	ssub.s32 $0x100000, s21  }
0x11c: {  	v1 =	vadd.s32 $0xF, v1;
	s0 =	smul.u32 $0x7, s10  }
0x11d: {  	v3 =	vperm.xlane v2, v1  }
0x11e: {  	s22 =	smulhi.u32 $0x66666667, s0;
	s3 =	sshra.s32 s0, $0x1F  }
0x11f: {  	s23 =	smul.u32 $0x66666667, s3;
	(xrf0) =	vadd.scan.msk.s32 $0xffff, v3;
	_ =	sdelay $0x1  }
0x120: {  	s12 =	simm.s32 $0x18860;
	s2 =	sadd.s32 s23, s22  }
0x121: {  	v2 =	vld [tilespmem:s12+$0x0];
	s11 =	sshrl.u32 s2, $0x1F;
	s2 =	sshra.s32 s2, $0x2  }
0x122: {  	p1 =	sne.s32 s1, $0x80100000;
	s1 =	simm.s32 $0x1;
	s2 =	sadd.s32 s11, s2  }
0x123: {  	s1 =	simm.s32 @!p1 $0x0;
	s11 =	smul.u32 $0xFFFFFFF6, s2  }
0x124: {  	s0 =	ssub.s32 $0x0, s0;
	s1 =	sor.u32 s1, s3;
	v4, _, _ =	vpop (xrf0)  }
0x125: {  	p4 =	sne.s32 s1, $0x1;
	p2 =	sne.s32 s11, s0;
	v5 =	vxor.u32 $0x80000000, v4  }
0x126: {  	p1 =	por !p2, !p4;
	(xrf0) =	vmax.scan.msk.u32 $0xffff, v5;
	v5 =	vperm.xlane v2, v1  }
0x127: {  	s0 =	simm.s32 $0x1;
	p1 =	por !p1, !p1  }
0x128: {  	s0 =	simm.s32 @!p1 $0x0;
	(xrf0) =	vadd.scan.msk.s32 $0xffff, v5  }
0x129: {  	s0 =	ssub.s32 s2, s0  }
0x12a: {  	p1 =	sgt.s32 s0, $0x186A0  }
0x12b: {  	s0 =	simm.s32 @!p1 $0x186A0  }
0x12c: {  	s12 =	smov.u32 s10;
	p1 =	slt.s32 s0, s10  }
0x12d: {  	s11 =	simm.s32 $0x0;
	s12 =	smov.u32 @p1 s0;
	v2, _, _ =	vpop (xrf0)  }
0x12e: {  	v9 =	vadd.s32 s11, v4;
	(v2sf) =	vpush v2, $0xF;
	v2 =	vmov s12;
	v6, _, _ =	vpop (xrf0)  }
0x12f: {  	vm0 =	vge.s32 v9, v2;
	v8 =	vxor.u32 $0x80000000, v6  }
0x130: {  	s24 =	simm.s32 $0x18850;
	(xrf0) =	vmax.scan.msk.u32 $0xffff, v8;
	v8 =	vmctz.xlane vm0  }
0x131: {  	v7 =	vld [tilespmem:s24+$0x0]  }
0x132: {  	v61 =	vxor.u32 $0x80000000, v8  }
0x133: {  	vm0 =	vlt.s32 v8, $0xF;
	(xrf0) =	vmax.scan.msk.u32 $0xffff, v61  }
0x134: {  	v8 =	vnsel vm0, $0xF, v8  }
0x135: {  	v3 =	vsub.s32 v4, v3;
	vm0 =	veq.s32 v8, v0  }
0x136: {  	v7 =	vperm.xlane v7, v1;
	v3 =	vnsel vm0, $0x0, v3  }
0x137: {  	v4, _, _ =	vpop (xrf0)  }
0x138: {  	(xrf0) =	vadd.scan.msk.s32 $0xffff, v7;
	(v2sf) =	vpush v4, $0xF  }
0x139: {  	(xrf0) =	vadd.scan.msk.s32 $0xffff, v3;
	v3, _, _ =	vpop (xrf0)  }
0x13a: {  	(v2sf) =	vpush v3, $0xF;
	_ =	sdelay $0x3  }
0x13b: {  	s25 =	spop (v2sf)  }
0x13c: {  	s26 =	simm.s32 $0x18840;
	v8, _, _ =	vpop (xrf0);
	s0 =	sadd.s32 $0x0, s25  }
0x13d: {  	v4 =	vld [tilespmem:s26+$0x0];
	v3, _, _ =	vpop (xrf0);
	s15 =	sadd.s32 $0x80000000, s0  }
0x13e: {  	v62 =	vxor.u32 $0x80000000, v8;
	(v2sf) =	vpush v3, $0xF;
	v3 =	vadd.s32 s15, v6  }
0x13f: {  	(xrf0) =	vmax.scan.msk.u32 $0xffff, v62;
	vm0 =	vge.s32 v3, v2  }
0x140: {  	v3 =	vmctz.xlane vm0;
	_ =	sdelay $0x1  }
0x141: {  	v63 =	vperm.xlane v4, v1;
	v4 =	vxor.u32 $0x80000000, v3;
	vm0 =	vlt.s32 v3, $0xF  }
0x142: {  	(xrf0) =	vmax.scan.msk.u32 $0xffff, v4;
	v3 =	vnsel vm0, $0xF, v3  }
0x143: {  	v4 =	vsub.s32 v6, v5;
	(xrf0) =	vadd.scan.msk.s32 $0xffff, v63;
	vm0 =	veq.s32 v3, v0;
	s28 =	spop (v2sf)  }
0x144: {  	v5, _, _ =	vpop (xrf0);
	v3 =	vnsel vm0, $0x0, v4;
	s0 =	sadd.s32 s28, s15  }
0x145: {  	(xrf0) =	vadd.scan.msk.s32 $0xffff, v3;
	s21 =	sadd.s32 $0x80000000, s0;
	s29 =	spop (v2sf);
	(v2sf) =	vpush v5, $0xF  }
0x146: {  	v4 =	vadd.s32 s21, v8  }
0x147: {  	s20 =	simm.s32 $0x18830  }
0x148: {  	v3 =	vld [tilespmem:s20+$0x0];
	v6, _, _ =	vpop (xrf0)  }
0x149: {  	vm0 =	vge.s32 v4, v2;
	(v2sf) =	vpush v6, $0xF;
	v4, _, _ =	vpop (xrf0)  }
0x14a: {  	s18 =	simm.s32 $0x800007EF;
	v5 =	vxor.u32 $0x80000000, v4  }
0x14b: {  	s17 =	simm.s32 $0x800007DF;
	s16 =	simm.s32 $0x800007CF;
	s13 =	simm.s32 $0xFFFFFFFF;
	v10 =	vmctz.xlane vm0;
	(xrf0) =	vmax.scan.msk.u32 $0xffff, v5;
	v5 =	vsub.s32 v8, v7;
	v7, _, _ =	vpop (xrf0)  }
0x14c: {  	s14 =	simm.s32 $0x800007BF;
	s30 =	sxor.u32 $0x80000000, s29;
	s31 =	spop (v2sf);
	(v2sf) =	vpush v7, $0xF  }
0x14d: {  	p6 =	por $0x1, $0x1;
	s22 =	simm.s32 $0x800007AF;
	p5 =	slt.s32 s30, $0x10;
	v3 =	vperm.xlane v3, v1;
	v11 =	vxor.u32 $0x80000000, v10;
	vm0 =	vlt.s32 v10, $0xF  }
0x14e: {  	s19 =	smov.u32 s21;
	p1 =	por !p6, !p5;
	s1 =	sadd.s32 $0x0, s31;
	v8 =	vnsel vm0, $0xF, v10;
	(xrf0) =	vmax.scan.msk.u32 $0xffff, v11  }
0x14f: {  	s2 =	ssub.s32 $0x800007FF, s29;
	v6 =	vsub.s32 v4, v63;
	p1 =	por !p1, !p1;
	s1 =	ssub.s32 s12, s1;
	vm0 =	veq.s32 v8, v0;
	(xrf0) =	vadd.scan.msk.s32 $0xffff, v3  }
.LBB2_16:
0x150: {  	p2 =	sne.s32 s22, $0x8000000F;
	s13 =	smov.u32 @p1 s2;
	s11 =	smov.u32 @p1 s1  }
0x151: {  	v7, _, _ =	vpop (xrf0);
	v8 =	vnsel vm0, $0x0, v5;
	v5 =	vmov v6;
	s0 =	smov.u32 s18;
	s18 =	smov.u32 s17;
	s17 =	smov.u32 s16  }
0x152: {  	s16 =	smov.u32 s14;
	s14 =	smov.u32 s22;
	s22 =	sadd.s32 $0xFFFFFFF0, s22;
	(v2sf) =	vpush v7, $0xF;
	(xrf0) =	vadd.scan.msk.s32 $0xffff, v8  }
0x153: {  	_ = 	snop  }
0x154: {  	s1 =	spop (v2sf)  }
0x155: {  	s20 =	sadd.s32 $0xFFFFFFF0, s20;
	s1 =	sadd.s32 s1, s21;
	v6, _, _ =	vpop (xrf0)  }
0x156: {  	v7 =	vld [tilespmem:s20+$0x0];
	v8, _, _ =	vpop (xrf0);
	s21 =	sadd.s32 $0x80000000, s1;
	(v2sf) =	vpush v6, $0xF  }
0x157: {  	v6 =	vsub.s32 v8, v3;
	v10 =	vxor.u32 $0x80000000, v8;
	v9 =	vadd.s32 s21, v4;
	v4 =	vmovc v8  }
0x158: {  	(xrf0) =	vmax.scan.msk.u32 $0xffff, v10;
	vm0 =	vge.s32 v9, v2;
	v3, _, _ =	vpop (xrf0);
	s1 =	spop (v2sf)  }
.Ltmp8:
0x159: {  	v8 =	vmctz.xlane vm0;
	(v2sf) =	vpush v3, $0xF;
	s2 =	sxor.u32 $0x80000000, s1;
	(pc) =	sbr.rel @p2 .LBB2_16-.Ltmp8, $4  }
0x15a: {  	p3 =	slt.s32 s13, $0x0;
	p1 =	slt.s32 s2, $0x10  }
0x15b: {  	v3 =	vperm.xlane v7, v1;
	v7 =	vxor.u32 $0x80000000, v8;
	vm0 =	vlt.s32 v8, $0xF;
	p1 =	por !p3, !p1;
	s2 =	spop (v2sf)  }
0x15c: {  	v8 =	vnsel vm0, $0xF, v8;
	(xrf0) =	vmax.scan.msk.u32 $0xffff, v7;
	s3 =	sadd.s32 s2, s15;
	s15 =	smov.u32 s19;
	s19 =	smov.u32 s21  }
0x15d: {  	p1 =	por !p1, !p1;
	s2 =	ssub.s32 s0, s1;
	(xrf0) =	vadd.scan.msk.s32 $0xffff, v3;
	vm0 =	veq.s32 v8, v0;
	s1 =	ssub.s32 s12, s3  }
0x15e: {  	v1, _, _ =	vpop (xrf0)  }
0x15f: {  	(v2sf) =	vpush v1, $0xF;
	_ =	sdelay $0xa  }
0x160: {  	s0 =	spop (v2sf)  }
0x161: {  	s0 =	sadd.s32 s0, s21  }
0x162: {  	s20 =	sadd.s32 $0x80000000, s0;
	s3 =	spop (v2sf)  }
0x163: {  	v46 =	vadd.s32 s20, v4;
	s26 =	spop (v2sf)  }
0x164: {  	v47, _, _ =	vpop (xrf0);
	vm1 =	vge.s32 v46, v2;
	s28 =	spop (v2sf)  }
0x165: {  	v48 =	vnsel vm0, $0x0, v5;
	v49, _, _ =	vpop (xrf0);
	v7 =	vmctz.xlane vm1;
	s0 =	sadd.s32 s28, s20  }
0x166: {  	(xrf0) =	vadd.scan.msk.s32 $0xffff, v48;
	v50 =	vxor.u32 $0x80000000, v49;
	s0 =	sadd.s32 $0x80000000, s0  }
0x167: {  	(xrf0) =	vmax.scan.msk.u32 $0xffff, v50;
	v51 =	vxor.u32 $0x80000000, v7;
	vm12 =	vlt.s32 v7, $0xF;
	v8 =	vadd.s32 s0, v49  }
0x168: {  	v7 =	vnsel vm12, $0xF, v7;
	(xrf0) =	vmax.scan.msk.u32 $0xffff, v51;
	vm13 =	vge.s32 v8, v2  }
0x169: {  	vm14 =	veq.s32 v7, v0;
	v52 =	vmctz.xlane vm13  }
0x16a: {  	v53 =	vnsel vm14, $0x0, v6  }
0x16b: {  	(v2sf) =	vpush v47, $0xF;
	(xrf0) =	vadd.scan.msk.s32 $0xffff, v53;
	v54 =	vxor.u32 $0x80000000, v52;
	vm15 =	vlt.s32 v52, $0xF  }
0x16c: {  	v55, _, _ =	vpop (xrf0);
	v1 =	vnsel vm15, $0xF, v52;
	(xrf0) =	vmax.scan.msk.u32 $0xffff, v54  }
0x16d: {  	v3 =	vsub.s32 v49, v3;
	(v2sf) =	vpush v55, $0xF;
	v56, _, _ =	vpop (xrf0);
	vm0 =	veq.s32 v1, v0  }
0x16e: {  	(v2sf) =	vpush v56, $0xF;
	v57, _, _ =	vpop (xrf0);
	v1 =	vnsel vm0, $0x0, v3  }
0x16f: {  	(v2sf) =	vpush v57, $0xF;
	(xrf0) =	vadd.scan.msk.s32 $0xffff, v1;
	_ =	sdelay $0x1  }
0x170: {  	v58, _, _ =	vpop (xrf0)  }
0x171: {  	(v2sf) =	vpush v58, $0xF;
	v59, _, _ =	vpop (xrf0)  }
0x172: {  	(v2sf) =	vpush v59, $0xF;
	_ =	sdelay $0x1  }
0x173: {  	v60, _, _ =	vpop (xrf0)  }
0x174: {  	(v2sf) =	vpush v60, $0xF  }
0x175: {  	s13 =	smov.u32 @p1 s2;
	s29 =	sxor.u32 $0x80000000, s3  }
0x176: {  	p3 =	slt.s32 s13, $0x0;
	p2 =	slt.s32 s29, $0x10  }
0x177: {  	s11 =	smov.u32 @p1 s1;
	p4 =	por !p3, !p2  }
0x178: {  	s1 =	ssub.s32 s18, s3;
	p1 =	por !p4, !p4;
	s30 =	spop (v2sf)  }
0x179: {  	s31 =	sadd.s32 s26, s15;
	s13 =	smov.u32 @p1 s1;
	s15 =	sxor.u32 $0x80000000, s30  }
0x17a: {  	p6 =	slt.s32 s13, $0x0;
	p5 =	slt.s32 s15, $0x10;
	s18 =	spop (v2sf)  }
0x17b: {  	s1 =	ssub.s32 s12, s31;
	p2 =	por !p6, !p5;
	s21 =	spop (v2sf)  }
0x17c: {  	s2 =	ssub.s32 s17, s30;
	p2 =	por !p2, !p2;
	s22 =	spop (v2sf)  }
0x17d: {  	s11 =	smov.u32 @p1 s1;
	s13 =	smov.u32 @p2 s2;
	s23 =	sxor.u32 $0x80000000, s22  }
0x17e: {  	s24 =	sadd.s32 s18, s19;
	p4 =	slt.s32 s13, $0x0;
	p3 =	slt.s32 s23, $0x10  }
0x17f: {  	s1 =	ssub.s32 s12, s24;
	p1 =	por !p4, !p3;
	s25 =	spop (v2sf)  }
0x180: {  	s3 =	ssub.s32 s16, s22;
	p1 =	por !p1, !p1;
	s26 =	spop (v2sf)  }
0x181: {  	s11 =	smov.u32 @p2 s1;
	s13 =	smov.u32 @p1 s3;
	s28 =	sxor.u32 $0x80000000, s26  }
0x182: {  	s2 =	sadd.s32 s25, s20;
	p6 =	slt.s32 s13, $0x0;
	p5 =	slt.s32 s28, $0x10  }
0x183: {  	s1 =	ssub.s32 s12, s2;
	p2 =	por !p6, !p5;
	s29 =	spop (v2sf)  }
0x184: {  	s2 =	ssub.s32 s14, s26;
	s0 =	sadd.s32 s29, s0;
	p2 =	por !p2, !p2  }
0x185: {  	v63 =	vmov s10;
	s11 =	smov.u32 @p1 s1;
	s0 =	ssub.s32 s12, s0;
	s13 =	smov.u32 @p2 s2  }
0x186: {  	[tilespmem:$0x194A0] =	vst v63;
	s11 =	smov.u32 @p2 s0;
	v61 =	vmov s13  }
0x187: {  	[tilespmem:$0x19480] =	vst v61;
	v62 =	vmov s11  }
0x188: {  	s31 =	simm.s32 $0x1;
	s30 =	simm.s32 $0x19480;
	[tilespmem:$0x19490] =	vst v62  }
0x189: {  	[spmem:s9] =	stream.linear.scatter [tilespmem:s30], [sflag:$0x1], $0x80, $0x38;
	[tilespmem:$0x19988] =	vst v63  }
0x18a: {  	_ =	swait.ge [sflag:s31], $0x80  }
0x18b: {  	[sflag:s31] =	ssyncset.done $0x0  }
0x18c: {  	[sflag:s31] =	ssyncadd.s32 $0xFFFFFF80  }
.LBB2_18:
0x18d: {  	[bflag:$0x0] =	sbarrier.arrive $0xFFFF  }
0x18e: {  	s0 =	simm.s32 $0x19480;
	s30 =	simm.s32 $0x1;
	s1 =	simm.s32 $0x0  }
0x18f: {  	[tilespmem:s0], [sflag:$0x1] =	stream.linear.gather [spmem:s9], $0x80, $0x38;
	[tilespmem:$0x19988] =	vst v63  }
0x190: {  	s2 =	sand.u32 $0xF000, s1;
	s3 =	sand.u32 $0xC00, s1;
	_ =	swait.ge [sflag:s30], $0x80  }
0x191: {  	s1 =	sand.u32 $0x380, s1;
	s2 =	sor.u32 s3, s2;
	[sflag:s30] =	ssyncset.done $0x0  }
0x192: {  	s31 =	sor.u32 s1, s2;
	[sflag:s30] =	ssyncadd.s32 $0xFFFFFF80  }
0x193: {  	v0 =	vld [tilespmem:s31+$0x0]  }
0x194: {  	v3 =	vld [tilespmem:$0x19480]  }
0x195: {  	v1 =	vld [tilespmem:s31+$0x10]  }
0x196: {  	v2 =	vlaneseq.u32  }
0x197: {  	v5 =	vimm.f32 $0.0e+00;
	v4 =	vmul.u32 $0x401, v2;
	v16 =	vld [tilespmem:s31+$0x20]  }
0x198: {  	v2 =	vimm.s32 $0x1;
	v7 =	vshrl.u32 v0, $0x14;
	v6 =	vshrl.u32 v0, $0xA  }
0x199: {  	v18 =	vld [tilespmem:s31+$0x30];
	v6 =	vand.u32 $0x3FF, v6;
	vm0 =	veq.s32 v7, v3;
	vm1 =	vgt.s32 v7, v3  }
0x19a: {  	v7 =	vshrl.u32 v1, $0x14;
	v0 =	vnsel vm1, $0x0, v0;
	v8 =	vsel vm1, $0x3F800000, v5  }
0x19b: {  	v21 =	vld [tilespmem:s31+$0x40];
	vm1 =	vgt.s32 v7, v3;
	v0 =	vadd.f32 v0, v5;
	v9 =	vadd.f32 v8, v5  }
0x19c: {  	v10 =	vnsel vm1, $0x0, v1;
	v11 =	vsel vm1, $0x3F800000, v5;
	v8 =	vshrl.u32 v16, $0x14  }
0x19d: {  	v22 =	vld [tilespmem:s31+$0x50];
	vm1 =	vgt.s32 v8, v3;
	v0 =	vadd.f32 v10, v0;
	v10 =	vadd.f32 v11, v9  }
0x19e: {  	v11 =	vnsel vm1, $0x0, v16;
	v12 =	vsel vm1, $0x3F800000, v5;
	v9 =	vshrl.u32 v18, $0x14  }
0x19f: {  	v14 =	vld [tilespmem:s31+$0x60];
	vm1 =	vgt.s32 v9, v3;
	v0 =	vadd.f32 v11, v0;
	v11 =	vadd.f32 v12, v10  }
0x1a0: {  	v12 =	vnsel vm1, $0x0, v18;
	v13 =	vsel vm1, $0x3F800000, v5;
	v10 =	vshrl.u32 v21, $0x14  }
0x1a1: {  	v15 =	vld [tilespmem:s31+$0x70];
	vm1 =	vgt.s32 v10, v3;
	v0 =	vadd.f32 v12, v0;
	v12 =	vadd.f32 v13, v11  }
0x1a2: {  	v13 =	vnsel vm1, $0x0, v21;
	v17 =	vsel vm1, $0x3F800000, v5;
	v11 =	vshrl.u32 v22, $0x14  }
0x1a3: {  	vm1 =	vgt.s32 v11, v3;
	v0 =	vadd.f32 v13, v0;
	v13 =	vadd.f32 v17, v12  }
0x1a4: {  	v17 =	vnsel vm1, $0x0, v22;
	v19 =	vsel vm1, $0x3F800000, v5;
	v12 =	vshrl.u32 v14, $0x14  }
0x1a5: {  	vm1 =	vgt.s32 v12, v3;
	v0 =	vadd.f32 v17, v0;
	v17 =	vadd.f32 v19, v13  }
0x1a6: {  	v19 =	vnsel vm1, $0x0, v14;
	v20 =	vsel vm1, $0x3F800000, v5;
	v13 =	vshrl.u32 v15, $0x14  }
0x1a7: {  	vm1 =	vgt.s32 v13, v3;
	v0 =	vadd.f32 v19, v0;
	v20 =	vadd.f32 v20, v17  }
0x1a8: {  	v19 =	vshrl.u32 v1, $0xA;
	v1 =	vnsel vm1, $0x0, v15;
	v23 =	vsel vm1, $0x3F800000, v5  }
0x1a9: {  	s10 =	simm.s32 $0x10000;
	s11 =	simm.s32 $0x0;
	v17 =	vshrl.u32 v16, $0xA;
	v16 =	vshrl.u32 v22, $0xA;
	v1 =	vadd.f32 v1, v0  }
0x1aa: {  	s12 =	simm.s32 $0x20;
	s13 =	simm.s32 $0x400;
	s14 =	simm.s32 $0x80;
	v0 =	vadd.f32 v23, v20;
	v20 =	vshrl.u32 v18, $0xA;
	v18 =	vshrl.u32 v21, $0xA  }
.LBB2_19:
0x1ab: {  	s0 =	sand.u32 $0xF000, s14;
	s1 =	sand.u32 $0xC00, s13;
	s11 =	sadd.s32 $0x8, s11;
	v19 =	vand.u32 $0x3FF, v19;
	v14 =	vshrl.u32 v14, $0xA;
	v15 =	vshrl.u32 v15, $0xA  }
0x1ac: {  	s2 =	sand.u32 $0x380, s12;
	v17 =	vand.u32 $0x3FF, v17;
	v20 =	vand.u32 $0x3FF, v20;
	v18 =	vand.u32 $0x3FF, v18;
	s0 =	sor.u32 s1, s0;
	p1 =	slt.u32 s11, $0xFF8  }
0x1ad: {  	v16 =	vand.u32 $0x3FF, v16;
	v14 =	vand.u32 $0x3FF, v14;
	v15 =	vand.u32 $0x3FF, v15;
	s0 =	sor.u32 s2, s0  }
0x1ae: {  	v6 =	vadd.s32 v4, v6;
	vm7 =	veq.s32 v7, v3;
	v19 =	vadd.s32 v4, v19;
	v21 =	vld [tilespmem:s0+$0x0]  }
0x1af: {  	vm6 =	veq.s32 v8, v3;
	v17 =	vadd.s32 v4, v17;
	v20 =	vadd.s32 v4, v20  }
0x1b0: {  	vm5 =	veq.s32 v9, v3;
	vm4 =	veq.s32 v10, v3;
	v18 =	vadd.s32 v4, v18;
	v22 =	vld [tilespmem:s0+$0x10]  }
0x1b1: {  	vm3 =	veq.s32 v11, v3;
	v16 =	vadd.s32 v4, v16;
	v23 =	vadd.s32 v4, v14  }
0x1b2: {  	vm2 =	veq.s32 v12, v3;
	vm1 =	veq.s32 v13, v3;
	v25 =	vadd.s32 v4, v15;
	v24 =	vld [tilespmem:s0+$0x20]  }
0x1b3: {  	v7 =	vshrl.u32 v21, $0x14;
	v8 =	vshrl.u32 v21, $0xA;
	[tilespmem:v6+s10+$0x0] =	vst.idx.add.s32.msk vm0, v2  }
0x1b4: {  	v6 =	vand.u32 $0x3FF, v8;
	vm0 =	veq.s32 v7, v3;
	vm8 =	vgt.s32 v7, v3;
	v26 =	vld [tilespmem:s0+$0x30]  }
0x1b5: {  	v8 =	vnsel vm8, $0x0, v21;
	v9 =	vsel vm8, $0x3F800000, v5;
	v7 =	vshrl.u32 v22, $0x14;
	[tilespmem:v19+s10+$0x0] =	vst.idx.add.s32.msk vm7, v2  }
0x1b6: {  	v1 =	vadd.f32 v8, v1;
	v0 =	vadd.f32 v9, v0;
	vm7 =	vgt.s32 v7, v3;
	v21 =	vld [tilespmem:s0+$0x40]  }
0x1b7: {  	v9 =	vnsel vm7, $0x0, v22;
	v10 =	vsel vm7, $0x3F800000, v5;
	v8 =	vshrl.u32 v24, $0x14;
	[tilespmem:v17+s10+$0x0] =	vst.idx.add.s32.msk vm6, v2  }
0x1b8: {  	v1 =	vadd.f32 v9, v1;
	v0 =	vadd.f32 v10, v0;
	vm6 =	vgt.s32 v8, v3;
	v27 =	vld [tilespmem:s0+$0x50]  }
0x1b9: {  	v10 =	vnsel vm6, $0x0, v24;
	v11 =	vsel vm6, $0x3F800000, v5;
	v9 =	vshrl.u32 v26, $0x14;
	[tilespmem:v20+s10+$0x0] =	vst.idx.add.s32.msk vm5, v2  }
0x1ba: {  	v1 =	vadd.f32 v10, v1;
	v0 =	vadd.f32 v11, v0;
	vm5 =	vgt.s32 v9, v3;
	v14 =	vld [tilespmem:s0+$0x60]  }
0x1bb: {  	v11 =	vnsel vm5, $0x0, v26;
	v12 =	vsel vm5, $0x3F800000, v5;
	v10 =	vshrl.u32 v21, $0x14;
	[tilespmem:v18+s10+$0x0] =	vst.idx.add.s32.msk vm4, v2  }
0x1bc: {  	v1 =	vadd.f32 v11, v1;
	v0 =	vadd.f32 v12, v0;
	vm4 =	vgt.s32 v10, v3;
	v15 =	vld [tilespmem:s0+$0x70]  }
0x1bd: {  	v12 =	vnsel vm4, $0x0, v21;
	v13 =	vsel vm4, $0x3F800000, v5;
	v11 =	vshrl.u32 v27, $0x14;
	[tilespmem:v16+s10+$0x0] =	vst.idx.add.s32.msk vm3, v2  }
0x1be: {  	v1 =	vadd.f32 v12, v1;
	v0 =	vadd.f32 v13, v0;
	vm3 =	vgt.s32 v11, v3  }
0x1bf: {  	v13 =	vnsel vm3, $0x0, v27;
	v16 =	vsel vm3, $0x3F800000, v5;
	v12 =	vshrl.u32 v14, $0x14;
	[tilespmem:v23+s10+$0x0] =	vst.idx.add.s32.msk vm2, v2  }
0x1c0: {  	v1 =	vadd.f32 v13, v1;
	v0 =	vadd.f32 v16, v0;
	vm2 =	vgt.s32 v12, v3  }
.Ltmp9:
0x1c1: {  	v16 =	vnsel vm2, $0x0, v14;
	v17 =	vsel vm2, $0x3F800000, v5;
	v13 =	vshrl.u32 v15, $0x14;
	[tilespmem:v25+s10+$0x0] =	vst.idx.add.s32.msk vm1, v2;
	(pc) =	sbr.rel @p1 .LBB2_19-.Ltmp9, $4  }
0x1c2: {  	v1 =	vadd.f32 v16, v1;
	v0 =	vadd.f32 v17, v0;
	vm1 =	vgt.s32 v13, v3  }
0x1c3: {  	v19 =	vshrl.u32 v22, $0xA;
	v16 =	vnsel vm1, $0x0, v15;
	v18 =	vsel vm1, $0x3F800000, v5  }
0x1c4: {  	v17 =	vshrl.u32 v24, $0xA;
	v1 =	vadd.f32 v16, v1;
	v0 =	vadd.f32 v18, v0  }
0x1c5: {  	s12 =	sadd.s32 $0x20, s12;
	s13 =	sadd.s32 $0x400, s13;
	s14 =	sadd.s32 $0x80, s14;
	v20 =	vshrl.u32 v26, $0xA;
	v18 =	vshrl.u32 v21, $0xA;
	v16 =	vshrl.u32 v27, $0xA  }
0x1c6: {  	v5 =	vand.u32 $0x3FF, v19;
	v14 =	vshrl.u32 v14, $0xA  }
0x1c7: {  	v15 =	vshrl.u32 v15, $0xA;
	v6 =	vadd.s32 v4, v6;
	vm1 =	veq.s32 v7, v3  }
0x1c8: {  	v7 =	vand.u32 $0x3FF, v17;
	vm2 =	veq.s32 v8, v3;
	v5 =	vadd.s32 v4, v5  }
0x1c9: {  	v8 =	vand.u32 $0x3FF, v20;
	vm3 =	veq.s32 v9, v3;
	v7 =	vadd.s32 v4, v7  }
0x1ca: {  	v61 =	vand.u32 $0x3FF, v18;
	vm4 =	veq.s32 v10, v3;
	v8 =	vadd.s32 v4, v8  }
0x1cb: {  	v62 =	vand.u32 $0x3FF, v16;
	vm5 =	veq.s32 v11, v3;
	v9 =	vadd.s32 v4, v61  }
0x1cc: {  	vm6 =	veq.s32 v12, v3;
	v63 =	vand.u32 $0x3FF, v14;
	v10 =	vadd.s32 v4, v62;
	[tilespmem:v6+s10+$0x0] =	vst.idx.add.s32.msk vm0, v2  }
0x1cd: {  	vm15 =	veq.s32 v13, v3;
	v11 =	vadd.s32 v4, v63;
	v6 =	vand.u32 $0x3FF, v15;
	[tilespmem:v5+s10+$0x0] =	vst.idx.add.s32.msk vm1, v2  }
0x1ce: {  	v3 =	vadd.s32 v4, v6;
	[tilespmem:v7+s10+$0x0] =	vst.idx.add.s32.msk vm2, v2  }
0x1cf: {  	[tilespmem:v8+s10+$0x0] =	vst.idx.add.s32.msk vm3, v2  }
0x1d0: {  	[tilespmem:v9+s10+$0x0] =	vst.idx.add.s32.msk vm4, v2  }
0x1d1: {  	[tilespmem:v10+s10+$0x0] =	vst.idx.add.s32.msk vm5, v2  }
0x1d2: {  	[tilespmem:v11+s10+$0x0] =	vst.idx.add.s32.msk vm6, v2  }
0x1d3: {  	[tilespmem:v3+s10+$0x0] =	vst.idx.add.s32.msk vm15, v2;
	s10 =	simm.s32 $0x0  }
0x1d4: {  	v2 =	vld [tilespmem:s10+$0x10000]  }
0x1d5: {  	v3 =	vld [tilespmem:s10+$0x10401]  }
0x1d6: {  	v4 =	vld [tilespmem:s10+$0x10802]  }
0x1d7: {  	v5 =	vld [tilespmem:s10+$0x10C03]  }
0x1d8: {  	v6 =	vld [tilespmem:s10+$0x11004]  }
0x1d9: {  	v7 =	vld [tilespmem:s10+$0x11405]  }
0x1da: {  	v2 =	vadd.s32 v2, v3;
	v3 =	vld [tilespmem:s10+$0x11806]  }
0x1db: {  	v2 =	vadd.s32 v4, v2;
	v4 =	vld [tilespmem:s10+$0x11C07]  }
0x1dc: {  	v2 =	vadd.s32 v5, v2;
	v5 =	vld [tilespmem:s10+$0x12008]  }
0x1dd: {  	v2 =	vadd.s32 v6, v2;
	v6 =	vld [tilespmem:s10+$0x12409]  }
0x1de: {  	v2 =	vadd.s32 v7, v2;
	v7 =	vld [tilespmem:s10+$0x1280A]  }
0x1df: {  	v8 =	vld [tilespmem:s10+$0x12C0B];
	v2 =	vadd.s32 v3, v2  }
0x1e0: {  	v3 =	vld [tilespmem:s10+$0x1300C];
	v2 =	vadd.s32 v4, v2  }
0x1e1: {  	v4 =	vld [tilespmem:s10+$0x1340D];
	v2 =	vadd.s32 v5, v2  }
0x1e2: {  	v5 =	vld [tilespmem:s10+$0x1380E];
	v2 =	vadd.s32 v6, v2  }
0x1e3: {  	s0 =	simm.s32 $0x10;
	v6 =	vld [tilespmem:s10+$0x13C0F];
	v7 =	vadd.s32 v7, v2  }
0x1e4: {  	s1 =	simm.s32 $0x80;
	v2 =	vld [tilespmem:s0+$0x10000];
	v7 =	vadd.s32 v8, v7  }
.LBB2_21:
0x1e5: {  	p1 =	sne.s32 s1, $0xFC0;
	v8 =	vld [tilespmem:s0+$0x10401];
	v3 =	vadd.s32 v3, v7  }
0x1e6: {  	v7 =	vld [tilespmem:s0+$0x10802];
	v3 =	vadd.s32 v4, v3  }
0x1e7: {  	v4 =	vld [tilespmem:s0+$0x10C03];
	v3 =	vadd.s32 v5, v3  }
0x1e8: {  	v5 =	vld [tilespmem:s0+$0x11004];
	v3 =	vadd.s32 v6, v3  }
0x1e9: {  	v6 =	vld [tilespmem:s0+$0x11405];
	[tilespmem:s10+$0x18080] =	vst v3;
	s10 =	smov.u32 s0  }
0x1ea: {  	v2 =	vadd.s32 v2, v8;
	v3 =	vld [tilespmem:s10+$0x11806]  }
0x1eb: {  	v2 =	vadd.s32 v7, v2;
	v7 =	vld [tilespmem:s10+$0x11C07]  }
0x1ec: {  	v2 =	vadd.s32 v4, v2;
	v4 =	vld [tilespmem:s10+$0x12008]  }
0x1ed: {  	v2 =	vadd.s32 v5, v2;
	v5 =	vld [tilespmem:s10+$0x12409]  }
0x1ee: {  	v2 =	vadd.s32 v6, v2;
	v6 =	vld [tilespmem:s10+$0x1280A]  }
0x1ef: {  	v2 =	vadd.s32 v3, v2;
	v8 =	vld [tilespmem:s10+$0x12C0B]  }
.Ltmp10:
0x1f0: {  	v2 =	vadd.s32 v7, v2;
	v3 =	vld [tilespmem:s10+$0x1300C];
	(pc) =	sbr.rel @p1 .LBB2_21-.Ltmp10, $4  }
0x1f1: {  	v2 =	vadd.s32 v4, v2;
	v4 =	vld [tilespmem:s10+$0x1340D]  }
0x1f2: {  	v2 =	vadd.s32 v5, v2;
	v5 =	vld [tilespmem:s10+$0x1380E]  }
0x1f3: {  	s0 =	sshra.s32 s1, $0x2;
	v7 =	vadd.s32 v6, v2;
	v6 =	vld [tilespmem:s10+$0x13C0F]  }
0x1f4: {  	s1 =	sadd.s32 $0x40, s1;
	v2 =	vld [tilespmem:s0+$0x10000];
	v7 =	vadd.s32 v8, v7  }
0x1f5: {  	v8 =	vld [tilespmem:s0+$0x10401];
	v3 =	vadd.s32 v3, v7  }
0x1f6: {  	v52 =	vld [tilespmem:s0+$0x10802];
	v3 =	vadd.s32 v4, v3  }
0x1f7: {  	v53 =	vld [tilespmem:s0+$0x10C03];
	v3 =	vadd.s32 v5, v3  }
0x1f8: {  	v54 =	vld [tilespmem:s0+$0x11004];
	v3 =	vadd.s32 v6, v3  }
0x1f9: {  	v55 =	vld [tilespmem:s0+$0x11405];
	[tilespmem:s10+$0x18080] =	vst v3  }
0x1fa: {  	v2 =	vadd.s32 v2, v8;
	v3 =	vld [tilespmem:s0+$0x11806]  }
0x1fb: {  	v56 =	vld [tilespmem:s0+$0x11C07];
	v2 =	vadd.s32 v52, v2  }
0x1fc: {  	v57 =	vld [tilespmem:s0+$0x12008];
	v2 =	vadd.s32 v53, v2  }
0x1fd: {  	v58 =	vld [tilespmem:s0+$0x12409];
	v2 =	vadd.s32 v54, v2  }
0x1fe: {  	v59 =	vld [tilespmem:s0+$0x1280A];
	v2 =	vadd.s32 v55, v2  }
0x1ff: {  	v2 =	vadd.s32 v3, v2;
	v3 =	vld [tilespmem:s0+$0x12C0B]  }
0x200: {  	v60 =	vld [tilespmem:s0+$0x1300C];
	v2 =	vadd.s32 v56, v2  }
0x201: {  	v61 =	vld [tilespmem:s0+$0x1340D];
	v2 =	vadd.s32 v57, v2  }
0x202: {  	v62 =	vld [tilespmem:s0+$0x1380E];
	v2 =	vadd.s32 v58, v2  }
0x203: {  	v63 =	vld [tilespmem:s0+$0x13C0F];
	v2 =	vadd.s32 v59, v2  }
0x204: {  	v2 =	vadd.s32 v3, v2  }
0x205: {  	v2 =	vadd.s32 v60, v2  }
0x206: {  	v2 =	vadd.s32 v61, v2  }
0x207: {  	v2 =	vadd.s32 v62, v2  }
0x208: {  	s30 =	simm.s32 $0x400;
	v2 =	vadd.s32 v63, v2  }
0x209: {  	s1 =	simm.s32 $0x19080;
	s2 =	simm.s32 $0x18080;
	s31 =	simm.s32 $0x1;
	[tilespmem:s0+$0x18080] =	vst v2  }
0x20a: {  	[spmem:s5] =	stream.indirect.scatter.add.s32 [tilespmem:s2], [sflag:$0x1], $0x1, s1, s30, $0xb8;
	[tilespmem:$0x19988] =	vst v63  }
0x20b: {  	_ =	swait.ge [sflag:s31], $0x400  }
0x20c: {  	[sflag:s31] =	ssyncset.done $0x0  }
0x20d: {  	v2 =	vimm.s32 $0x0;
	s0 =	simm.s32 $0x0;
	s1 =	simm.s32 $0x200;
	[sflag:s31] =	ssyncadd.s32 $0xFFFFFC00  }
.LBB2_23:
0x20e: {  	p1 =	sne.s32 s1, $0x10000;
	[tilespmem:s0+$0x10070] =	vst v2  }
0x20f: {  	[tilespmem:s0+$0x10000] =	vst v2  }
0x210: {  	[tilespmem:s0+$0x10010] =	vst v2  }
.Ltmp11:
0x211: {  	[tilespmem:s0+$0x10020] =	vst v2;
	(pc) =	sbr.rel @p1 .LBB2_23-.Ltmp11, $4  }
0x212: {  	[tilespmem:s0+$0x10030] =	vst v2  }
0x213: {  	[tilespmem:s0+$0x10040] =	vst v2  }
0x214: {  	[tilespmem:s0+$0x10050] =	vst v2  }
0x215: {  	[tilespmem:s0+$0x10060] =	vst v2;
	s0 =	sshra.s32 s1, $0x2;
	s1 =	sadd.s32 $0x200, s1  }
0x216: {  	[tilespmem:s0+$0x10070] =	vst v2  }
0x217: {  	[tilespmem:s0+$0x10000] =	vst v2  }
0x218: {  	[tilespmem:s0+$0x10010] =	vst v2  }
0x219: {  	[tilespmem:s0+$0x10020] =	vst v2  }
0x21a: {  	[tilespmem:s0+$0x10030] =	vst v2  }
.Ltmp12:
0x21b: {  	[tilespmem:s0+$0x10040] =	vst v2;
	(pc) =	sbr.rel @p0 .LBB2_28-.Ltmp12, $3  }
0x21c: {  	[tilespmem:s0+$0x10050] =	vst v2  }
0x21d: {  	[tilespmem:s0+$0x10060] =	vst v2  }
0x21e: {  	[bflag:$0x0] =	sbarrier.arrive $0xFFFF;
	_ =	sdelay $0x1  }
0x21f: {  	s0 =	simm.s32 $0x18080;
	s21 =	simm.s32 $0x1  }
0x220: {  	[tilespmem:s0], [sflag:$0x1] =	stream.linear.gather [spmem:s5], $0x400, $0x38;
	[tilespmem:$0x19988] =	vst v63  }
0x221: {  	_ =	swait.ge [sflag:s21], $0x400  }
0x222: {  	[sflag:s21] =	ssyncset.done $0x0  }
0x223: {  	[sflag:s21] =	ssyncadd.s32 $0xFFFFFC00  }
0x224: {  	v2 =	vld [tilespmem:$0x19490];
	_ =	sdelay $0x4  }
0x225: {  	v2 =	vxor.u32 $0x80000000, v2  }
0x226: {  	s22 =	simm.s32 $0x18470;
	(xrf0) =	vmax.scan.msk.u32 $0xffff, v2  }
0x227: {  	v3 =	vld [tilespmem:s22+$0x0]  }
0x228: {  	v2 =	vlaneseq.u32  }
0x229: {  	v4 =	vmul.u32 $0xFFFFFFFF, v2;
	_ =	sdelay $0x1  }
0x22a: {  	v4 =	vadd.s32 $0xF, v4  }
0x22b: {  	v5 =	vperm.xlane v3, v4;
	v3, _, _ =	vpop (xrf0)  }
0x22c: {  	(v2sf) =	vpush v3, $0xF  }
0x22d: {  	(xrf0) =	vadd.scan.msk.s32 $0xffff, v5;
	_ =	sdelay $0x1  }
0x22e: {  	s23 =	simm.s32 $0x18460  }
0x22f: {  	v3 =	vld [tilespmem:s23+$0x0];
	_ =	sdelay $0x2  }
0x230: {  	v6, _, _ =	vpop (xrf0)  }
0x231: {  	v7 =	vxor.u32 $0x80000000, v6  }
0x232: {  	(xrf0) =	vmax.scan.msk.u32 $0xffff, v7;
	v7 =	vperm.xlane v3, v4;
	_ =	sdelay $0x1  }
0x233: {  	(xrf0) =	vadd.scan.msk.s32 $0xffff, v7;
	_ =	sdelay $0x3  }
0x234: {  	s24 =	spop (v2sf)  }
0x235: {  	s10 =	simm.s32 $0x0;
	v3, _, _ =	vpop (xrf0);
	s11 =	sxor.u32 $0x80000000, s24  }
0x236: {  	v11 =	vadd.s32 s10, v6;
	(v2sf) =	vpush v3, $0xF;
	v8, _, _ =	vpop (xrf0);
	v3 =	vmov s11  }
0x237: {  	v10 =	vxor.u32 $0x80000000, v8;
	vm0 =	vge.s32 v11, v3  }
0x238: {  	s25 =	simm.s32 $0x18450;
	(xrf0) =	vmax.scan.msk.u32 $0xffff, v10;
	v10 =	vmctz.xlane vm0  }
0x239: {  	v9 =	vld [tilespmem:s25+$0x0]  }
0x23a: {  	v11 =	vxor.u32 $0x80000000, v10  }
0x23b: {  	vm0 =	vlt.s32 v10, $0xF;
	(xrf0) =	vmax.scan.msk.u32 $0xffff, v11  }
0x23c: {  	v10 =	vnsel vm0, $0xF, v10  }
0x23d: {  	v5 =	vsub.s32 v6, v5;
	vm0 =	veq.s32 v10, v2  }
0x23e: {  	v9 =	vperm.xlane v9, v4;
	v5 =	vnsel vm0, $0x0, v5  }
0x23f: {  	v6, _, _ =	vpop (xrf0)  }
0x240: {  	(xrf0) =	vadd.scan.msk.s32 $0xffff, v9;
	(v2sf) =	vpush v6, $0xF  }
0x241: {  	(xrf0) =	vadd.scan.msk.s32 $0xffff, v5;
	v5, _, _ =	vpop (xrf0)  }
0x242: {  	(v2sf) =	vpush v5, $0xF;
	_ =	sdelay $0x2  }
0x243: {  	s26 =	spop (v2sf)  }
0x244: {  	s1 =	simm.s32 $0x18440;
	v10, _, _ =	vpop (xrf0);
	s0 =	sadd.s32 $0x0, s26  }
0x245: {  	v6 =	vld [tilespmem:s1+$0x0];
	v5, _, _ =	vpop (xrf0);
	s14 =	sadd.s32 $0x80000000, s0  }
0x246: {  	(v2sf) =	vpush v5, $0xF;
	v5 =	vadd.s32 s14, v8  }
0x247: {  	v11 =	vxor.u32 $0x80000000, v10;
	vm0 =	vge.s32 v5, v3  }
0x248: {  	(xrf0) =	vmax.scan.msk.u32 $0xffff, v11;
	v5 =	vmctz.xlane vm0;
	_ =	sdelay $0x1  }
0x249: {  	v11 =	vperm.xlane v6, v4;
	v6 =	vxor.u32 $0x80000000, v5  }
0x24a: {  	vm0 =	vlt.s32 v5, $0xF;
	(xrf0) =	vmax.scan.msk.u32 $0xffff, v6;
	v6 =	vsub.s32 v8, v7  }
0x24b: {  	v5 =	vnsel vm0, $0xF, v5  }
0x24c: {  	(xrf0) =	vadd.scan.msk.s32 $0xffff, v11;
	vm0 =	veq.s32 v5, v2;
	s28 =	spop (v2sf)  }
0x24d: {  	v5 =	vnsel vm0, $0x0, v6;
	s0 =	sadd.s32 s28, s14;
	v6, _, _ =	vpop (xrf0)  }
0x24e: {  	(xrf0) =	vadd.scan.msk.s32 $0xffff, v5;
	s20 =	sadd.s32 $0x80000000, s0;
	s29 =	spop (v2sf);
	(v2sf) =	vpush v6, $0xF  }
0x24f: {  	v7 =	vadd.s32 s20, v10  }
0x250: {  	s19 =	simm.s32 $0x18430  }
0x251: {  	v5 =	vld [tilespmem:s19+$0x0];
	v12, _, _ =	vpop (xrf0)  }
0x252: {  	vm0 =	vge.s32 v7, v3;
	v7, _, _ =	vpop (xrf0);
	(v2sf) =	vpush v12, $0xF  }
0x253: {  	s17 =	simm.s32 $0x800003EF;
	v6 =	vxor.u32 $0x80000000, v7  }
0x254: {  	s16 =	simm.s32 $0x800003DF;
	s15 =	simm.s32 $0x800003CF;
	s12 =	simm.s32 $0xFFFFFFFF;
	v8 =	vsub.s32 v10, v9;
	v13 =	vmctz.xlane vm0;
	v10, _, _ =	vpop (xrf0);
	(xrf0) =	vmax.scan.msk.u32 $0xffff, v6  }
0x255: {  	s13 =	simm.s32 $0x800003BF;
	s30 =	sxor.u32 $0x80000000, s29;
	s31 =	spop (v2sf);
	(v2sf) =	vpush v10, $0xF  }
0x256: {  	p2 =	por $0x1, $0x1;
	s21 =	simm.s32 $0x800003AF;
	p1 =	slt.s32 s30, $0x10;
	vm0 =	vlt.s32 v13, $0xF;
	v6 =	vperm.xlane v5, v4;
	v5 =	vxor.u32 $0x80000000, v13  }
0x257: {  	s18 =	smov.u32 s20;
	p1 =	por !p2, !p1;
	v63 =	vnsel vm0, $0xF, v13;
	(xrf0) =	vmax.scan.msk.u32 $0xffff, v5;
	s2 =	sadd.s32 $0x0, s31  }
0x258: {  	s1 =	ssub.s32 $0x800003FF, s29;
	v9 =	vsub.s32 v7, v11;
	v5 =	vld [tilespmem:$0x19480];
	vm0 =	veq.s32 v63, v2;
	p1 =	por !p1, !p1;
	(xrf0) =	vadd.scan.msk.s32 $0xffff, v6;
	s0 =	ssub.s32 s11, s2  }
.LBB2_26:
0x259: {  	p2 =	sne.s32 s21, $0x8000000F;
	s12 =	smov.u32 @p1 s1;
	s10 =	smov.u32 @p1 s0  }
0x25a: {  	v10, _, _ =	vpop (xrf0);
	v11 =	vnsel vm0, $0x0, v8;
	v8 =	vmov v9;
	s0 =	smov.u32 s17;
	s17 =	smov.u32 s16;
	s16 =	smov.u32 s15  }
0x25b: {  	s15 =	smov.u32 s13;
	s13 =	smov.u32 s21;
	s21 =	sadd.s32 $0xFFFFFFF0, s21;
	(v2sf) =	vpush v10, $0xF;
	(xrf0) =	vadd.scan.msk.s32 $0xffff, v11  }
0x25c: {  	_ = 	snop  }
0x25d: {  	s1 =	spop (v2sf)  }
0x25e: {  	s19 =	sadd.s32 $0xFFFFFFF0, s19;
	s1 =	sadd.s32 s1, s20;
	v9, _, _ =	vpop (xrf0)  }
0x25f: {  	v10 =	vld [tilespmem:s19+$0x0];
	v11, _, _ =	vpop (xrf0);
	s20 =	sadd.s32 $0x80000000, s1;
	(v2sf) =	vpush v9, $0xF  }
0x260: {  	v9 =	vsub.s32 v11, v6;
	v13 =	vxor.u32 $0x80000000, v11;
	v12 =	vadd.s32 s20, v7;
	v7 =	vmovc v11  }
0x261: {  	(xrf0) =	vmax.scan.msk.u32 $0xffff, v13;
	vm0 =	vge.s32 v12, v3;
	v6, _, _ =	vpop (xrf0);
	s1 =	spop (v2sf)  }
.Ltmp13:
0x262: {  	v11 =	vmctz.xlane vm0;
	(v2sf) =	vpush v6, $0xF;
	s2 =	sxor.u32 $0x80000000, s1;
	(pc) =	sbr.rel @p2 .LBB2_26-.Ltmp13, $4  }
0x263: {  	p3 =	slt.s32 s12, $0x0;
	p1 =	slt.s32 s2, $0x10  }
0x264: {  	v6 =	vperm.xlane v10, v4;
	v10 =	vxor.u32 $0x80000000, v11;
	vm0 =	vlt.s32 v11, $0xF;
	p1 =	por !p3, !p1;
	s2 =	spop (v2sf)  }
0x265: {  	v11 =	vnsel vm0, $0xF, v11;
	(xrf0) =	vmax.scan.msk.u32 $0xffff, v10;
	s2 =	sadd.s32 s2, s14;
	s14 =	smov.u32 s18;
	s18 =	smov.u32 s20  }
0x266: {  	s1 =	ssub.s32 s0, s1;
	p1 =	por !p1, !p1;
	(xrf0) =	vadd.scan.msk.s32 $0xffff, v6;
	vm0 =	veq.s32 v11, v2;
	s0 =	ssub.s32 s11, s2  }
0x267: {  	v4, _, _ =	vpop (xrf0)  }
0x268: {  	(v2sf) =	vpush v4, $0xF;
	_ =	sdelay $0x9  }
0x269: {  	s2 =	spop (v2sf)  }
0x26a: {  	s2 =	sadd.s32 s2, s20  }
0x26b: {  	s19 =	sadd.s32 $0x80000000, s2  }
0x26c: {  	v53 =	vadd.s32 s19, v7;
	s23 =	spop (v2sf)  }
0x26d: {  	v54, _, _ =	vpop (xrf0);
	vm1 =	vge.s32 v53, v3;
	s3 =	spop (v2sf)  }
0x26e: {  	v55 =	vnsel vm0, $0x0, v8;
	v56, _, _ =	vpop (xrf0);
	v10 =	vmctz.xlane vm1;
	s24 =	spop (v2sf)  }
0x26f: {  	(xrf0) =	vadd.scan.msk.s32 $0xffff, v55;
	v57 =	vxor.u32 $0x80000000, v56;
	s20 =	sadd.s32 s24, s19  }
0x270: {  	(xrf0) =	vmax.scan.msk.u32 $0xffff, v57;
	v58 =	vxor.u32 $0x80000000, v10;
	s20 =	sadd.s32 $0x80000000, s20  }
0x271: {  	vm12 =	vlt.s32 v10, $0xF;
	(xrf0) =	vmax.scan.msk.u32 $0xffff, v58;
	v11 =	vadd.s32 s20, v56  }
0x272: {  	v10 =	vnsel vm12, $0xF, v10;
	vm13 =	vge.s32 v11, v3  }
0x273: {  	vm14 =	veq.s32 v10, v2;
	v3 =	vmctz.xlane vm13  }
0x274: {  	v59 =	vnsel vm14, $0x0, v9  }
0x275: {  	(v2sf) =	vpush v54, $0xF;
	v61, _, _ =	vpop (xrf0);
	(xrf0) =	vadd.scan.msk.s32 $0xffff, v59;
	v60 =	vxor.u32 $0x80000000, v3;
	vm15 =	vlt.s32 v3, $0xF  }
0x276: {  	(v2sf) =	vpush v61, $0xF;
	v63, _, _ =	vpop (xrf0);
	v3 =	vnsel vm15, $0xF, v3;
	(xrf0) =	vmax.scan.msk.u32 $0xffff, v60  }
0x277: {  	v62 =	vsub.s32 v56, v6;
	(v2sf) =	vpush v63, $0xF;
	vm0 =	veq.s32 v3, v2;
	v2, _, _ =	vpop (xrf0)  }
0x278: {  	v3 =	vnsel vm0, $0x0, v62;
	(v2sf) =	vpush v2, $0xF;
	v2 =	vxor.u32 $0x80000000, v5  }
0x279: {  	(xrf0) =	vadd.scan.msk.s32 $0xffff, v3  }
0x27a: {  	(xrf0) =	vmax.scan.msk.u32 $0xffff, v2  }
0x27b: {  	v2, _, _ =	vpop (xrf0)  }
0x27c: {  	(v2sf) =	vpush v2, $0xF;
	v2, _, _ =	vpop (xrf0)  }
0x27d: {  	(v2sf) =	vpush v2, $0xF;
	_ =	sdelay $0x1  }
0x27e: {  	v2, _, _ =	vpop (xrf0)  }
0x27f: {  	(v2sf) =	vpush v2, $0xF;
	v2, _, _ =	vpop (xrf0)  }
0x280: {  	s12 =	smov.u32 @p1 s1;
	s25 =	sxor.u32 $0x80000000, s23;
	(v2sf) =	vpush v2, $0xF  }
0x281: {  	p3 =	slt.s32 s12, $0x0;
	p2 =	slt.s32 s25, $0x10  }
0x282: {  	s10 =	smov.u32 @p1 s0;
	p4 =	por !p3, !p2  }
0x283: {  	s0 =	ssub.s32 s17, s23;
	p1 =	por !p4, !p4;
	s26 =	spop (v2sf)  }
0x284: {  	s28 =	sadd.s32 s3, s14;
	s12 =	smov.u32 @p1 s0;
	s29 =	sxor.u32 $0x80000000, s26  }
0x285: {  	p6 =	slt.s32 s12, $0x0;
	p5 =	slt.s32 s29, $0x10;
	s30 =	spop (v2sf)  }
0x286: {  	s2 =	ssub.s32 s11, s28;
	p2 =	por !p6, !p5;
	s31 =	spop (v2sf)  }
0x287: {  	s0 =	ssub.s32 s16, s26;
	p2 =	por !p2, !p2;
	s14 =	spop (v2sf)  }
0x288: {  	s10 =	smov.u32 @p1 s2;
	s12 =	smov.u32 @p2 s0;
	s16 =	sxor.u32 $0x80000000, s14  }
0x289: {  	s17 =	sadd.s32 s30, s18;
	p4 =	slt.s32 s12, $0x0;
	p3 =	slt.s32 s16, $0x10  }
0x28a: {  	s0 =	ssub.s32 s11, s17;
	p1 =	por !p4, !p3;
	s18 =	spop (v2sf)  }
0x28b: {  	s1 =	ssub.s32 s15, s14;
	p1 =	por !p1, !p1;
	s21 =	spop (v2sf)  }
0x28c: {  	s10 =	smov.u32 @p2 s0;
	s12 =	smov.u32 @p1 s1;
	s22 =	sxor.u32 $0x80000000, s21  }
0x28d: {  	s23 =	sadd.s32 s18, s19;
	p6 =	slt.s32 s12, $0x0;
	p5 =	slt.s32 s22, $0x10  }
0x28e: {  	s0 =	ssub.s32 s11, s23;
	p2 =	por !p6, !p5;
	s24 =	spop (v2sf)  }
0x28f: {  	s2 =	ssub.s32 s13, s21;
	p2 =	por !p2, !p2;
	s25 =	spop (v2sf)  }
0x290: {  	s1 =	sadd.s32 s24, s20;
	s12 =	smov.u32 @p2 s2;
	s26 =	sshll.u32 s25, $0xA  }
0x291: {  	s10 =	smov.u32 @p1 s0;
	s0 =	ssub.s32 s11, s1;
	s28 =	sadd.s32 s26, s12  }
0x292: {  	s10 =	smov.u32 @p2 s0;
	v2 =	vmov s28  }
0x293: {  	[tilespmem:$0x19480] =	vst v2;
	v2 =	vmov s10  }
0x294: {  	s29 =	simm.s32 $0x19480;
	s30 =	simm.s32 $0x1;
	[tilespmem:$0x19490] =	vst v2  }
0x295: {  	[spmem:s9] =	stream.linear.scatter [tilespmem:s29], [sflag:$0x1], $0x80, $0x38;
	[tilespmem:$0x19988] =	vst v63  }
0x296: {  	_ =	swait.ge [sflag:s30], $0x80  }
0x297: {  	[sflag:s30] =	ssyncset.done $0x0  }
0x298: {  	v2 =	vimm.s32 $0x0;
	[sflag:s30] =	ssyncadd.s32 $0xFFFFFF80  }
0x299: {  	[tilespmem:$0x18080] =	vst v2  }
0x29a: {  	[tilespmem:$0x18090] =	vst v2  }
0x29b: {  	[tilespmem:$0x180A0] =	vst v2  }
0x29c: {  	[tilespmem:$0x180B0] =	vst v2  }
0x29d: {  	[tilespmem:$0x180C0] =	vst v2  }
0x29e: {  	[tilespmem:$0x180D0] =	vst v2  }
0x29f: {  	[tilespmem:$0x180E0] =	vst v2  }
0x2a0: {  	[tilespmem:$0x180F0] =	vst v2  }
0x2a1: {  	[tilespmem:$0x18100] =	vst v2  }
0x2a2: {  	[tilespmem:$0x18110] =	vst v2  }
0x2a3: {  	[tilespmem:$0x18120] =	vst v2  }
0x2a4: {  	[tilespmem:$0x18130] =	vst v2  }
0x2a5: {  	[tilespmem:$0x18140] =	vst v2  }
0x2a6: {  	[tilespmem:$0x18150] =	vst v2  }
0x2a7: {  	[tilespmem:$0x18160] =	vst v2  }
0x2a8: {  	[tilespmem:$0x18170] =	vst v2  }
0x2a9: {  	[tilespmem:$0x18180] =	vst v2  }
0x2aa: {  	[tilespmem:$0x18190] =	vst v2  }
0x2ab: {  	[tilespmem:$0x181A0] =	vst v2  }
0x2ac: {  	[tilespmem:$0x181B0] =	vst v2  }
0x2ad: {  	[tilespmem:$0x181C0] =	vst v2  }
0x2ae: {  	[tilespmem:$0x181D0] =	vst v2  }
0x2af: {  	[tilespmem:$0x181E0] =	vst v2  }
0x2b0: {  	[tilespmem:$0x181F0] =	vst v2  }
0x2b1: {  	[tilespmem:$0x18200] =	vst v2  }
0x2b2: {  	[tilespmem:$0x18210] =	vst v2  }
0x2b3: {  	[tilespmem:$0x18220] =	vst v2  }
0x2b4: {  	[tilespmem:$0x18230] =	vst v2  }
0x2b5: {  	[tilespmem:$0x18240] =	vst v2  }
0x2b6: {  	[tilespmem:$0x18250] =	vst v2  }
0x2b7: {  	[tilespmem:$0x18260] =	vst v2  }
0x2b8: {  	[tilespmem:$0x18270] =	vst v2  }
0x2b9: {  	[tilespmem:$0x18280] =	vst v2  }
0x2ba: {  	[tilespmem:$0x18290] =	vst v2  }
0x2bb: {  	[tilespmem:$0x182A0] =	vst v2  }
0x2bc: {  	[tilespmem:$0x182B0] =	vst v2  }
0x2bd: {  	[tilespmem:$0x182C0] =	vst v2  }
0x2be: {  	[tilespmem:$0x182D0] =	vst v2  }
0x2bf: {  	[tilespmem:$0x182E0] =	vst v2  }
0x2c0: {  	[tilespmem:$0x182F0] =	vst v2  }
0x2c1: {  	[tilespmem:$0x18300] =	vst v2  }
0x2c2: {  	[tilespmem:$0x18310] =	vst v2  }
0x2c3: {  	[tilespmem:$0x18320] =	vst v2  }
0x2c4: {  	[tilespmem:$0x18330] =	vst v2  }
0x2c5: {  	[tilespmem:$0x18340] =	vst v2  }
0x2c6: {  	[tilespmem:$0x18350] =	vst v2  }
0x2c7: {  	[tilespmem:$0x18360] =	vst v2  }
0x2c8: {  	[tilespmem:$0x18370] =	vst v2  }
0x2c9: {  	[tilespmem:$0x18380] =	vst v2  }
0x2ca: {  	[tilespmem:$0x18390] =	vst v2  }
0x2cb: {  	[tilespmem:$0x183A0] =	vst v2  }
0x2cc: {  	[tilespmem:$0x183B0] =	vst v2  }
0x2cd: {  	[tilespmem:$0x183C0] =	vst v2  }
0x2ce: {  	[tilespmem:$0x183D0] =	vst v2  }
0x2cf: {  	[tilespmem:$0x183E0] =	vst v2  }
0x2d0: {  	[tilespmem:$0x183F0] =	vst v2  }
0x2d1: {  	[tilespmem:$0x18400] =	vst v2  }
0x2d2: {  	[tilespmem:$0x18410] =	vst v2  }
0x2d3: {  	[tilespmem:$0x18420] =	vst v2  }
0x2d4: {  	[tilespmem:$0x18430] =	vst v2  }
0x2d5: {  	[tilespmem:$0x18440] =	vst v2  }
0x2d6: {  	[tilespmem:$0x18450] =	vst v2  }
0x2d7: {  	[tilespmem:$0x18460] =	vst v2  }
0x2d8: {  	s31 =	simm.s32 $0x18080;
	[tilespmem:$0x18470] =	vst v2  }
0x2d9: {  	[spmem:s5] =	stream.linear.scatter [tilespmem:s31], [sflag:$0x1], $0x400, $0x38;
	[tilespmem:$0x19988] =	vst v63  }
0x2da: {  	_ =	swait.ge [sflag:s30], $0x400  }
0x2db: {  	[sflag:s30] =	ssyncset.done $0x0  }
0x2dc: {  	[sflag:s30] =	ssyncadd.s32 $0xFFFFFC00  }
.LBB2_28:
0x2dd: {  	[bflag:$0x0] =	sbarrier.arrive $0xFFFF;
	s0 =	simm.s32 $0x19480;
	s30 =	simm.s32 $0x1  }
0x2de: {  	[tilespmem:s0], [sflag:$0x1] =	stream.linear.gather [spmem:s9], $0x80, $0x38;
	[tilespmem:$0x19988] =	vst v63  }
0x2df: {  	s9 =	simm.s32 $0x0;
	_ =	swait.ge [sflag:s30], $0x80  }
0x2e0: {  	s1 =	sand.u32 $0xF000, s9;
	s2 =	sand.u32 $0xC00, s9;
	[sflag:s30] =	ssyncset.done $0x0  }
0x2e1: {  	s31 =	sand.u32 $0x380, s9;
	s1 =	sor.u32 s2, s1;
	[sflag:s30] =	ssyncadd.s32 $0xFFFFFF80  }
0x2e2: {  	s0 =	sor.u32 s31, s1;
	v4 =	vld [tilespmem:$0x19480]  }
0x2e3: {  	v24 =	vld [tilespmem:s0+$0x60]  }
0x2e4: {  	v3 =	vld [tilespmem:s0+$0x70]  }
0x2e5: {  	v25 =	vld [tilespmem:s0+$0x50]  }
0x2e6: {  	v9 =	vld [tilespmem:s0+$0x40]  }
0x2e7: {  	v12 =	vld [tilespmem:s0+$0x30]  }
0x2e8: {  	v2 =	vlaneseq.u32;
	v6 =	vimm.s32 $0x1;
	v14 =	vld [tilespmem:s0+$0x20]  }
0x2e9: {  	v5 =	vmul.u32 $0x401, v2;
	v2 =	vimm.f32 $0.0e+00;
	v17 =	vld [tilespmem:s0+$0x10];
	v11 =	vshrl.u32 v4, $0xA  }
0x2ea: {  	v20 =	vld [tilespmem:s0+$0x0];
	v7 =	vand.u32 $0x3FF, v24;
	v8 =	vand.u32 $0x3FF, v3;
	v10 =	vand.u32 $0x3FF, v25  }
0x2eb: {  	v26 =	vshrl.u32 v24, $0x14;
	v28 =	vshrl.u32 v3, $0x14;
	v16 =	vshrl.u32 v25, $0xA  }
0x2ec: {  	v15 =	vshrl.u32 v24, $0xA;
	v13 =	vshrl.u32 v3, $0xA;
	v18 =	vshrl.u32 v9, $0xA  }
0x2ed: {  	v27 =	vshrl.u32 v9, $0x14;
	v29 =	vshrl.u32 v25, $0x14;
	v21 =	vshrl.u32 v14, $0xA  }
0x2ee: {  	v19 =	vshrl.u32 v12, $0xA;
	v30 =	vshrl.u32 v12, $0x14;
	v22 =	vshrl.u32 v17, $0xA  }
0x2ef: {  	v31 =	vshrl.u32 v17, $0x14;
	v32 =	vshrl.u32 v14, $0x14;
	v23 =	vshrl.u32 v20, $0xA  }
0x2f0: {  	v33 =	vshrl.u32 v20, $0x14;
	v7 =	vadd.s32 v5, v7;
	vm0 =	vgt.s32 v13, v4  }
0x2f1: {  	vm3 =	vgt.s32 v18, v4;
	vm2 =	vgt.s32 v16, v4;
	vm1 =	vgt.s32 v15, v4  }
0x2f2: {  	vm4 =	vgt.s32 v23, v4;
	vm5 =	veq.s32 v33, v11;
	vm6 =	vgt.s32 v19, v4  }
0x2f3: {  	vm11 =	vgt.s32 v22, v4;
	vm7 =	vgt.s32 v21, v4;
	vm4 =	vmand vm4, vm5  }
0x2f4: {  	vm12 =	veq.s32 v31, v11;
	v49 =	vnsel vm4, $0x0, v20;
	v34 =	vsel vm4, $0x3F800000, v2  }
0x2f5: {  	vm4 =	vmand vm11, vm12;
	v50 =	vadd.f32 v49, v2;
	v51 =	vadd.f32 v34, v2  }
0x2f6: {  	vm13 =	veq.s32 v32, v11;
	v52 =	vnsel vm4, $0x0, v17;
	v35 =	vsel vm4, $0x3F800000, v2  }
0x2f7: {  	vm4 =	vmand vm7, vm13;
	v31 =	vadd.f32 v52, v50;
	v53 =	vadd.f32 v35, v51  }
0x2f8: {  	vm14 =	veq.s32 v30, v11;
	v54 =	vnsel vm4, $0x0, v14;
	v55 =	vsel vm4, $0x3F800000, v2  }
0x2f9: {  	vm4 =	vmand vm6, vm14;
	v56 =	vadd.f32 v54, v31;
	v57 =	vadd.f32 v55, v53  }
0x2fa: {  	vm15 =	veq.s32 v27, v11;
	v58 =	vnsel vm4, $0x0, v12;
	v59 =	vsel vm4, $0x3F800000, v2  }
0x2fb: {  	vm3 =	vmand vm3, vm15;
	v27 =	vadd.f32 v58, v56;
	v60 =	vadd.f32 v59, v57  }
0x2fc: {  	v61 =	vnsel vm3, $0x0, v9;
	v62 =	vsel vm3, $0x3F800000, v2;
	vm3 =	veq.s32 v29, v11  }
0x2fd: {  	vm2 =	vmand vm2, vm3;
	v27 =	vadd.f32 v61, v27;
	v29 =	vadd.f32 v62, v60  }
0x2fe: {  	v25 =	vnsel vm2, $0x0, v25;
	v63 =	vsel vm2, $0x3F800000, v2;
	vm2 =	veq.s32 v26, v11  }
0x2ff: {  	s10 =	simm.s32 $0x10000;
	vm1 =	vmand vm1, vm2;
	v26 =	vadd.f32 v25, v27;
	v25 =	vadd.f32 v63, v29  }
0x300: {  	s11 =	simm.s32 $0x0;
	s12 =	simm.s32 $0x400;
	s13 =	simm.s32 $0x80;
	v27 =	vnsel vm1, $0x0, v24;
	v24 =	vsel vm1, $0x3F800000, v2;
	vm1 =	veq.s32 v28, v11  }
.LBB2_29:
0x301: {  	s0 =	sand.u32 $0xF000, s13;
	s1 =	sand.u32 $0xC00, s12;
	v26 =	vadd.f32 v27, v26;
	v24 =	vadd.f32 v24, v25;
	vm0 =	vmand vm0, vm1;
	s9 =	sadd.s32 $0x20, s9  }
0x302: {  	v20 =	vand.u32 $0x3FF, v20;
	s2 =	sand.u32 $0x380, s9;
	s0 =	sor.u32 s1, s0;
	v3 =	vnsel vm0, $0x0, v3;
	v25 =	vsel vm0, $0x3F800000, v2  }
0x303: {  	v17 =	vand.u32 $0x3FF, v17;
	s0 =	sor.u32 s2, s0;
	v26 =	vadd.f32 v3, v26;
	v25 =	vadd.f32 v25, v24  }
0x304: {  	v14 =	vand.u32 $0x3FF, v14;
	v27 =	vand.u32 $0x3FF, v12;
	v28 =	vand.u32 $0x3FF, v9;
	v24 =	vld [tilespmem:s0+$0x60]  }
0x305: {  	vm7 =	veq.s32 v23, v4;
	vm6 =	veq.s32 v22, v4;
	vm5 =	veq.s32 v21, v4;
	v3 =	vld [tilespmem:s0+$0x70]  }
0x306: {  	vm4 =	veq.s32 v18, v4;
	vm3 =	veq.s32 v16, v4;
	vm0 =	veq.s32 v19, v4;
	v29 =	vld [tilespmem:s0+$0x50]  }
0x307: {  	vm2 =	veq.s32 v15, v4;
	vm1 =	veq.s32 v13, v4;
	v18 =	vadd.s32 v5, v20;
	v9 =	vld [tilespmem:s0+$0x40]  }
0x308: {  	v19 =	vadd.s32 v5, v17;
	v22 =	vadd.s32 v5, v14;
	v23 =	vadd.s32 v5, v27;
	v12 =	vld [tilespmem:s0+$0x30]  }
0x309: {  	s11 =	sadd.s32 $0x8, s11;
	v27 =	vadd.s32 v5, v28;
	v28 =	vadd.s32 v5, v10;
	v14 =	vld [tilespmem:s0+$0x20];
	v13 =	vand.u32 $0x3FF, v24  }
0x30a: {  	v31 =	vadd.s32 v5, v8;
	p1 =	slt.u32 s11, $0xFF8;
	v17 =	vld [tilespmem:s0+$0x10];
	v30 =	vadd.s32 v5, v13;
	v8 =	vand.u32 $0x3FF, v3  }
0x30b: {  	v32 =	vshrl.u32 v24, $0x14;
	v33 =	vshrl.u32 v3, $0x14;
	v20 =	vld [tilespmem:s0+$0x0];
	v10 =	vand.u32 $0x3FF, v29  }
0x30c: {  	v15 =	vshrl.u32 v24, $0xA;
	v13 =	vshrl.u32 v3, $0xA;
	v16 =	vshrl.u32 v29, $0xA;
	[tilespmem:v18+s10+$0x0] =	vst.idx.add.s32.msk vm7, v6  }
0x30d: {  	v35 =	vshrl.u32 v29, $0x14;
	v18 =	vshrl.u32 v9, $0xA;
	v34 =	vshrl.u32 v9, $0x14;
	[tilespmem:v19+s10+$0x0] =	vst.idx.add.s32.msk vm6, v6  }
0x30e: {  	v19 =	vshrl.u32 v12, $0xA;
	v36 =	vshrl.u32 v12, $0x14;
	v21 =	vshrl.u32 v14, $0xA;
	[tilespmem:v22+s10+$0x0] =	vst.idx.add.s32.msk vm5, v6  }
0x30f: {  	v38 =	vshrl.u32 v14, $0x14;
	v22 =	vshrl.u32 v17, $0xA;
	v37 =	vshrl.u32 v17, $0x14;
	[tilespmem:v23+s10+$0x0] =	vst.idx.add.s32.msk vm0, v6  }
0x310: {  	vm0 =	vgt.s32 v13, v4;
	v23 =	vshrl.u32 v20, $0xA;
	v39 =	vshrl.u32 v20, $0x14;
	[tilespmem:v27+s10+$0x0] =	vst.idx.add.s32.msk vm4, v6  }
0x311: {  	vm6 =	vgt.s32 v18, v4;
	vm5 =	vgt.s32 v16, v4;
	vm4 =	vgt.s32 v15, v4  }
0x312: {  	vm9 =	vgt.s32 v19, v4;
	vm7 =	vgt.s32 v23, v4;
	vm8 =	veq.s32 v39, v11  }
0x313: {  	vm10 =	vgt.s32 v21, v4;
	vm7 =	vmand vm7, vm8;
	vm8 =	vgt.s32 v22, v4;
	[tilespmem:v28+s10+$0x0] =	vst.idx.add.s32.msk vm3, v6  }
0x314: {  	v27 =	vnsel vm7, $0x0, v20;
	v28 =	vsel vm7, $0x3F800000, v2;
	vm3 =	veq.s32 v37, v11;
	[tilespmem:v7+s10+$0x0] =	vst.idx.add.s32.msk vm2, v6;
	v7 =	vmovc v30  }
0x315: {  	v26 =	vadd.f32 v27, v26;
	v25 =	vadd.f32 v28, v25;
	vm2 =	vmand vm8, vm3;
	[tilespmem:v31+s10+$0x0] =	vst.idx.add.s32.msk vm1, v6  }
0x316: {  	v27 =	vnsel vm2, $0x0, v17;
	v28 =	vsel vm2, $0x3F800000, v2;
	vm1 =	veq.s32 v38, v11  }
0x317: {  	v26 =	vadd.f32 v27, v26;
	v25 =	vadd.f32 v28, v25;
	vm1 =	vmand vm10, vm1  }
0x318: {  	v27 =	vnsel vm1, $0x0, v14;
	v28 =	vsel vm1, $0x3F800000, v2;
	vm1 =	veq.s32 v36, v11  }
0x319: {  	v26 =	vadd.f32 v27, v26;
	v25 =	vadd.f32 v28, v25;
	vm1 =	vmand vm9, vm1  }
0x31a: {  	v27 =	vnsel vm1, $0x0, v12;
	v28 =	vsel vm1, $0x3F800000, v2;
	vm1 =	veq.s32 v34, v11  }
0x31b: {  	v26 =	vadd.f32 v27, v26;
	v25 =	vadd.f32 v28, v25;
	vm1 =	vmand vm6, vm1  }
.Ltmp14:
0x31c: {  	v27 =	vnsel vm1, $0x0, v9;
	v28 =	vsel vm1, $0x3F800000, v2;
	vm1 =	veq.s32 v35, v11;
	(pc) =	sbr.rel @p1 .LBB2_29-.Ltmp14, $4  }
0x31d: {  	v26 =	vadd.f32 v27, v26;
	v25 =	vadd.f32 v28, v25;
	vm1 =	vmand vm5, vm1  }
0x31e: {  	v27 =	vnsel vm1, $0x0, v29;
	v28 =	vsel vm1, $0x3F800000, v2;
	vm1 =	veq.s32 v32, v11  }
0x31f: {  	v26 =	vadd.f32 v27, v26;
	v25 =	vadd.f32 v28, v25;
	vm1 =	vmand vm4, vm1  }
0x320: {  	s12 =	sadd.s32 $0x400, s12;
	s13 =	sadd.s32 $0x80, s13;
	v27 =	vnsel vm1, $0x0, v24;
	v24 =	vsel vm1, $0x3F800000, v2;
	vm1 =	veq.s32 v33, v11  }
0x321: {  	v11 =	vand.u32 $0x3FF, v20;
	vm2 =	veq.s32 v23, v4  }
0x322: {  	v17 =	vand.u32 $0x3FF, v17;
	vm3 =	veq.s32 v22, v4;
	v11 =	vadd.s32 v5, v11  }
0x323: {  	v14 =	vand.u32 $0x3FF, v14;
	vm4 =	veq.s32 v21, v4;
	v17 =	vadd.s32 v5, v17  }
0x324: {  	v12 =	vand.u32 $0x3FF, v12;
	vm5 =	veq.s32 v19, v4;
	v14 =	vadd.s32 v5, v14  }
0x325: {  	v9 =	vand.u32 $0x3FF, v9;
	vm6 =	veq.s32 v18, v4;
	v12 =	vadd.s32 v5, v12  }
0x326: {  	vm7 =	veq.s32 v16, v4;
	v9 =	vadd.s32 v5, v9  }
0x327: {  	vm14 =	veq.s32 v15, v4;
	v10 =	vadd.s32 v5, v10;
	[tilespmem:v11+s10+$0x0] =	vst.idx.add.s32.msk vm2, v6  }
0x328: {  	vm15 =	veq.s32 v13, v4;
	[tilespmem:v17+s10+$0x0] =	vst.idx.add.s32.msk vm3, v6  }
0x329: {  	v4 =	vadd.s32 v5, v8;
	[tilespmem:v14+s10+$0x0] =	vst.idx.add.s32.msk vm4, v6  }
0x32a: {  	[tilespmem:v12+s10+$0x0] =	vst.idx.add.s32.msk vm5, v6  }
0x32b: {  	[tilespmem:v9+s10+$0x0] =	vst.idx.add.s32.msk vm6, v6  }
0x32c: {  	[tilespmem:v10+s10+$0x0] =	vst.idx.add.s32.msk vm7, v6  }
0x32d: {  	[tilespmem:v7+s10+$0x0] =	vst.idx.add.s32.msk vm14, v6  }
0x32e: {  	s9 =	simm.s32 $0x0;
	[tilespmem:v4+s10+$0x0] =	vst.idx.add.s32.msk vm15, v6  }
0x32f: {  	v4 =	vld [tilespmem:s9+$0x10000]  }
0x330: {  	v5 =	vld [tilespmem:s9+$0x10401]  }
0x331: {  	v6 =	vld [tilespmem:s9+$0x10802]  }
0x332: {  	v7 =	vld [tilespmem:s9+$0x10C03]  }
0x333: {  	v8 =	vld [tilespmem:s9+$0x11004]  }
0x334: {  	v9 =	vld [tilespmem:s9+$0x11405]  }
0x335: {  	v4 =	vadd.s32 v4, v5;
	v5 =	vld [tilespmem:s9+$0x11806]  }
0x336: {  	v4 =	vadd.s32 v6, v4;
	v6 =	vld [tilespmem:s9+$0x11C07]  }
0x337: {  	v4 =	vadd.s32 v7, v4;
	v7 =	vld [tilespmem:s9+$0x12008]  }
0x338: {  	v4 =	vadd.s32 v8, v4;
	v8 =	vld [tilespmem:s9+$0x12409]  }
0x339: {  	v4 =	vadd.s32 v9, v4;
	v9 =	vld [tilespmem:s9+$0x1280A]  }
0x33a: {  	v10 =	vld [tilespmem:s9+$0x12C0B];
	v4 =	vadd.s32 v5, v4  }
0x33b: {  	v5 =	vadd.s32 v6, v4;
	v4 =	vld [tilespmem:s9+$0x1300C]  }
0x33c: {  	vm0 =	vmand vm0, vm1;
	v6 =	vadd.s32 v7, v5;
	v5 =	vld [tilespmem:s9+$0x1340D]  }
0x33d: {  	v11 =	vadd.f32 v27, v26;
	v7 =	vadd.f32 v24, v25;
	v8 =	vadd.s32 v8, v6;
	v6 =	vld [tilespmem:s9+$0x1380E]  }
0x33e: {  	s0 =	simm.s32 $0x10;
	v3 =	vnsel vm0, $0x0, v3;
	v2 =	vsel vm0, $0x3F800000, v2;
	v9 =	vadd.s32 v9, v8;
	v8 =	vld [tilespmem:s9+$0x13C0F]  }
0x33f: {  	s1 =	simm.s32 $0x80;
	v3 =	vadd.f32 v3, v11;
	v2 =	vadd.f32 v2, v7;
	v7 =	vld [tilespmem:s0+$0x10000];
	v9 =	vadd.s32 v10, v9  }
.LBB2_31:
0x340: {  	p1 =	sne.s32 s1, $0xFC0;
	v10 =	vld [tilespmem:s0+$0x10401];
	v4 =	vadd.s32 v4, v9  }
0x341: {  	v9 =	vld [tilespmem:s0+$0x10802];
	v4 =	vadd.s32 v5, v4  }
0x342: {  	v5 =	vld [tilespmem:s0+$0x10C03];
	v4 =	vadd.s32 v6, v4  }
0x343: {  	v6 =	vld [tilespmem:s0+$0x11004];
	v4 =	vadd.s32 v8, v4  }
0x344: {  	v8 =	vld [tilespmem:s0+$0x11405];
	[tilespmem:s9+$0x18080] =	vst v4;
	s9 =	smov.u32 s0  }
0x345: {  	v4 =	vadd.s32 v7, v10;
	v7 =	vld [tilespmem:s9+$0x11806]  }
0x346: {  	v4 =	vadd.s32 v9, v4;
	v9 =	vld [tilespmem:s9+$0x11C07]  }
0x347: {  	v4 =	vadd.s32 v5, v4;
	v5 =	vld [tilespmem:s9+$0x12008]  }
0x348: {  	v4 =	vadd.s32 v6, v4;
	v6 =	vld [tilespmem:s9+$0x12409]  }
0x349: {  	v4 =	vadd.s32 v8, v4;
	v8 =	vld [tilespmem:s9+$0x1280A]  }
0x34a: {  	v4 =	vadd.s32 v7, v4;
	v10 =	vld [tilespmem:s9+$0x12C0B]  }
.Ltmp15:
0x34b: {  	v7 =	vadd.s32 v9, v4;
	v4 =	vld [tilespmem:s9+$0x1300C];
	(pc) =	sbr.rel @p1 .LBB2_31-.Ltmp15, $4  }
0x34c: {  	v7 =	vadd.s32 v5, v7;
	v5 =	vld [tilespmem:s9+$0x1340D]  }
0x34d: {  	v7 =	vadd.s32 v6, v7;
	v6 =	vld [tilespmem:s9+$0x1380E]  }
0x34e: {  	s0 =	sshra.s32 s1, $0x2;
	v9 =	vadd.s32 v8, v7;
	v8 =	vld [tilespmem:s9+$0x13C0F]  }
0x34f: {  	s1 =	sadd.s32 $0x40, s1;
	v7 =	vld [tilespmem:s0+$0x10000];
	v9 =	vadd.s32 v10, v9  }
0x350: {  	v10 =	vld [tilespmem:s0+$0x10401];
	v4 =	vadd.s32 v4, v9  }
0x351: {  	v47 =	vld [tilespmem:s0+$0x10802];
	v4 =	vadd.s32 v5, v4  }
0x352: {  	v48 =	vld [tilespmem:s0+$0x10C03];
	v4 =	vadd.s32 v6, v4  }
0x353: {  	v49 =	vld [tilespmem:s0+$0x11004];
	v4 =	vadd.s32 v8, v4  }
0x354: {  	v50 =	vld [tilespmem:s0+$0x11405];
	[tilespmem:s9+$0x18080] =	vst v4  }
0x355: {  	v51 =	vadd.s32 v7, v10;
	v52 =	vld [tilespmem:s0+$0x11806]  }
0x356: {  	v53 =	vld [tilespmem:s0+$0x11C07];
	v4 =	vadd.s32 v47, v51  }
0x357: {  	v54 =	vld [tilespmem:s0+$0x12008];
	v4 =	vadd.s32 v48, v4  }
0x358: {  	v55 =	vld [tilespmem:s0+$0x12409];
	v4 =	vadd.s32 v49, v4  }
0x359: {  	v56 =	vld [tilespmem:s0+$0x1280A];
	v4 =	vadd.s32 v50, v4  }
0x35a: {  	v57 =	vld [tilespmem:s0+$0x12C0B];
	v4 =	vadd.s32 v52, v4  }
0x35b: {  	v58 =	vld [tilespmem:s0+$0x1300C];
	v4 =	vadd.s32 v53, v4  }
0x35c: {  	v59 =	vld [tilespmem:s0+$0x1340D];
	v4 =	vadd.s32 v54, v4  }
0x35d: {  	v60 =	vld [tilespmem:s0+$0x1380E];
	v4 =	vadd.s32 v55, v4  }
0x35e: {  	v61 =	vld [tilespmem:s0+$0x13C0F];
	v4 =	vadd.s32 v56, v4  }
0x35f: {  	v4 =	vadd.s32 v57, v4  }
0x360: {  	v4 =	vadd.s32 v58, v4  }
0x361: {  	v4 =	vadd.s32 v59, v4  }
0x362: {  	v4 =	vadd.s32 v60, v4  }
0x363: {  	s30 =	simm.s32 $0x400;
	v4 =	vadd.s32 v61, v4  }
0x364: {  	s2 =	simm.s32 $0x19080;
	s1 =	simm.s32 $0x18080;
	[tilespmem:s0+$0x18080] =	vst v4;
	s0 =	simm.s32 $0x1  }
0x365: {  	v1 =	vadd.f32 v3, v1;
	[spmem:s5] =	stream.indirect.scatter.add.s32 [tilespmem:s1], [sflag:$0x1], $0x1, s2, s30, $0xb8;
	[tilespmem:$0x19988] =	vst v63  }
0x366: {  	_ =	swait.ge [sflag:s0], $0x400  }
0x367: {  	(xrf2) =	vadd.scan.msk.f32 $0xffff, v1;
	_ =	sdelay $0x9  }
0x368: {  	v1, _, _ =	vpop (xrf2)  }
0x369: {  	[sflag:s0] =	ssyncset.done $0x0;
	v1 =	vbroadcast v1, $0xF  }
0x36a: {  	[sflag:s0] =	ssyncadd.s32 $0xFFFFFC00  }
0x36b: {  	s31 =	simm.s32 $0x19780;
	[tilespmem:$0x19780] =	vst v1  }
0x36c: {  	v0 =	vadd.f32 v2, v0;
	v62 =	vld [tilespmem:$0x19800];
	[spmem:s8] =	stream.linear.scatter [tilespmem:s31], [sflag:$0x1], $0x10, $0x38  }
0x36d: {  	_ =	swait.ge [sflag:s0], $0x10  }
0x36e: {  	(xrf2) =	vadd.scan.msk.f32 $0xffff, v0;
	_ =	sdelay $0x9  }
0x36f: {  	v0, _, _ =	vpop (xrf2)  }
0x370: {  	[sflag:s0] =	ssyncset.done $0x0;
	v0 =	vbroadcast v0, $0xF  }
0x371: {  	[sflag:s0] =	ssyncadd.s32 $0xFFFFFFF0  }
0x372: {  	[tilespmem:$0x19780] =	vst v0  }
0x373: {  	[spmem:s7] =	stream.linear.scatter [tilespmem:s31], [sflag:$0x1], $0x10, $0x38;
	[tilespmem:$0x19988] =	vst v63  }
0x374: {  	_ =	swait.ge [sflag:s0], $0x10  }
0x375: {  	(xrf2) =	vadd.scan.msk.f32 $0xffff, v62;
	_ =	sdelay $0x9  }
0x376: {  	v63, _, _ =	vpop (xrf2)  }
0x377: {  	[sflag:s0] =	ssyncset.done $0x0;
	v0 =	vbroadcast v63, $0xF  }
0x378: {  	[sflag:s0] =	ssyncadd.s32 $0xFFFFFFF0  }
0x379: {  	[tilespmem:$0x19780] =	vst v0  }
0x37a: {  	[spmem:s6] =	stream.linear.scatter [tilespmem:s31], [sflag:$0x1], $0x10, $0x38;
	[tilespmem:$0x19988] =	vst v63  }
0x37b: {  	_ =	swait.ge [sflag:s0], $0x10  }
0x37c: {  	[sflag:s0] =	ssyncset.done $0x0  }
0x37d: {  	[sflag:s0] =	ssyncadd.s32 $0xFFFFFFF0  }
0x37e: {  	[bflag:$0x0] =	sbarrier.arrive $0xFFFF  }
0x37f: {  	_ =	sfence.sel @p0 $0x180000  }
0x380: {  	[bflag:$0x0] =	sbarrier.arrive @p0 $0xFFFF  }
0x381: {  	_ =	strace @p0 $0x90000047  }
0x382: {  	[bflag:$0x2] =	sbarrier.arrive @p0 $0xFFFF  }
0x383: {  	_ =	shalt @p0  }
.LBB2_33:
0x384: {  	[tilespmem:s1], [sflag:$0x1] =	stream.linear.gather [spmem:s5], $0x400, $0x38;
	[tilespmem:$0x19988] =	vst v63  }
0x385: {  	_ =	swait.ge [sflag:s0], $0x400  }
0x386: {  	[sflag:s0] =	ssyncset.done $0x0  }
0x387: {  	[sflag:s0] =	ssyncadd.s32 $0xFFFFFC00  }
0x388: {  	v0 =	vld [tilespmem:$0x19490]  }
0x389: {  	v1 =	vld [tilespmem:$0x19480];
	_ =	sdelay $0x3  }
0x38a: {  	v0 =	vxor.u32 $0x80000000, v0  }
0x38b: {  	(xrf0) =	vmax.scan.msk.u32 $0xffff, v0;
	v0 =	vxor.u32 $0x80000000, v1  }
0x38c: {  	(xrf0) =	vmax.scan.msk.u32 $0xffff, v0;
	_ =	sdelay $0x4  }
0x38d: {  	v0, _, _ =	vpop (xrf0)  }
0x38e: {  	(v2sf) =	vpush v0, $0xF;
	v0, _, _ =	vpop (xrf0)  }
0x38f: {  	(v2sf) =	vpush v0, $0xF  }
0x390: {  	s13 =	simm.s32 $0x18470  }
0x391: {  	v2 =	vld [tilespmem:s13+$0x0]  }
0x392: {  	v0 =	vlaneseq.u32  }
0x393: {  	v1 =	vmul.u32 $0xFFFFFFFF, v0;
	_ =	sdelay $0x1  }
0x394: {  	v3 =	vadd.s32 $0xF, v1  }
0x395: {  	v2 =	vperm.xlane v2, v3;
	_ =	sdelay $0x1  }
0x396: {  	(xrf0) =	vadd.scan.msk.s32 $0xffff, v2;
	_ =	sdelay $0x2  }
0x397: {  	s14 =	simm.s32 $0x18460  }
0x398: {  	v4 =	vld [tilespmem:s14+$0x0]  }
0x399: {  	s15 =	spop (v2sf)  }
0x39a: {  	v5, _, _ =	vpop (xrf0);
	s16 =	spop (v2sf)  }
0x39b: {  	v6 =	vxor.u32 $0x80000000, v5;
	s16 =	sshllo.u32 s16, $0xA  }
0x39c: {  	v2 =	vcvt.s32.f32 v2;
	(xrf0) =	vmax.scan.msk.u32 $0xffff, v6;
	s1 =	sadd.s32 $0x0, s16  }
0x39d: {  	v4 =	vperm.xlane v4, v3;
	v6 =	vadd.s32 s1, v1  }
0x39e: {  	v2 =	vmul.f32 v2, v6  }
0x39f: {  	(xrf0) =	vadd.scan.msk.s32 $0xffff, v4;
	_ =	sdelay $0x2  }
0x3a0: {  	(xrf2) =	vadd.scan.msk.f32 $0xffff, v2;
	v2, _, _ =	vpop (xrf0)  }
0x3a1: {  	s17 =	simm.s32 $0x18450;
	(v2sf) =	vpush v2, $0xF  }
0x3a2: {  	v6 =	vld [tilespmem:s17+$0x0]  }
0x3a3: {  	v7, _, _ =	vpop (xrf0)  }
0x3a4: {  	v2 =	vxor.u32 $0x80000000, v7  }
0x3a5: {  	(xrf0) =	vmax.scan.msk.u32 $0xffff, v2  }
0x3a6: {  	s5 =	simm.s32 $0x0;
	s0 =	sxor.u32 $0x80000000, s15  }
0x3a7: {  	v8 =	vadd.s32 s5, v5;
	s18 =	sadd.s32 $0xFFFFFFF0, s16;
	v6 =	vperm.xlane v6, v3;
	v2 =	vmov s0  }
0x3a8: {  	v9 =	vadd.s32 s18, v1;
	vm0 =	vge.s32 v8, v2  }
0x3a9: {  	v4 =	vcvt.s32.f32 v4;
	(xrf0) =	vadd.scan.msk.s32 $0xffff, v6;
	v8 =	vmctz.xlane vm0  }
0x3aa: {  	v10, _, _ =	vpop (xrf2)  }
0x3ab: {  	v4 =	vmul.f32 v4, v9;
	vm0 =	vlt.s32 v8, $0xF;
	v9, _, _ =	vpop (xrf0)  }
0x3ac: {  	v11 =	vxor.u32 $0x80000000, v8;
	v8 =	vnsel vm0, $0xF, v8;
	(xrf0) =	vmax.scan.msk.f32 $0xffff, v10;
	(v2sf) =	vpush v9, $0xF  }
0x3ad: {  	(xrf2) =	vadd.scan.msk.f32 $0xffff, v4;
	vm0 =	veq.s32 v8, v0  }
0x3ae: {  	(xrf0) =	vmax.scan.msk.u32 $0xffff, v11;
	v4 =	vnsel vm0, $0x0, v10  }
0x3af: {  	v5 =	vnsel vm0, $0x0, v5;
	(xrf2) =	vadd.scan.msk.f32 $0xffff, v4;
	v8, _, _ =	vpop (xrf0)  }
0x3b0: {  	s19 =	simm.s32 $0x18440;
	(xrf0) =	vadd.scan.msk.s32 $0xffff, v5;
	v5 =	vxor.u32 $0x80000000, v8;
	s20 =	spop (v2sf)  }
0x3b1: {  	v4 =	vld [tilespmem:s19+$0x0];
	(xrf0) =	vmax.scan.msk.u32 $0xffff, v5;
	s0 =	sadd.s32 $0x0, s20  }
0x3b2: {  	s21 =	sadd.s32 $0xFFFFFFE0, s16;
	v5 =	vcvt.s32.f32 v6;
	v6, _, _ =	vpop (xrf0);
	s6 =	sadd.s32 $0x80000000, s0  }
0x3b3: {  	v9 =	vadd.s32 s21, v1;
	(v2sf) =	vpush v6, $0xF;
	v6 =	vadd.s32 s6, v7  }
0x3b4: {  	v5 =	vmul.f32 v5, v9  }
0x3b5: {  	v10, _, _ =	vpop (xrf0);
	vm14 =	vge.s32 v6, v2  }
0x3b6: {  	v4 =	vperm.xlane v4, v3;
	(xrf2) =	vadd.scan.msk.f32 $0xffff, v5;
	v5 =	vmctz.xlane vm14;
	v6, _, _ =	vpop (xrf0)  }
0x3b7: {  	(v2sf) =	vpush v10, $0xF;
	v9, _, _ =	vpop (xrf0)  }
0x3b8: {  	(xrf0) =	vadd.scan.msk.s32 $0xffff, v4;
	(v2sf) =	vpush v6, $0xF;
	v6, _, _ =	vpop (xrf2);
	vm0 =	vlt.s32 v5, $0xF  }
0x3b9: {  	(v2sf) =	vpush v9, $0xF;
	v9 =	vnsel vm0, $0xF, v5;
	v10, _, _ =	vpop (xrf2)  }
0x3ba: {  	s22 =	simm.s32 $0x18430;
	(xrf0) =	vmax.scan.msk.f32 $0xffff, v6;
	(v2sf) =	vpush v10, $0xF;
	v10 =	vcvt.s32.f32 v4;
	v4 =	vxor.u32 $0x80000000, v5  }
0x3bb: {  	s24 =	sadd.s32 $0xFFFFFFD0, s16;
	vm0 =	veq.s32 v9, v0;
	v9 =	vld [tilespmem:s22+$0x0];
	s23 =	spop (v2sf);
	(xrf0) =	vmax.scan.msk.u32 $0xffff, v4  }
0x3bc: {  	v5 =	vadd.s32 s24, v1;
	v6 =	vnsel vm0, $0x0, v6;
	s0 =	sadd.s32 s23, s6  }
0x3bd: {  	(xrf2) =	vadd.scan.msk.f32 $0xffff, v6;
	v6 =	vnsel vm0, $0x0, v7;
	s7 =	sadd.s32 $0x80000000, s0;
	v5 =	vmul.f32 v10, v5  }
0x3be: {  	v4, _, _ =	vpop (xrf0);
	(xrf0) =	vadd.scan.msk.s32 $0xffff, v6;
	v7 =	vadd.s32 s7, v8  }
0x3bf: {  	v6 =	vxor.u32 $0x80000000, v4;
	vm15 =	vge.s32 v7, v2;
	(xrf2) =	vadd.scan.msk.f32 $0xffff, v5  }
0x3c0: {  	(xrf0) =	vmax.scan.msk.u32 $0xffff, v6;
	v6 =	vperm.xlane v9, v3;
	v5 =	vmctz.xlane vm15;
	v9, _, _ =	vpop (xrf0)  }
0x3c1: {  	(v2sf) =	vpush v9, $0xF;
	v11, _, _ =	vpop (xrf0)  }
0x3c2: {  	v7, _, _ =	vpop (xrf2);
	(xrf0) =	vadd.scan.msk.s32 $0xffff, v6;
	v10 =	vxor.u32 $0x80000000, v5;
	(v2sf) =	vpush v11, $0xF  }
0x3c3: {  	vm0 =	vlt.s32 v5, $0xF;
	(xrf0) =	vmax.scan.msk.f32 $0xffff, v7  }
0x3c4: {  	s9 =	simm.s32 $0xFFFFFFFF;
	s8 =	simm.f32 $0.0e+00;
	s12 =	simm.s32 $0xFFFFFFD0;
	v5 =	vnsel vm0, $0xF, v5;
	(xrf0) =	vmax.scan.msk.u32 $0xffff, v10  }
0x3c5: {  	s11 =	simm.s32 $0xFFFFFFC0;
	p1 =	por $0x1, $0x1;
	s14 =	simm.s32 $0xFFFFFFE0;
	vm0 =	veq.s32 v5, v0;
	v10, _, _ =	vpop (xrf0)  }
0x3c6: {  	s15 =	simm.s32 $0xFFFFFFF0;
	s2 =	sadd.s32 $0xFFFFFFC0, s16;
	s25 =	spop (v2sf);
	v7 =	vnsel vm0, $0x0, v7;
	v9, _, _ =	vpop (xrf0)  }
0x3c7: {  	s18 =	simm.s32 $0x18420;
	s19 =	simm.s32 $0xFFFFFFB0;
	s26 =	spop (v2sf);
	(v2sf) =	vpush v10, $0xF;
	v10, _, _ =	vpop (xrf2)  }
0x3c8: {  	s20 =	simm.s32 $0xFFFFFFA0;
	s3 =	sxor.u32 $0x80000000, s26;
	s29 =	spop (v2sf);
	(v2sf) =	vpush v9, $0xF;
	v5, _, _ =	vpop (xrf0)  }
0x3c9: {  	s13 =	sadd.f32 s25, s8;
	v6 =	vcvt.s32.f32 v6;
	p0 =	slt.s32 s3, $0x10;
	v8 =	vnsel vm0, $0x0, v8;
	(xrf2) =	vadd.scan.msk.f32 $0xffff, v7;
	s30 =	spop (v2sf);
	(v2sf) =	vpush v10, $0xF;
	v7, _, _ =	vpop (xrf0)  }
0x3ca: {  	s28 =	ssub.s32 $0x0, s26;
	p0 =	por !p1, !p0;
	(xrf0) =	vadd.scan.msk.s32 $0xffff, v8;
	v8 =	vld [tilespmem:s18+$0x0];
	s31 =	spop (v2sf);
	v11, _, _ =	vpop (xrf0);
	(v2sf) =	vpush v7, $0xF  }
0x3cb: {  	s0 =	sadd.s32 $0x800003FF, s28;
	p0 =	por !p0, !p0;
	s3 =	sadd.s32 s30, s7;
	(v2sf) =	vpush v11, $0xF  }
0x3cc: {  	v9 =	vadd.s32 s2, v1;
	s1 =	sadd.s32 $0x0, s29;
	v10 =	vxor.u32 $0x80000000, v5;
	s10 =	sadd.s32 $0x80000000, s3;
	s21 =	sadd.f32 s31, s8  }
0x3cd: {  	s17 =	smov.u32 s13;
	s9 =	smov.u32 @p0 s0;
	v7 =	vmul.f32 v6, v9;
	(xrf0) =	vmax.scan.msk.u32 $0xffff, v10;
	s5 =	smov.u32 @p0 s1;
	v6, _, _ =	vpop (xrf2);
	v9 =	vadd.s32 s10, v4  }
.LBB2_34:
0x3ce: {  	p1 =	sne.s32 s20, $0xFFFFFC10;
	s8 =	smov.u32 @p0 s21  }
0x3cf: {  	v10 =	vperm.xlane v8, v3;
	vm0 =	vge.s32 v9, v2;
	s1 =	smov.u32 s20;
	s20 =	sadd.s32 $0xFFFFFFF0, s20;
	s0 =	smov.u32 s10  }
0x3d0: {  	(xrf2) =	vadd.scan.msk.f32 $0xffff, v7;
	v9 =	vmctz.xlane vm0;
	s2 =	spop (v2sf)  }
0x3d1: {  	s3 =	sadd.s32 s19, s16;
	v7 =	vcvt.s32.f32 v10;
	(xrf0) =	vadd.scan.msk.s32 $0xffff, v10;
	v8, _, _ =	vpop (xrf0);
	s13 =	sadd.f32 s2, s13;
	s2 =	spop (v2sf)  }
0x3d2: {  	v12 =	vadd.s32 s3, v1;
	v11 =	vxor.u32 $0x80000000, v9;
	vm0 =	vlt.s32 v9, $0xF;
	(xrf0) =	vmax.scan.msk.f32 $0xffff, v6;
	s3 =	sxor.u32 $0x80000000, s2;
	s2 =	ssub.s32 s15, s2;
	s15 =	smov.u32 s14  }
0x3d3: {  	p2 =	slt.s32 s9, $0x0;
	s14 =	smov.u32 s12;
	v7 =	vmul.f32 v7, v12;
	v10, _, _ =	vpop (xrf0);
	v9 =	vnsel vm0, $0xF, v9;
	(xrf0) =	vmax.scan.msk.u32 $0xffff, v11;
	(v2sf) =	vpush v8, $0xF;
	p0 =	slt.s32 s3, $0x10  }
0x3d4: {  	s12 =	smov.u32 s11;
	s11 =	smov.u32 s19;
	(v2sf) =	vpush v10, $0xF;
	vm0 =	veq.s32 v9, v0;
	v8, _, _ =	vpop (xrf2);
	p0 =	por !p2, !p0  }
0x3d5: {  	s18 =	sadd.s32 $0xFFFFFFF0, s18;
	s19 =	smov.u32 s1;
	v9 =	vnsel vm0, $0x0, v4;
	v6 =	vnsel vm0, $0x0, v6;
	(v2sf) =	vpush v8, $0xF;
	v4 =	vmovc v5  }
.Ltmp16:
0x3d6: {  	p0 =	por !p0, !p0;
	v8 =	vld [tilespmem:s18+$0x0];
	(xrf2) =	vadd.scan.msk.f32 $0xffff, v6;
	s1 =	spop (v2sf);
	(pc) =	sbr.rel @p1 .LBB2_34-.Ltmp16, $4  }
0x3d7: {  	s2 =	sadd.s32 $0x800003FF, s2;
	v5, _, _ =	vpop (xrf0);
	(xrf0) =	vadd.scan.msk.s32 $0xffff, v9;
	s3 =	spop (v2sf);
	s1 =	sadd.s32 s6, s1  }
0x3d8: {  	s9 =	smov.u32 @p0 s2;
	v11 =	vxor.u32 $0x80000000, v5;
	s3 =	sadd.s32 s3, s10;
	v9, _, _ =	vpop (xrf0);
	s2 =	spop (v2sf)  }
0x3d9: {  	s5 =	smov.u32 @p0 s1;
	(xrf0) =	vmax.scan.msk.u32 $0xffff, v11;
	s10 =	sadd.s32 $0x80000000, s3;
	v10, _, _ =	vpop (xrf0);
	(v2sf) =	vpush v9, $0xF;
	s21 =	sadd.f32 s2, s17  }
0x3da: {  	s6 =	smov.u32 s7;
	s7 =	smov.u32 s0;
	s17 =	smov.u32 s13;
	v9 =	vadd.s32 s10, v4;
	v6, _, _ =	vpop (xrf2);
	(v2sf) =	vpush v10, $0xF  }
0x3db: {  	_ =	sdelay $0x2  }
0x3dc: {  	v10, _, _ =	vpop (xrf0)  }
0x3dd: {  	(v2sf) =	vpush v10, $0xF;
	v41, _, _ =	vpop (xrf0)  }
0x3de: {  	(v2sf) =	vpush v41, $0xF;
	_ =	sdelay $0x5  }
0x3df: {  	vm0 =	vge.s32 v9, v2  }
0x3e0: {  	s0 =	spop (v2sf);
	v9 =	vmctz.xlane vm0  }
0x3e1: {  	v3 =	vperm.xlane v8, v3;
	s30 =	spop (v2sf)  }
0x3e2: {  	vm0 =	vlt.s32 v9, $0xF;
	s28 =	spop (v2sf)  }
0x3e3: {  	(xrf2) =	vadd.scan.msk.f32 $0xffff, v7;
	s29 =	sadd.s32 s19, s16;
	v43 =	vcvt.s32.f32 v3;
	v42 =	vnsel vm0, $0xF, v9;
	s1 =	spop (v2sf)  }
0x3e4: {  	v1 =	vadd.s32 s29, v1;
	(xrf0) =	vadd.scan.msk.s32 $0xffff, v3;
	vm0 =	veq.s32 v42, v0;
	[dreg:$0xa] =	wrdreg s28;
	s28 =	spop (v2sf)  }
0x3e5: {  	v1 =	vmul.f32 v43, v1;
	v44 =	vnsel vm0, $0x0, v6;
	s31 =	sadd.s32 s1, s10;
	s2 =	spop (v2sf)  }
0x3e6: {  	(xrf2) =	vadd.scan.msk.f32 $0xffff, v44;
	s23 =	sadd.s32 $0x80000000, s31;
	s31 =	spop (v2sf)  }
0x3e7: {  	(xrf2) =	vadd.scan.msk.f32 $0xffff, v1;
	v45 =	vadd.s32 s23, v5;
	s3 =	spop (v2sf)  }
0x3e8: {  	vm1 =	vge.s32 v45, v2;
	s16 =	spop (v2sf)  }
0x3e9: {  	[dreg:$0xc] =	wrdreg s0;
	(xrf0) =	vmax.scan.msk.f32 $0xffff, v6;
	v46 =	vmctz.xlane vm1;
	s0 =	sadd.s32 s16, s23  }
0x3ea: {  	v47, _, _ =	vpop (xrf0);
	s24 =	sadd.s32 $0x80000000, s0  }
0x3eb: {  	v48 =	vxor.u32 $0x80000000, v9;
	vm1 =	vlt.s32 v46, $0xF;
	v49 =	vadd.s32 s24, v47  }
0x3ec: {  	(xrf0) =	vmax.scan.msk.u32 $0xffff, v48;
	v50, _, _ =	vpop (xrf2);
	v4 =	vnsel vm0, $0x0, v4;
	v51 =	vnsel vm1, $0xF, v46;
	vm15 =	vge.s32 v49, v2  }
0x3ed: {  	(xrf0) =	vadd.scan.msk.s32 $0xffff, v4;
	v53 =	vxor.u32 $0x80000000, v47;
	v52, _, _ =	vpop (xrf2);
	vm1 =	veq.s32 v51, v0;
	v54 =	vmctz.xlane vm15  }
0x3ee: {  	(xrf0) =	vmax.scan.msk.u32 $0xffff, v53;
	v55 =	vnsel vm1, $0x0, v52  }
0x3ef: {  	v58, _, _ =	vpop (xrf0);
	(xrf2) =	vadd.scan.msk.f32 $0xffff, v55;
	vm0 =	vlt.s32 v54, $0xF  }
0x3f0: {  	(xrf0) =	vmax.scan.msk.f32 $0xffff, v52;
	v1 =	vxor.u32 $0x80000000, v46;
	v56, _, _ =	vpop (xrf2);
	v57 =	vnsel vm0, $0xF, v54  }
0x3f1: {  	(v2sf) =	vpush v50, $0xF;
	(xrf0) =	vmax.scan.msk.u32 $0xffff, v1;
	v59 =	vnsel vm1, $0x0, v5;
	v60, _, _ =	vpop (xrf2);
	vm0 =	veq.s32 v57, v0  }
0x3f2: {  	v61, _, _ =	vpop (xrf0);
	(v2sf) =	vpush v58, $0xF;
	(xrf0) =	vadd.scan.msk.s32 $0xffff, v59;
	v62 =	vnsel vm0, $0x0, v60  }
0x3f3: {  	(v2sf) =	vpush v61, $0xF;
	v63, _, _ =	vpop (xrf0);
	(xrf2) =	vadd.scan.msk.f32 $0xffff, v62  }
0x3f4: {  	(v2sf) =	vpush v63, $0xF;
	v4, _, _ =	vpop (xrf0);
	(xrf0) =	vmax.scan.msk.f32 $0xffff, v60;
	v5 =	vxor.u32 $0x80000000, v54  }
0x3f5: {  	(v2sf) =	vpush v4, $0xF;
	(xrf0) =	vmax.scan.msk.u32 $0xffff, v5;
	v6 =	vnsel vm0, $0x0, v47  }
0x3f6: {  	v7, _, _ =	vpop (xrf0);
	(v2sf) =	vpush v56, $0xF;
	(xrf0) =	vadd.scan.msk.s32 $0xffff, v6  }
0x3f7: {  	(v2sf) =	vpush v7, $0xF;
	v8, _, _ =	vpop (xrf0)  }
0x3f8: {  	(v2sf) =	vpush v8, $0xF;
	v9, _, _ =	vpop (xrf0)  }
0x3f9: {  	(v2sf) =	vpush v9, $0xF;
	v10, _, _ =	vpop (xrf2)  }
0x3fa: {  	v11, _, _ =	vpop (xrf0);
	(v2sf) =	vpush v10, $0xF  }
0x3fb: {  	(v2sf) =	vpush v11, $0xF;
	v12, _, _ =	vpop (xrf0)  }
0x3fc: {  	(v2sf) =	vpush v12, $0xF;
	v13, _, _ =	vpop (xrf0)  }
0x3fd: {  	(v2sf) =	vpush v13, $0xF;
	v14, _, _ =	vpop (xrf2)  }
0x3fe: {  	s18 =	simm.s32 $0x19500;
	(v2sf) =	vpush v14, $0xF  }
0x3ff: {  	[tilespmem:s18], [sflag:$0x1] =	stream.linear.gather [spmem:s4], $0x100, $0x38;
	[tilespmem:$0x19988] =	vst v63  }
0x400: {  	[dreg:$0xd] =	wrdreg s2;
	s2 =	spop (v2sf)  }
0x401: {  	s18 =	spop (v2sf)  }
0x402: {  	s0 =	spop (v2sf)  }
0x403: {  	s19 =	spop (v2sf)  }
0x404: {  	s20 =	spop (v2sf)  }
0x405: {  	[dreg:$0xb] =	wrdreg s3;
	s3 =	spop (v2sf)  }
0x406: {  	s20 =	spop (v2sf)  }
0x407: {  	s1 =	spop (v2sf)  }
0x408: {  	s26 =	spop (v2sf)  }
0x409: {  	[dreg:$0xe] =	wrdreg s19;
	s19 =	spop (v2sf)  }
0x40a: {  	s22 =	spop (v2sf)  }
0x40b: {  	s16 =	spop (v2sf)  }
0x40c: {  	s29 =	spop (v2sf)  }
0x40d: {  	s4 =	simm.s32 $0x1;
	s22 =	spop (v2sf)  }
0x40e: {  	_ =	swait.ge [sflag:s4], $0x100  }
0x40f: {  	[sflag:s4] =	ssyncset.done $0x0  }
0x410: {  	[sflag:s4] =	ssyncadd.s32 $0xFFFFFF00  }
0x411: {  	v15 =	vld [tilespmem:$0x19500]  }
0x412: {  	v16 =	vld [tilespmem:$0x19510];
	_ =	sdelay $0x1  }
0x413: {  	v17 =	vld [tilespmem:$0x19520];
	_ =	sdelay $0x1  }
0x414: {  	v18 =	vld [tilespmem:$0x19530]  }
0x415: {  	v0 =	vadd.f32 v16, v15  }
0x416: {  	v19 =	vld [tilespmem:$0x19540]  }
0x417: {  	v0 =	vadd.f32 v17, v0  }
0x418: {  	v20 =	vld [tilespmem:$0x19550]  }
0x419: {  	v0 =	vadd.f32 v18, v0  }
0x41a: {  	v21 =	vld [tilespmem:$0x19560]  }
0x41b: {  	v0 =	vadd.f32 v19, v0  }
0x41c: {  	v22 =	vld [tilespmem:$0x19570]  }
0x41d: {  	v0 =	vadd.f32 v20, v0  }
0x41e: {  	s25 =	sxor.u32 $0x80000000, s30;
	v23 =	vld [tilespmem:$0x19580]  }
0x41f: {  	p2 =	slt.s32 s9, $0x0;
	p1 =	slt.s32 s25, $0x10;
	v0 =	vadd.f32 v21, v0  }
0x420: {  	s15 =	ssub.s32 s15, s30;
	p1 =	por !p2, !p1;
	v24 =	vld [tilespmem:$0x19590]  }
0x421: {  	s15 =	sadd.s32 $0x800003FF, s15;
	p1 =	por !p1, !p1;
	v0 =	vadd.f32 v22, v0  }
0x422: {  	s9 =	smov.u32 @p1 s15;
	s25 =	sxor.u32 $0x80000000, s31;
	v25 =	vld [tilespmem:$0x195A0]  }
0x423: {  	p3 =	slt.s32 s9, $0x0;
	s15 =	sadd.f32 s28, s17;
	p6 =	slt.s32 s25, $0x10;
	v0 =	vadd.f32 v23, v0  }
0x424: {  	s8 =	smov.u32 @p0 s21;
	s14 =	ssub.s32 s14, s31;
	p2 =	por !p3, !p6;
	v26 =	vld [tilespmem:$0x195B0]  }
0x425: {  	s8 =	smov.u32 @p1 s15;
	s14 =	sadd.s32 $0x800003FF, s14;
	p0 =	por !p2, !p2;
	v0 =	vadd.f32 v24, v0  }
0x426: {  	s9 =	smov.u32 @p0 s14;
	s28 =	sxor.u32 $0x80000000, s0;
	s30 =	rddreg [dreg:$0xc];
	v27 =	vld [tilespmem:$0x195C0]  }
0x427: {  	p4 =	slt.s32 s9, $0x0;
	p3 =	slt.s32 s28, $0x10;
	s13 =	sadd.f32 s30, s13;
	v0 =	vadd.f32 v25, v0  }
0x428: {  	s0 =	ssub.s32 s12, s0;
	p2 =	por !p4, !p3;
	s31 =	rddreg [dreg:$0xd];
	v28 =	vld [tilespmem:$0x195D0]  }
0x429: {  	s0 =	sadd.s32 $0x800003FF, s0;
	p2 =	por !p2, !p2;
	s2 =	sadd.f32 s2, s13;
	v0 =	vadd.f32 v26, v0  }
0x42a: {  	s9 =	smov.u32 @p2 s0;
	v29 =	vld [tilespmem:$0x195E0];
	s12 =	sadd.f32 s31, s13;
	s13 =	sxor.u32 $0x80000000, s1  }
0x42b: {  	p4 =	slt.s32 s9, $0x0;
	s14 =	ssub.s32 s11, s1;
	p5 =	slt.s32 s13, $0x10;
	v0 =	vadd.f32 v27, v0  }
0x42c: {  	s0 =	sadd.s32 $0x800003FF, s14;
	v30 =	vld [tilespmem:$0x195F0];
	s15 =	sadd.f32 s18, s12;
	p3 =	por !p4, !p5  }
0x42d: {  	s8 =	smov.u32 @p0 s2;
	s2 =	sadd.f32 s3, s12;
	p3 =	por !p3, !p3;
	v0 =	vadd.f32 v28, v0  }
0x42e: {  	s18 =	sxor.u32 $0x80000000, s16;
	s9 =	smov.u32 @p3 s0;
	s17 =	sadd.f32 s20, s15  }
0x42f: {  	p6 =	slt.s32 s18, $0x10;
	s1 =	sadd.f32 s19, s15;
	p5 =	slt.s32 s9, $0x0;
	v0 =	vadd.f32 v29, v0  }
0x430: {  	s8 =	smov.u32 @p2 s2;
	s0 =	sadd.f32 s22, s17;
	p4 =	por !p5, !p6  }
0x431: {  	s8 =	smov.u32 @p3 s1;
	p4 =	por !p4, !p4;
	v0 =	vadd.f32 v30, v0  }
0x432: {  	s8 =	smov.u32 @p4 s0  }
0x433: {  	v0 =	vadd.f32 s8, v0;
	_ =	sdelay $0x1  }
0x434: {  	s19 =	rddreg [dreg:$0x7];
	s20 =	simm.s32 $0x19500;
	[tilespmem:$0x19700] =	vst v0  }
0x435: {  	[tilespmem:s20], [sflag:$0x1] =	stream.linear.gather [spmem:s19], $0x100, $0x38;
	[tilespmem:$0x19988] =	vst v63  }
0x436: {  	_ =	swait.ge [sflag:s4], $0x100  }
0x437: {  	[sflag:s4] =	ssyncset.done $0x0  }
0x438: {  	[sflag:s4] =	ssyncadd.s32 $0xFFFFFF00  }
0x439: {  	v31 =	vld [tilespmem:$0x19500]  }
0x43a: {  	v32 =	vld [tilespmem:$0x19510];
	_ =	sdelay $0x1  }
0x43b: {  	v33 =	vld [tilespmem:$0x19520];
	_ =	sdelay $0x1  }
0x43c: {  	v34 =	vld [tilespmem:$0x19530]  }
0x43d: {  	v0 =	vadd.f32 v32, v31  }
0x43e: {  	v35 =	vld [tilespmem:$0x19540]  }
0x43f: {  	v0 =	vadd.f32 v33, v0  }
0x440: {  	v36 =	vld [tilespmem:$0x19550]  }
0x441: {  	v0 =	vadd.f32 v34, v0  }
0x442: {  	v37 =	vld [tilespmem:$0x19560]  }
0x443: {  	v0 =	vadd.f32 v35, v0  }
0x444: {  	v38 =	vld [tilespmem:$0x19570]  }
0x445: {  	v0 =	vadd.f32 v36, v0  }
0x446: {  	v39 =	vld [tilespmem:$0x19580]  }
0x447: {  	v0 =	vadd.f32 v37, v0  }
0x448: {  	v40 =	vld [tilespmem:$0x19590]  }
0x449: {  	v0 =	vadd.f32 v38, v0  }
0x44a: {  	v41 =	vld [tilespmem:$0x195A0]  }
0x44b: {  	v0 =	vadd.f32 v39, v0  }
0x44c: {  	v42 =	vld [tilespmem:$0x195B0]  }
0x44d: {  	v0 =	vadd.f32 v40, v0  }
0x44e: {  	v43 =	vld [tilespmem:$0x195C0]  }
0x44f: {  	v0 =	vadd.f32 v41, v0  }
0x450: {  	v44 =	vld [tilespmem:$0x195D0]  }
0x451: {  	v0 =	vadd.f32 v42, v0  }
0x452: {  	s21 =	rddreg [dreg:$0xa];
	v45 =	vld [tilespmem:$0x195E0]  }
0x453: {  	s22 =	rddreg [dreg:$0xb];
	s0 =	sadd.s32 s6, s21;
	v0 =	vadd.f32 v43, v0  }
0x454: {  	s25 =	rddreg [dreg:$0xe];
	s5 =	smov.u32 @p1 s0;
	s0 =	sadd.s32 s7, s22;
	v46 =	vld [tilespmem:$0x195F0]  }
0x455: {  	v47 =	vld [tilespmem:$0x194A0];
	s5 =	smov.u32 @p0 s0;
	s0 =	sadd.s32 s10, s25;
	v0 =	vadd.f32 v44, v0  }
0x456: {  	s5 =	smov.u32 @p2 s0;
	s0 =	sadd.s32 s23, s26  }
0x457: {  	s5 =	smov.u32 @p3 s0;
	s0 =	sadd.s32 s24, s29;
	v0 =	vadd.f32 v45, v0  }
0x458: {  	s5 =	smov.u32 @p4 s0  }
0x459: {  	s0 =	scvt.s32.f32 s5;
	v0 =	vadd.f32 v46, v0  }
0x45a: {  	v1 =	vcvt.s32.f32 v47  }
0x45b: {  	v0 =	vadd.f32 s0, v0  }
0x45c: {  	[tilespmem:$0x19720] =	vst v1  }
0x45d: {  	s26 =	rddreg [dreg:$0x8];
	[tilespmem:$0x19710] =	vst v0  }
0x45e: {  	[tilespmem:s20], [sflag:$0x1] =	stream.linear.gather [spmem:s26], $0x100, $0x38;
	[tilespmem:$0x19988] =	vst v63  }
0x45f: {  	_ =	swait.ge [sflag:s4], $0x100  }
0x460: {  	[sflag:s4] =	ssyncset.done $0x0  }
0x461: {  	[sflag:s4] =	ssyncadd.s32 $0xFFFFFF00  }
0x462: {  	v48 =	vld [tilespmem:$0x19500]  }
0x463: {  	v49 =	vld [tilespmem:$0x19510];
	_ =	sdelay $0x1  }
0x464: {  	v50 =	vld [tilespmem:$0x19520];
	_ =	sdelay $0x1  }
0x465: {  	v51 =	vld [tilespmem:$0x19530]  }
0x466: {  	v0 =	vadd.f32 v49, v48  }
0x467: {  	v52 =	vld [tilespmem:$0x19540]  }
0x468: {  	v0 =	vadd.f32 v50, v0  }
0x469: {  	v53 =	vld [tilespmem:$0x19550]  }
0x46a: {  	v0 =	vadd.f32 v51, v0  }
0x46b: {  	v54 =	vld [tilespmem:$0x19560]  }
0x46c: {  	v0 =	vadd.f32 v52, v0  }
0x46d: {  	v55 =	vld [tilespmem:$0x19570]  }
0x46e: {  	v0 =	vadd.f32 v53, v0  }
0x46f: {  	v56 =	vld [tilespmem:$0x19580]  }
0x470: {  	v0 =	vadd.f32 v54, v0  }
0x471: {  	v57 =	vld [tilespmem:$0x19590]  }
0x472: {  	v0 =	vadd.f32 v55, v0  }
0x473: {  	v58 =	vld [tilespmem:$0x195A0]  }
0x474: {  	v0 =	vadd.f32 v56, v0  }
0x475: {  	v59 =	vld [tilespmem:$0x195B0]  }
0x476: {  	v0 =	vadd.f32 v57, v0  }
0x477: {  	v60 =	vld [tilespmem:$0x195C0]  }
0x478: {  	v0 =	vadd.f32 v58, v0  }
0x479: {  	v61 =	vld [tilespmem:$0x195D0]  }
0x47a: {  	v0 =	vadd.f32 v59, v0  }
0x47b: {  	v62 =	vld [tilespmem:$0x195E0]  }
0x47c: {  	v0 =	vadd.f32 v60, v0  }
0x47d: {  	v63 =	vld [tilespmem:$0x195F0]  }
0x47e: {  	v0 =	vadd.f32 v61, v0;
	_ =	sdelay $0x1  }
0x47f: {  	v0 =	vadd.f32 v62, v0;
	_ =	sdelay $0x1  }
0x480: {  	v0 =	vadd.f32 v63, v0;
	_ =	sdelay $0x1  }
0x481: {  	s28 =	simm.s32 $0x0;
	s29 =	simm.s32 $0x19700;
	s30 =	rddreg [dreg:$0x1];
	[tilespmem:$0x19730] =	vst v0  }
0x482: {  	[hbm4b:s30+s28] =	stream.linear.scatter [tilespmem:s29], [sflag:$0x1], $0x80, $0x38;
	[tilespmem:$0x19988] =	vst v63  }
0x483: {  	_ =	swait.ge [sflag:s4], $0x80  }
0x484: {  	[sflag:s4] =	ssyncset.done $0x0  }
0x485: {  	[sflag:s4] =	ssyncadd.s32 $0xFFFFFF80  }
0x486: {  	_ =	sfence.sel $0x180000  }
0x487: {  	[bflag:$0x0] =	sbarrier.arrive $0xFFFF  }
0x488: {  	_ =	strace $0x90000047  }
0x489: {  	[bflag:$0x2] =	sbarrier.arrive $0xFFFF  }
0x48a: {  	s31 =	rddreg [dreg:$0x9]  }
0x48b: {  	s0 =	sadd.s32 $0x100000, s31  }
0x48c: {  	[sflag:s0] =	ssyncadd.tile.s32 $0x1;
	_ =	shalt  }
.Lfunc_end2:
_tile_overlayer_lowered:
.L_overlay_start_2:
0x48d: {  	(tag) =	ssettag $0x2  }
0x48e: {  	s0 =	rddreg [dreg:$0x0];
	s2 =	stileid.u32  }
0x48f: {  	s1 =	rddreg [dreg:$0x1];
	p0 =	sne.s32 s2, $0x0  }
0x490: {  	s3 =	rddreg [dreg:$0x2];
	[bflag:$0x3] =	sbarrier.arrive $0xFFFF;
	s2 =	simm.s32 @!p0 $0x1C01  }
0x491: {  	[timem:s3], [sflag:s2] =	dma.local @!p0 [hbm:s0], s1  }
0x492: {  	s0 =	simm.s32 @!p0 $0x1  }
0x493: {  	_ =	swait.ge @!p0 [sflag:s0], s1  }
0x494: {  	s1 =	ssub.s32 @!p0 $0x0, s1;
	[sflag:s0] =	ssyncset.done @!p0 $0x0  }
0x495: {  	[sflag:s0] =	ssyncadd.s32 @!p0 s1  }
0x496: {  	[bflag:$0x3] =	sbarrier.arrive $0xFFFF  }
0x497: {  	_ =	shalt  }

</sc_bundles>
